<compile_context>
chip_gen: v7x
topology: tpu7x:2x2x1
jax: 0.10.2.dev20260603
libtpu: 0.0.44.dev20260713+nightly
codegen_flags: <defaults>
</compile_context>

<pallas_src>
import functools

import jax
import jax.numpy as jnp
from jax import lax
from jax.experimental import pallas as pl
from jax.experimental.pallas import tpu as pltpu
from jax.experimental.pallas import tpu_sc as plsc

NC = 2
NS = 16
NW = NC * NS

G = 8
NBUF = 4
PADR = 56
PADD = 128


@functools.cache
def _build(V, D, B0, B1):
  assert B0 % NW == 0
  rows_per_w = B0 // NW
  assert rows_per_w % (G * NBUF) == 0
  n_groups = rows_per_w // G
  mesh = plsc.VectorSubcoreMesh(
      core_axis_name="c", subcore_axis_name="s", num_cores=NC, num_subcores=NS)

  @functools.partial(
      pl.kernel,
      out_type=jax.ShapeDtypeStruct((B0, PADR, PADD), jnp.float32),
      mesh=mesh,
      scratch_types=[
          pltpu.VMEM((rows_per_w, B1), jnp.int32),
          [pltpu.VMEM((G, B1, D), jnp.float32) for _ in range(NBUF)],
          [pltpu.SemaphoreType.DMA for _ in range(NBUF)],
          [pltpu.SemaphoreType.DMA for _ in range(NBUF)],
      ],
      compiler_params=pltpu.CompilerParams(use_tc_tiling_on_sc=False),
  )
  def gather_kernel(table_hbm, data_hbm, out_hbm, idx_v, rows, gsem, ssem):
    wid = lax.axis_index("s") * NC + lax.axis_index("c")
    row0 = wid * rows_per_w
    pltpu.sync_copy(data_hbm.at[pl.ds(row0, rows_per_w)], idx_v)

    def out_slice(g):
      return out_hbm.at[pl.ds(row0 + g * G, G), pl.ds(0, B1), pl.ds(0, D)]

    def fire_group(g, b):
      for k in range(G):
        pltpu.async_copy(
            table_hbm.at[idx_v.at[g * G + k]], rows[b].at[k], gsem[b])

    def drain_group(g, b):
      for k in range(G):
        pltpu.make_async_copy(
            table_hbm.at[idx_v.at[g * G + k]], rows[b].at[k], gsem[b]).wait()

    def store_group(g, b):
      pltpu.async_copy(rows[b], out_slice(g), ssem[b])

    def wait_store(g, b):
      pltpu.make_async_copy(rows[b], out_slice(g), ssem[b]).wait()

    for b in range(NBUF):
      fire_group(b, b)

    def step(p, carry):
      for b in range(NBUF):
        g = p * NBUF + b
        drain_group(g, b)
        store_group(g, b)

        @pl.when(g + NBUF < n_groups)
        def _():
          wait_store(g, b)
          fire_group(g + NBUF, b)

      return carry

    lax.fori_loop(0, n_groups // NBUF, step, 0)
    for b in range(NBUF):
      wait_store(n_groups - NBUF + b, b)

  return gather_kernel


def kernel(data, ivectors):
  B0, B1 = data.shape
  V, D = ivectors.shape
  tpad = jnp.pad(ivectors, ((0, 0), (0, PADD - D))).reshape(V * (PADD // D), D)
  data2 = data.astype(jnp.int32) * (PADD // D)
  out = _build(V, D, B0, B1)(tpad, data2)
  return out[:, :B1, :D]

# --- scband reference (transcript-rebuilt; emitter-appended) ---
"""Pipeline reference for scband-word2-vec-78314433675758 (READ-ONLY COPY).

The authoritative reference and input builder live on the scoring server;
editing this copy changes nothing except your own understanding.
"""

import jax, jax.numpy as jnp
import numpy as np

VOCAB = 1000000
DIM = 64

def setup_inputs(seed: int = 0) -> dict:
    key = jax.random.key(seed)
    k1, k2 = jax.random.split(key)
    data = jax.random.randint(k1, (16384, 50), 0, VOCAB, dtype=jnp.int64 if jax.config.jax_enable_x64 else jnp.int32)
    # ivectors: row 0 is zeros (padding_idx=0), rest uniform(-0.5/dim, 0.5/dim)
    body = jax.random.uniform(k2, (VOCAB - 1, DIM), minval=-0.5 / DIM, maxval=0.5 / DIM, dtype=jnp.float32)
    ivectors = jnp.concatenate([jnp.zeros((1, DIM), dtype=jnp.float32), body], axis=0)
    return {"data": data, "ivectors": ivectors}

def reference(data, ivectors):
    # Word2Vec.forward with is_input=True -> input_vectors: embedding lookup on ivectors
    vecs = jnp.take(ivectors, data, axis=0)
    return vecs

if __name__ == "__main__":
    import jax
    _d = setup_inputs()
    print(jax.jit(kernel)(*tuple(_d.values())))

</pallas_src>

<mosaic_0001>
#map = affine_map<(d0, d1) -> (0, 0)>
#map1 = affine_map<(d0, d1) -> (0, 0, 0)>
module attributes {stable_mosaic.version = 14 : i64} {
  func.func @gather_kernel(%arg0: i32, %arg1: i32, %arg2: memref<2000000x64xf32, #tpu.memory_space<hbm>>, %arg3: memref<16384x50xi32, #tpu.memory_space<hbm>>, %arg4: memref<16384x56x128xf32, #tpu.memory_space<hbm>>, %arg5: memref<512x50xi32, #tpu.memory_space<vmem>>, %arg6: memref<8x50x64xf32, #tpu.memory_space<vmem>>, %arg7: memref<8x50x64xf32, #tpu.memory_space<vmem>>, %arg8: memref<8x50x64xf32, #tpu.memory_space<vmem>>, %arg9: memref<8x50x64xf32, #tpu.memory_space<vmem>>, %arg10: memref<!tpu.dma_semaphore, #tpu.memory_space<semaphore_mem>>, %arg11: memref<!tpu.dma_semaphore, #tpu.memory_space<semaphore_mem>>, %arg12: memref<!tpu.dma_semaphore, #tpu.memory_space<semaphore_mem>>, %arg13: memref<!tpu.dma_semaphore, #tpu.memory_space<semaphore_mem>>, %arg14: memref<!tpu.dma_semaphore, #tpu.memory_space<semaphore_mem>>, %arg15: memref<!tpu.dma_semaphore, #tpu.memory_space<semaphore_mem>>, %arg16: memref<!tpu.dma_semaphore, #tpu.memory_space<semaphore_mem>>, %arg17: memref<!tpu.dma_semaphore, #tpu.memory_space<semaphore_mem>>) attributes {dimension_semantics = [#tpu.dimension_semantics<core_parallel>, #tpu.dimension_semantics<subcore_parallel>], iteration_bounds = array<i64: 2, 16>, scalar_prefetch = 0 : i64, scratch_operands = 13 : i64, tpu.core_type = #tpu.core_type<sc_vector_subcore>, window_params = [{transform_indices = #map}, {transform_indices = #map}, {transform_indices = #map1}]} {
    %mul3A = arith.constant 2 : i32
    %mul3A_0 = arith.muli %arg1, %mul3A : i32
    %add3A = arith.addi %mul3A_0, %arg0 : i32
    %mul3A_1 = arith.constant 512 : i32
    %mul3A_2 = arith.muli %add3A, %mul3A_1 : i32
    "tpu.region"() ({
      %run_scoped3A = tpu.sem_alloc : memref<!tpu.dma_semaphore, #tpu.memory_space<semaphore_mem>>
      %dma_start3A_422 = arith.constant 0 : i32
      %dma_start3A_423 = tpu.memref_slice %arg3[%mul3A_2, %dma_start3A_422] : memref<16384x50xi32, #tpu.memory_space<hbm>> -> memref<512x50xi32, #tpu.memory_space<hbm>>
      %dma_start3A_424 = arith.constant 0 : i32
      %dma_start3A_425 = tpu.memref_slice %arg3[%mul3A_2, %dma_start3A_424] : memref<16384x50xi32, #tpu.memory_space<hbm>> -> memref<512x50xi32, #tpu.memory_space<hbm>>
      tpu.enqueue_dma source(%dma_start3A_425 : memref<512x50xi32, #tpu.memory_space<hbm>>) target(%arg5 : memref<512x50xi32, #tpu.memory_space<vmem>>) target_semaphore(%run_scoped3A : memref<!tpu.dma_semaphore, #tpu.memory_space<semaphore_mem>>)
      %dma_wait3A_426 = arith.constant 0 : i32
      %dma_wait3A_427 = tpu.memref_slice %arg3[%mul3A_2, %dma_wait3A_426] : memref<16384x50xi32, #tpu.memory_space<hbm>> -> memref<512x50xi32, #tpu.memory_space<hbm>>
      %dma_wait3A_428 = arith.constant 0 : i32
      %dma_wait3A_429 = tpu.memref_slice %arg3[%mul3A_2, %dma_wait3A_428] : memref<16384x50xi32, #tpu.memory_space<hbm>> -> memref<512x50xi32, #tpu.memory_space<hbm>>
      tpu.wait_dma2 semaphore(%run_scoped3A : memref<!tpu.dma_semaphore, #tpu.memory_space<semaphore_mem>>) src(%dma_wait3A_429 : memref<512x50xi32, #tpu.memory_space<hbm>>) dst(%arg5 : memref<512x50xi32, #tpu.memory_space<vmem>>)
      tpu.yield
    }) : () -> ()
    %dma_start3A = arith.constant 0 : i32
    %dma_start3A_3 = arith.constant 0 : i32
    %dma_start3A_4 = arith.constant 0 : i32
    %dma_start3A_5 = arith.constant 0 : i32
    %dma_start3A_6 = tpu.memref_slice %arg6[%dma_start3A_3, %dma_start3A_4, %dma_start3A_5] : memref<8x50x64xf32, #tpu.memory_space<vmem>> -> memref<1x50x64xf32, #tpu.memory_space<vmem>>
    %dma_start3A_7 = tpu.memref_squeeze %dma_start3A_6 : memref<1x50x64xf32, #tpu.memory_space<vmem>> -> memref<50x64xf32, #tpu.memory_space<vmem>>
    %dma_start3A_8 = arith.constant 0 : i32
    %dma_start3A_9 = tpu.memref_slice %arg5[%dma_start3A, %dma_start3A_8] : memref<512x50xi32, #tpu.memory_space<vmem>> -> memref<1x50xi32, #tpu.memory_space<vmem>>
    %dma_start3A_10 = tpu.memref_squeeze %dma_start3A_9 : memref<1x50xi32, #tpu.memory_space<vmem>> -> memref<50xi32, #tpu.memory_space<vmem>>
    %dma_start3A_11 = arith.constant 0 : i32
    %dma_start3A_12 = arith.constant 0 : i32
    %dma_start3A_13 = tpu.memref_slice %arg2[%dma_start3A_11, %dma_start3A_12] : memref<2000000x64xf32, #tpu.memory_space<hbm>> -> memref<2000000x64xf32, #tpu.memory_space<hbm>>
    tpu.enqueue_indirect_dma source(%dma_start3A_13 : memref<2000000x64xf32, #tpu.memory_space<hbm>>) target(%dma_start3A_7 : memref<50x64xf32, #tpu.memory_space<vmem>>) offsets(%dma_start3A_10 : memref<50xi32, #tpu.memory_space<vmem>>) semaphore(%arg10 : memref<!tpu.dma_semaphore, #tpu.memory_space<semaphore_mem>>)
    %dma_start3A_14 = arith.constant 1 : i32
    %dma_start3A_15 = arith.constant 1 : i32
    %dma_start3A_16 = arith.constant 0 : i32
    %dma_start3A_17 = arith.constant 0 : i32
    %dma_start3A_18 = tpu.memref_slice %arg6[%dma_start3A_15, %dma_start3A_16, %dma_start3A_17] : memref<8x50x64xf32, #tpu.memory_space<vmem>> -> memref<1x50x64xf32, #tpu.memory_space<vmem>>
    %dma_start3A_19 = tpu.memref_squeeze %dma_start3A_18 : memref<1x50x64xf32, #tpu.memory_space<vmem>> -> memref<50x64xf32, #tpu.memory_space<vmem>>
    %dma_start3A_20 = arith.constant 0 : i32
    %dma_start3A_21 = tpu.memref_slice %arg5[%dma_start3A_14, %dma_start3A_20] : memref<512x50xi32, #tpu.memory_space<vmem>> -> memref<1x50xi32, #tpu.memory_space<vmem>>
    %dma_start3A_22 = tpu.memref_squeeze %dma_start3A_21 : memref<1x50xi32, #tpu.memory_space<vmem>> -> memref<50xi32, #tpu.memory_space<vmem>>
    %dma_start3A_23 = arith.constant 0 : i32
    %dma_start3A_24 = arith.constant 0 : i32
    %dma_start3A_25 = tpu.memref_slice %arg2[%dma_start3A_23, %dma_start3A_24] : memref<2000000x64xf32, #tpu.memory_space<hbm>> -> memref<2000000x64xf32, #tpu.memory_space<hbm>>
    tpu.enqueue_indirect_dma source(%dma_start3A_25 : memref<2000000x64xf32, #tpu.memory_space<hbm>>) target(%dma_start3A_19 : memref<50x64xf32, #tpu.memory_space<vmem>>) offsets(%dma_start3A_22 : memref<50xi32, #tpu.memory_space<vmem>>) semaphore(%arg10 : memref<!tpu.dma_semaphore, #tpu.memory_space<semaphore_mem>>)
    %dma_start3A_26 = arith.constant 2 : i32
    %dma_start3A_27 = arith.constant 2 : i32
    %dma_start3A_28 = arith.constant 0 : i32
    %dma_start3A_29 = arith.constant 0 : i32
    %dma_start3A_30 = tpu.memref_slice %arg6[%dma_start3A_27, %dma_start3A_28, %dma_start3A_29] : memref<8x50x64xf32, #tpu.memory_space<vmem>> -> memref<1x50x64xf32, #tpu.memory_space<vmem>>
    %dma_start3A_31 = tpu.memref_squeeze %dma_start3A_30 : memref<1x50x64xf32, #tpu.memory_space<vmem>> -> memref<50x64xf32, #tpu.memory_space<vmem>>
    %dma_start3A_32 = arith.constant 0 : i32
    %dma_start3A_33 = tpu.memref_slice %arg5[%dma_start3A_26, %dma_start3A_32] : memref<512x50xi32, #tpu.memory_space<vmem>> -> memref<1x50xi32, #tpu.memory_space<vmem>>
    %dma_start3A_34 = tpu.memref_squeeze %dma_start3A_33 : memref<1x50xi32, #tpu.memory_space<vmem>> -> memref<50xi32, #tpu.memory_space<vmem>>
    %dma_start3A_35 = arith.constant 0 : i32
    %dma_start3A_36 = arith.constant 0 : i32
    %dma_start3A_37 = tpu.memref_slice %arg2[%dma_start3A_35, %dma_start3A_36] : memref<2000000x64xf32, #tpu.memory_space<hbm>> -> memref<2000000x64xf32, #tpu.memory_space<hbm>>
    tpu.enqueue_indirect_dma source(%dma_start3A_37 : memref<2000000x64xf32, #tpu.memory_space<hbm>>) target(%dma_start3A_31 : memref<50x64xf32, #tpu.memory_space<vmem>>) offsets(%dma_start3A_34 : memref<50xi32, #tpu.memory_space<vmem>>) semaphore(%arg10 : memref<!tpu.dma_semaphore, #tpu.memory_space<semaphore_mem>>)
    %dma_start3A_38 = arith.constant 3 : i32
    %dma_start3A_39 = arith.constant 3 : i32
    %dma_start3A_40 = arith.constant 0 : i32
    %dma_start3A_41 = arith.constant 0 : i32
    %dma_start3A_42 = tpu.memref_slice %arg6[%dma_start3A_39, %dma_start3A_40, %dma_start3A_41] : memref<8x50x64xf32, #tpu.memory_space<vmem>> -> memref<1x50x64xf32, #tpu.memory_space<vmem>>
    %dma_start3A_43 = tpu.memref_squeeze %dma_start3A_42 : memref<1x50x64xf32, #tpu.memory_space<vmem>> -> memref<50x64xf32, #tpu.memory_space<vmem>>
    %dma_start3A_44 = arith.constant 0 : i32
    %dma_start3A_45 = tpu.memref_slice %arg5[%dma_start3A_38, %dma_start3A_44] : memref<512x50xi32, #tpu.memory_space<vmem>> -> memref<1x50xi32, #tpu.memory_space<vmem>>
    %dma_start3A_46 = tpu.memref_squeeze %dma_start3A_45 : memref<1x50xi32, #tpu.memory_space<vmem>> -> memref<50xi32, #tpu.memory_space<vmem>>
    %dma_start3A_47 = arith.constant 0 : i32
    %dma_start3A_48 = arith.constant 0 : i32
    %dma_start3A_49 = tpu.memref_slice %arg2[%dma_start3A_47, %dma_start3A_48] : memref<2000000x64xf32, #tpu.memory_space<hbm>> -> memref<2000000x64xf32, #tpu.memory_space<hbm>>
    tpu.enqueue_indirect_dma source(%dma_start3A_49 : memref<2000000x64xf32, #tpu.memory_space<hbm>>) target(%dma_start3A_43 : memref<50x64xf32, #tpu.memory_space<vmem>>) offsets(%dma_start3A_46 : memref<50xi32, #tpu.memory_space<vmem>>) semaphore(%arg10 : memref<!tpu.dma_semaphore, #tpu.memory_space<semaphore_mem>>)
    %dma_start3A_50 = arith.constant 4 : i32
    %dma_start3A_51 = arith.constant 4 : i32
    %dma_start3A_52 = arith.constant 0 : i32
    %dma_start3A_53 = arith.constant 0 : i32
    %dma_start3A_54 = tpu.memref_slice %arg6[%dma_start3A_51, %dma_start3A_52, %dma_start3A_53] : memref<8x50x64xf32, #tpu.memory_space<vmem>> -> memref<1x50x64xf32, #tpu.memory_space<vmem>>
    %dma_start3A_55 = tpu.memref_squeeze %dma_start3A_54 : memref<1x50x64xf32, #tpu.memory_space<vmem>> -> memref<50x64xf32, #tpu.memory_space<vmem>>
    %dma_start3A_56 = arith.constant 0 : i32
    %dma_start3A_57 = tpu.memref_slice %arg5[%dma_start3A_50, %dma_start3A_56] : memref<512x50xi32, #tpu.memory_space<vmem>> -> memref<1x50xi32, #tpu.memory_space<vmem>>
    %dma_start3A_58 = tpu.memref_squeeze %dma_start3A_57 : memref<1x50xi32, #tpu.memory_space<vmem>> -> memref<50xi32, #tpu.memory_space<vmem>>
    %dma_start3A_59 = arith.constant 0 : i32
    %dma_start3A_60 = arith.constant 0 : i32
    %dma_start3A_61 = tpu.memref_slice %arg2[%dma_start3A_59, %dma_start3A_60] : memref<2000000x64xf32, #tpu.memory_space<hbm>> -> memref<2000000x64xf32, #tpu.memory_space<hbm>>
    tpu.enqueue_indirect_dma source(%dma_start3A_61 : memref<2000000x64xf32, #tpu.memory_space<hbm>>) target(%dma_start3A_55 : memref<50x64xf32, #tpu.memory_space<vmem>>) offsets(%dma_start3A_58 : memref<50xi32, #tpu.memory_space<vmem>>) semaphore(%arg10 : memref<!tpu.dma_semaphore, #tpu.memory_space<semaphore_mem>>)
    %dma_start3A_62 = arith.constant 5 : i32
    %dma_start3A_63 = arith.constant 5 : i32
    %dma_start3A_64 = arith.constant 0 : i32
    %dma_start3A_65 = arith.constant 0 : i32
    %dma_start3A_66 = tpu.memref_slice %arg6[%dma_start3A_63, %dma_start3A_64, %dma_start3A_65] : memref<8x50x64xf32, #tpu.memory_space<vmem>> -> memref<1x50x64xf32, #tpu.memory_space<vmem>>
    %dma_start3A_67 = tpu.memref_squeeze %dma_start3A_66 : memref<1x50x64xf32, #tpu.memory_space<vmem>> -> memref<50x64xf32, #tpu.memory_space<vmem>>
    %dma_start3A_68 = arith.constant 0 : i32
    %dma_start3A_69 = tpu.memref_slice %arg5[%dma_start3A_62, %dma_start3A_68] : memref<512x50xi32, #tpu.memory_space<vmem>> -> memref<1x50xi32, #tpu.memory_space<vmem>>
    %dma_start3A_70 = tpu.memref_squeeze %dma_start3A_69 : memref<1x50xi32, #tpu.memory_space<vmem>> -> memref<50xi32, #tpu.memory_space<vmem>>
    %dma_start3A_71 = arith.constant 0 : i32
    %dma_start3A_72 = arith.constant 0 : i32
    %dma_start3A_73 = tpu.memref_slice %arg2[%dma_start3A_71, %dma_start3A_72] : memref<2000000x64xf32, #tpu.memory_space<hbm>> -> memref<2000000x64xf32, #tpu.memory_space<hbm>>
    tpu.enqueue_indirect_dma source(%dma_start3A_73 : memref<2000000x64xf32, #tpu.memory_space<hbm>>) target(%dma_start3A_67 : memref<50x64xf32, #tpu.memory_space<vmem>>) offsets(%dma_start3A_70 : memref<50xi32, #tpu.memory_space<vmem>>) semaphore(%arg10 : memref<!tpu.dma_semaphore, #tpu.memory_space<semaphore_mem>>)
    %dma_start3A_74 = arith.constant 6 : i32
    %dma_start3A_75 = arith.constant 6 : i32
    %dma_start3A_76 = arith.constant 0 : i32
    %dma_start3A_77 = arith.constant 0 : i32
    %dma_start3A_78 = tpu.memref_slice %arg6[%dma_start3A_75, %dma_start3A_76, %dma_start3A_77] : memref<8x50x64xf32, #tpu.memory_space<vmem>> -> memref<1x50x64xf32, #tpu.memory_space<vmem>>
    %dma_start3A_79 = tpu.memref_squeeze %dma_start3A_78 : memref<1x50x64xf32, #tpu.memory_space<vmem>> -> memref<50x64xf32, #tpu.memory_space<vmem>>
    %dma_start3A_80 = arith.constant 0 : i32
    %dma_start3A_81 = tpu.memref_slice %arg5[%dma_start3A_74, %dma_start3A_80] : memref<512x50xi32, #tpu.memory_space<vmem>> -> memref<1x50xi32, #tpu.memory_space<vmem>>
    %dma_start3A_82 = tpu.memref_squeeze %dma_start3A_81 : memref<1x50xi32, #tpu.memory_space<vmem>> -> memref<50xi32, #tpu.memory_space<vmem>>
    %dma_start3A_83 = arith.constant 0 : i32
    %dma_start3A_84 = arith.constant 0 : i32
    %dma_start3A_85 = tpu.memref_slice %arg2[%dma_start3A_83, %dma_start3A_84] : memref<2000000x64xf32, #tpu.memory_space<hbm>> -> memref<2000000x64xf32, #tpu.memory_space<hbm>>
    tpu.enqueue_indirect_dma source(%dma_start3A_85 : memref<2000000x64xf32, #tpu.memory_space<hbm>>) target(%dma_start3A_79 : memref<50x64xf32, #tpu.memory_space<vmem>>) offsets(%dma_start3A_82 : memref<50xi32, #tpu.memory_space<vmem>>) semaphore(%arg10 : memref<!tpu.dma_semaphore, #tpu.memory_space<semaphore_mem>>)
    %dma_start3A_86 = arith.constant 7 : i32
    %dma_start3A_87 = arith.constant 7 : i32
    %dma_start3A_88 = arith.constant 0 : i32
    %dma_start3A_89 = arith.constant 0 : i32
    %dma_start3A_90 = tpu.memref_slice %arg6[%dma_start3A_87, %dma_start3A_88, %dma_start3A_89] : memref<8x50x64xf32, #tpu.memory_space<vmem>> -> memref<1x50x64xf32, #tpu.memory_space<vmem>>
    %dma_start3A_91 = tpu.memref_squeeze %dma_start3A_90 : memref<1x50x64xf32, #tpu.memory_space<vmem>> -> memref<50x64xf32, #tpu.memory_space<vmem>>
    %dma_start3A_92 = arith.constant 0 : i32
    %dma_start3A_93 = tpu.memref_slice %arg5[%dma_start3A_86, %dma_start3A_92] : memref<512x50xi32, #tpu.memory_space<vmem>> -> memref<1x50xi32, #tpu.memory_space<vmem>>
    %dma_start3A_94 = tpu.memref_squeeze %dma_start3A_93 : memref<1x50xi32, #tpu.memory_space<vmem>> -> memref<50xi32, #tpu.memory_space<vmem>>
    %dma_start3A_95 = arith.constant 0 : i32
    %dma_start3A_96 = arith.constant 0 : i32
    %dma_start3A_97 = tpu.memref_slice %arg2[%dma_start3A_95, %dma_start3A_96] : memref<2000000x64xf32, #tpu.memory_space<hbm>> -> memref<2000000x64xf32, #tpu.memory_space<hbm>>
    tpu.enqueue_indirect_dma source(%dma_start3A_97 : memref<2000000x64xf32, #tpu.memory_space<hbm>>) target(%dma_start3A_91 : memref<50x64xf32, #tpu.memory_space<vmem>>) offsets(%dma_start3A_94 : memref<50xi32, #tpu.memory_space<vmem>>) semaphore(%arg10 : memref<!tpu.dma_semaphore, #tpu.memory_space<semaphore_mem>>)
    %dma_start3A_98 = arith.constant 8 : i32
    %dma_start3A_99 = arith.constant 0 : i32
    %dma_start3A_100 = arith.constant 0 : i32
    %dma_start3A_101 = arith.constant 0 : i32
    %dma_start3A_102 = tpu.memref_slice %arg7[%dma_start3A_99, %dma_start3A_100, %dma_start3A_101] : memref<8x50x64xf32, #tpu.memory_space<vmem>> -> memref<1x50x64xf32, #tpu.memory_space<vmem>>
    %dma_start3A_103 = tpu.memref_squeeze %dma_start3A_102 : memref<1x50x64xf32, #tpu.memory_space<vmem>> -> memref<50x64xf32, #tpu.memory_space<vmem>>
    %dma_start3A_104 = arith.constant 0 : i32
    %dma_start3A_105 = tpu.memref_slice %arg5[%dma_start3A_98, %dma_start3A_104] : memref<512x50xi32, #tpu.memory_space<vmem>> -> memref<1x50xi32, #tpu.memory_space<vmem>>
    %dma_start3A_106 = tpu.memref_squeeze %dma_start3A_105 : memref<1x50xi32, #tpu.memory_space<vmem>> -> memref<50xi32, #tpu.memory_space<vmem>>
    %dma_start3A_107 = arith.constant 0 : i32
    %dma_start3A_108 = arith.constant 0 : i32
    %dma_start3A_109 = tpu.memref_slice %arg2[%dma_start3A_107, %dma_start3A_108] : memref<2000000x64xf32, #tpu.memory_space<hbm>> -> memref<2000000x64xf32, #tpu.memory_space<hbm>>
    tpu.enqueue_indirect_dma source(%dma_start3A_109 : memref<2000000x64xf32, #tpu.memory_space<hbm>>) target(%dma_start3A_103 : memref<50x64xf32, #tpu.memory_space<vmem>>) offsets(%dma_start3A_106 : memref<50xi32, #tpu.memory_space<vmem>>) semaphore(%arg11 : memref<!tpu.dma_semaphore, #tpu.memory_space<semaphore_mem>>)
    %dma_start3A_110 = arith.constant 9 : i32
    %dma_start3A_111 = arith.constant 1 : i32
    %dma_start3A_112 = arith.constant 0 : i32
    %dma_start3A_113 = arith.constant 0 : i32
    %dma_start3A_114 = tpu.memref_slice %arg7[%dma_start3A_111, %dma_start3A_112, %dma_start3A_113] : memref<8x50x64xf32, #tpu.memory_space<vmem>> -> memref<1x50x64xf32, #tpu.memory_space<vmem>>
    %dma_start3A_115 = tpu.memref_squeeze %dma_start3A_114 : memref<1x50x64xf32, #tpu.memory_space<vmem>> -> memref<50x64xf32, #tpu.memory_space<vmem>>
    %dma_start3A_116 = arith.constant 0 : i32
    %dma_start3A_117 = tpu.memref_slice %arg5[%dma_start3A_110, %dma_start3A_116] : memref<512x50xi32, #tpu.memory_space<vmem>> -> memref<1x50xi32, #tpu.memory_space<vmem>>
    %dma_start3A_118 = tpu.memref_squeeze %dma_start3A_117 : memref<1x50xi32, #tpu.memory_space<vmem>> -> memref<50xi32, #tpu.memory_space<vmem>>
    %dma_start3A_119 = arith.constant 0 : i32
    %dma_start3A_120 = arith.constant 0 : i32
    %dma_start3A_121 = tpu.memref_slice %arg2[%dma_start3A_119, %dma_start3A_120] : memref<2000000x64xf32, #tpu.memory_space<hbm>> -> memref<2000000x64xf32, #tpu.memory_space<hbm>>
    tpu.enqueue_indirect_dma source(%dma_start3A_121 : memref<2000000x64xf32, #tpu.memory_space<hbm>>) target(%dma_start3A_115 : memref<50x64xf32, #tpu.memory_space<vmem>>) offsets(%dma_start3A_118 : memref<50xi32, #tpu.memory_space<vmem>>) semaphore(%arg11 : memref<!tpu.dma_semaphore, #tpu.memory_space<semaphore_mem>>)
    %dma_start3A_122 = arith.constant 10 : i32
    %dma_start3A_123 = arith.constant 2 : i32
    %dma_start3A_124 = arith.constant 0 : i32
    %dma_start3A_125 = arith.constant 0 : i32
    %dma_start3A_126 = tpu.memref_slice %arg7[%dma_start3A_123, %dma_start3A_124, %dma_start3A_125] : memref<8x50x64xf32, #tpu.memory_space<vmem>> -> memref<1x50x64xf32, #tpu.memory_space<vmem>>
    %dma_start3A_127 = tpu.memref_squeeze %dma_start3A_126 : memref<1x50x64xf32, #tpu.memory_space<vmem>> -> memref<50x64xf32, #tpu.memory_space<vmem>>
    %dma_start3A_128 = arith.constant 0 : i32
    %dma_start3A_129 = tpu.memref_slice %arg5[%dma_start3A_122, %dma_start3A_128] : memref<512x50xi32, #tpu.memory_space<vmem>> -> memref<1x50xi32, #tpu.memory_space<vmem>>
    %dma_start3A_130 = tpu.memref_squeeze %dma_start3A_129 : memref<1x50xi32, #tpu.memory_space<vmem>> -> memref<50xi32, #tpu.memory_space<vmem>>
    %dma_start3A_131 = arith.constant 0 : i32
    %dma_start3A_132 = arith.constant 0 : i32
    %dma_start3A_133 = tpu.memref_slice %arg2[%dma_start3A_131, %dma_start3A_132] : memref<2000000x64xf32, #tpu.memory_space<hbm>> -> memref<2000000x64xf32, #tpu.memory_space<hbm>>
    tpu.enqueue_indirect_dma source(%dma_start3A_133 : memref<2000000x64xf32, #tpu.memory_space<hbm>>) target(%dma_start3A_127 : memref<50x64xf32, #tpu.memory_space<vmem>>) offsets(%dma_start3A_130 : memref<50xi32, #tpu.memory_space<vmem>>) semaphore(%arg11 : memref<!tpu.dma_semaphore, #tpu.memory_space<semaphore_mem>>)
    %dma_start3A_134 = arith.constant 11 : i32
    %dma_start3A_135 = arith.constant 3 : i32
    %dma_start3A_136 = arith.constant 0 : i32
    %dma_start3A_137 = arith.constant 0 : i32
    %dma_start3A_138 = tpu.memref_slice %arg7[%dma_start3A_135, %dma_start3A_136, %dma_start3A_137] : memref<8x50x64xf32, #tpu.memory_space<vmem>> -> memref<1x50x64xf32, #tpu.memory_space<vmem>>
    %dma_start3A_139 = tpu.memref_squeeze %dma_start3A_138 : memref<1x50x64xf32, #tpu.memory_space<vmem>> -> memref<50x64xf32, #tpu.memory_space<vmem>>
    %dma_start3A_140 = arith.constant 0 : i32
    %dma_start3A_141 = tpu.memref_slice %arg5[%dma_start3A_134, %dma_start3A_140] : memref<512x50xi32, #tpu.memory_space<vmem>> -> memref<1x50xi32, #tpu.memory_space<vmem>>
    %dma_start3A_142 = tpu.memref_squeeze %dma_start3A_141 : memref<1x50xi32, #tpu.memory_space<vmem>> -> memref<50xi32, #tpu.memory_space<vmem>>
    %dma_start3A_143 = arith.constant 0 : i32
    %dma_start3A_144 = arith.constant 0 : i32
    %dma_start3A_145 = tpu.memref_slice %arg2[%dma_start3A_143, %dma_start3A_144] : memref<2000000x64xf32, #tpu.memory_space<hbm>> -> memref<2000000x64xf32, #tpu.memory_space<hbm>>
    tpu.enqueue_indirect_dma source(%dma_start3A_145 : memref<2000000x64xf32, #tpu.memory_space<hbm>>) target(%dma_start3A_139 : memref<50x64xf32, #tpu.memory_space<vmem>>) offsets(%dma_start3A_142 : memref<50xi32, #tpu.memory_space<vmem>>) semaphore(%arg11 : memref<!tpu.dma_semaphore, #tpu.memory_space<semaphore_mem>>)
    %dma_start3A_146 = arith.constant 12 : i32
    %dma_start3A_147 = arith.constant 4 : i32
    %dma_start3A_148 = arith.constant 0 : i32
    %dma_start3A_149 = arith.constant 0 : i32
    %dma_start3A_150 = tpu.memref_slice %arg7[%dma_start3A_147, %dma_start3A_148, %dma_start3A_149] : memref<8x50x64xf32, #tpu.memory_space<vmem>> -> memref<1x50x64xf32, #tpu.memory_space<vmem>>
    %dma_start3A_151 = tpu.memref_squeeze %dma_start3A_150 : memref<1x50x64xf32, #tpu.memory_space<vmem>> -> memref<50x64xf32, #tpu.memory_space<vmem>>
    %dma_start3A_152 = arith.constant 0 : i32
    %dma_start3A_153 = tpu.memref_slice %arg5[%dma_start3A_146, %dma_start3A_152] : memref<512x50xi32, #tpu.memory_space<vmem>> -> memref<1x50xi32, #tpu.memory_space<vmem>>
    %dma_start3A_154 = tpu.memref_squeeze %dma_start3A_153 : memref<1x50xi32, #tpu.memory_space<vmem>> -> memref<50xi32, #tpu.memory_space<vmem>>
    %dma_start3A_155 = arith.constant 0 : i32
    %dma_start3A_156 = arith.constant 0 : i32
    %dma_start3A_157 = tpu.memref_slice %arg2[%dma_start3A_155, %dma_start3A_156] : memref<2000000x64xf32, #tpu.memory_space<hbm>> -> memref<2000000x64xf32, #tpu.memory_space<hbm>>
    tpu.enqueue_indirect_dma source(%dma_start3A_157 : memref<2000000x64xf32, #tpu.memory_space<hbm>>) target(%dma_start3A_151 : memref<50x64xf32, #tpu.memory_space<vmem>>) offsets(%dma_start3A_154 : memref<50xi32, #tpu.memory_space<vmem>>) semaphore(%arg11 : memref<!tpu.dma_semaphore, #tpu.memory_space<semaphore_mem>>)
    %dma_start3A_158 = arith.constant 13 : i32
    %dma_start3A_159 = arith.constant 5 : i32
    %dma_start3A_160 = arith.constant 0 : i32
    %dma_start3A_161 = arith.constant 0 : i32
    %dma_start3A_162 = tpu.memref_slice %arg7[%dma_start3A_159, %dma_start3A_160, %dma_start3A_161] : memref<8x50x64xf32, #tpu.memory_space<vmem>> -> memref<1x50x64xf32, #tpu.memory_space<vmem>>
    %dma_start3A_163 = tpu.memref_squeeze %dma_start3A_162 : memref<1x50x64xf32, #tpu.memory_space<vmem>> -> memref<50x64xf32, #tpu.memory_space<vmem>>
    %dma_start3A_164 = arith.constant 0 : i32
    %dma_start3A_165 = tpu.memref_slice %arg5[%dma_start3A_158, %dma_start3A_164] : memref<512x50xi32, #tpu.memory_space<vmem>> -> memref<1x50xi32, #tpu.memory_space<vmem>>
    %dma_start3A_166 = tpu.memref_squeeze %dma_start3A_165 : memref<1x50xi32, #tpu.memory_space<vmem>> -> memref<50xi32, #tpu.memory_space<vmem>>
    %dma_start3A_167 = arith.constant 0 : i32
    %dma_start3A_168 = arith.constant 0 : i32
    %dma_start3A_169 = tpu.memref_slice %arg2[%dma_start3A_167, %dma_start3A_168] : memref<2000000x64xf32, #tpu.memory_space<hbm>> -> memref<2000000x64xf32, #tpu.memory_space<hbm>>
    tpu.enqueue_indirect_dma source(%dma_start3A_169 : memref<2000000x64xf32, #tpu.memory_space<hbm>>) target(%dma_start3A_163 : memref<50x64xf32, #tpu.memory_space<vmem>>) offsets(%dma_start3A_166 : memref<50xi32, #tpu.memory_space<vmem>>) semaphore(%arg11 : memref<!tpu.dma_semaphore, #tpu.memory_space<semaphore_mem>>)
    %dma_start3A_170 = arith.constant 14 : i32
    %dma_start3A_171 = arith.constant 6 : i32
    %dma_start3A_172 = arith.constant 0 : i32
    %dma_start3A_173 = arith.constant 0 : i32
    %dma_start3A_174 = tpu.memref_slice %arg7[%dma_start3A_171, %dma_start3A_172, %dma_start3A_173] : memref<8x50x64xf32, #tpu.memory_space<vmem>> -> memref<1x50x64xf32, #tpu.memory_space<vmem>>
    %dma_start3A_175 = tpu.memref_squeeze %dma_start3A_174 : memref<1x50x64xf32, #tpu.memory_space<vmem>> -> memref<50x64xf32, #tpu.memory_space<vmem>>
    %dma_start3A_176 = arith.constant 0 : i32
    %dma_start3A_177 = tpu.memref_slice %arg5[%dma_start3A_170, %dma_start3A_176] : memref<512x50xi32, #tpu.memory_space<vmem>> -> memref<1x50xi32, #tpu.memory_space<vmem>>
    %dma_start3A_178 = tpu.memref_squeeze %dma_start3A_177 : memref<1x50xi32, #tpu.memory_space<vmem>> -> memref<50xi32, #tpu.memory_space<vmem>>
    %dma_start3A_179 = arith.constant 0 : i32
    %dma_start3A_180 = arith.constant 0 : i32
    %dma_start3A_181 = tpu.memref_slice %arg2[%dma_start3A_179, %dma_start3A_180] : memref<2000000x64xf32, #tpu.memory_space<hbm>> -> memref<2000000x64xf32, #tpu.memory_space<hbm>>
    tpu.enqueue_indirect_dma source(%dma_start3A_181 : memref<2000000x64xf32, #tpu.memory_space<hbm>>) target(%dma_start3A_175 : memref<50x64xf32, #tpu.memory_space<vmem>>) offsets(%dma_start3A_178 : memref<50xi32, #tpu.memory_space<vmem>>) semaphore(%arg11 : memref<!tpu.dma_semaphore, #tpu.memory_space<semaphore_mem>>)
    %dma_start3A_182 = arith.constant 15 : i32
    %dma_start3A_183 = arith.constant 7 : i32
    %dma_start3A_184 = arith.constant 0 : i32
    %dma_start3A_185 = arith.constant 0 : i32
    %dma_start3A_186 = tpu.memref_slice %arg7[%dma_start3A_183, %dma_start3A_184, %dma_start3A_185] : memref<8x50x64xf32, #tpu.memory_space<vmem>> -> memref<1x50x64xf32, #tpu.memory_space<vmem>>
    %dma_start3A_187 = tpu.memref_squeeze %dma_start3A_186 : memref<1x50x64xf32, #tpu.memory_space<vmem>> -> memref<50x64xf32, #tpu.memory_space<vmem>>
    %dma_start3A_188 = arith.constant 0 : i32
    %dma_start3A_189 = tpu.memref_slice %arg5[%dma_start3A_182, %dma_start3A_188] : memref<512x50xi32, #tpu.memory_space<vmem>> -> memref<1x50xi32, #tpu.memory_space<vmem>>
    %dma_start3A_190 = tpu.memref_squeeze %dma_start3A_189 : memref<1x50xi32, #tpu.memory_space<vmem>> -> memref<50xi32, #tpu.memory_space<vmem>>
    %dma_start3A_191 = arith.constant 0 : i32
    %dma_start3A_192 = arith.constant 0 : i32
    %dma_start3A_193 = tpu.memref_slice %arg2[%dma_start3A_191, %dma_start3A_192] : memref<2000000x64xf32, #tpu.memory_space<hbm>> -> memref<2000000x64xf32, #tpu.memory_space<hbm>>
    tpu.enqueue_indirect_dma source(%dma_start3A_193 : memref<2000000x64xf32, #tpu.memory_space<hbm>>) target(%dma_start3A_187 : memref<50x64xf32, #tpu.memory_space<vmem>>) offsets(%dma_start3A_190 : memref<50xi32, #tpu.memory_space<vmem>>) semaphore(%arg11 : memref<!tpu.dma_semaphore, #tpu.memory_space<semaphore_mem>>)
    %dma_start3A_194 = arith.constant 16 : i32
    %dma_start3A_195 = arith.constant 0 : i32
    %dma_start3A_196 = arith.constant 0 : i32
    %dma_start3A_197 = arith.constant 0 : i32
    %dma_start3A_198 = tpu.memref_slice %arg8[%dma_start3A_195, %dma_start3A_196, %dma_start3A_197] : memref<8x50x64xf32, #tpu.memory_space<vmem>> -> memref<1x50x64xf32, #tpu.memory_space<vmem>>
    %dma_start3A_199 = tpu.memref_squeeze %dma_start3A_198 : memref<1x50x64xf32, #tpu.memory_space<vmem>> -> memref<50x64xf32, #tpu.memory_space<vmem>>
    %dma_start3A_200 = arith.constant 0 : i32
    %dma_start3A_201 = tpu.memref_slice %arg5[%dma_start3A_194, %dma_start3A_200] : memref<512x50xi32, #tpu.memory_space<vmem>> -> memref<1x50xi32, #tpu.memory_space<vmem>>
    %dma_start3A_202 = tpu.memref_squeeze %dma_start3A_201 : memref<1x50xi32, #tpu.memory_space<vmem>> -> memref<50xi32, #tpu.memory_space<vmem>>
    %dma_start3A_203 = arith.constant 0 : i32
    %dma_start3A_204 = arith.constant 0 : i32
    %dma_start3A_205 = tpu.memref_slice %arg2[%dma_start3A_203, %dma_start3A_204] : memref<2000000x64xf32, #tpu.memory_space<hbm>> -> memref<2000000x64xf32, #tpu.memory_space<hbm>>
    tpu.enqueue_indirect_dma source(%dma_start3A_205 : memref<2000000x64xf32, #tpu.memory_space<hbm>>) target(%dma_start3A_199 : memref<50x64xf32, #tpu.memory_space<vmem>>) offsets(%dma_start3A_202 : memref<50xi32, #tpu.memory_space<vmem>>) semaphore(%arg12 : memref<!tpu.dma_semaphore, #tpu.memory_space<semaphore_mem>>)
    %dma_start3A_206 = arith.constant 17 : i32
    %dma_start3A_207 = arith.constant 1 : i32
    %dma_start3A_208 = arith.constant 0 : i32
    %dma_start3A_209 = arith.constant 0 : i32
    %dma_start3A_210 = tpu.memref_slice %arg8[%dma_start3A_207, %dma_start3A_208, %dma_start3A_209] : memref<8x50x64xf32, #tpu.memory_space<vmem>> -> memref<1x50x64xf32, #tpu.memory_space<vmem>>
    %dma_start3A_211 = tpu.memref_squeeze %dma_start3A_210 : memref<1x50x64xf32, #tpu.memory_space<vmem>> -> memref<50x64xf32, #tpu.memory_space<vmem>>
    %dma_start3A_212 = arith.constant 0 : i32
    %dma_start3A_213 = tpu.memref_slice %arg5[%dma_start3A_206, %dma_start3A_212] : memref<512x50xi32, #tpu.memory_space<vmem>> -> memref<1x50xi32, #tpu.memory_space<vmem>>
    %dma_start3A_214 = tpu.memref_squeeze %dma_start3A_213 : memref<1x50xi32, #tpu.memory_space<vmem>> -> memref<50xi32, #tpu.memory_space<vmem>>
    %dma_start3A_215 = arith.constant 0 : i32
    %dma_start3A_216 = arith.constant 0 : i32
    %dma_start3A_217 = tpu.memref_slice %arg2[%dma_start3A_215, %dma_start3A_216] : memref<2000000x64xf32, #tpu.memory_space<hbm>> -> memref<2000000x64xf32, #tpu.memory_space<hbm>>
    tpu.enqueue_indirect_dma source(%dma_start3A_217 : memref<2000000x64xf32, #tpu.memory_space<hbm>>) target(%dma_start3A_211 : memref<50x64xf32, #tpu.memory_space<vmem>>) offsets(%dma_start3A_214 : memref<50xi32, #tpu.memory_space<vmem>>) semaphore(%arg12 : memref<!tpu.dma_semaphore, #tpu.memory_space<semaphore_mem>>)
    %dma_start3A_218 = arith.constant 18 : i32
    %dma_start3A_219 = arith.constant 2 : i32
    %dma_start3A_220 = arith.constant 0 : i32
    %dma_start3A_221 = arith.constant 0 : i32
    %dma_start3A_222 = tpu.memref_slice %arg8[%dma_start3A_219, %dma_start3A_220, %dma_start3A_221] : memref<8x50x64xf32, #tpu.memory_space<vmem>> -> memref<1x50x64xf32, #tpu.memory_space<vmem>>
    %dma_start3A_223 = tpu.memref_squeeze %dma_start3A_222 : memref<1x50x64xf32, #tpu.memory_space<vmem>> -> memref<50x64xf32, #tpu.memory_space<vmem>>
    %dma_start3A_224 = arith.constant 0 : i32
    %dma_start3A_225 = tpu.memref_slice %arg5[%dma_start3A_218, %dma_start3A_224] : memref<512x50xi32, #tpu.memory_space<vmem>> -> memref<1x50xi32, #tpu.memory_space<vmem>>
    %dma_start3A_226 = tpu.memref_squeeze %dma_start3A_225 : memref<1x50xi32, #tpu.memory_space<vmem>> -> memref<50xi32, #tpu.memory_space<vmem>>
    %dma_start3A_227 = arith.constant 0 : i32
    %dma_start3A_228 = arith.constant 0 : i32
    %dma_start3A_229 = tpu.memref_slice %arg2[%dma_start3A_227, %dma_start3A_228] : memref<2000000x64xf32, #tpu.memory_space<hbm>> -> memref<2000000x64xf32, #tpu.memory_space<hbm>>
    tpu.enqueue_indirect_dma source(%dma_start3A_229 : memref<2000000x64xf32, #tpu.memory_space<hbm>>) target(%dma_start3A_223 : memref<50x64xf32, #tpu.memory_space<vmem>>) offsets(%dma_start3A_226 : memref<50xi32, #tpu.memory_space<vmem>>) semaphore(%arg12 : memref<!tpu.dma_semaphore, #tpu.memory_space<semaphore_mem>>)
    %dma_start3A_230 = arith.constant 19 : i32
    %dma_start3A_231 = arith.constant 3 : i32
    %dma_start3A_232 = arith.constant 0 : i32
    %dma_start3A_233 = arith.constant 0 : i32
    %dma_start3A_234 = tpu.memref_slice %arg8[%dma_start3A_231, %dma_start3A_232, %dma_start3A_233] : memref<8x50x64xf32, #tpu.memory_space<vmem>> -> memref<1x50x64xf32, #tpu.memory_space<vmem>>
    %dma_start3A_235 = tpu.memref_squeeze %dma_start3A_234 : memref<1x50x64xf32, #tpu.memory_space<vmem>> -> memref<50x64xf32, #tpu.memory_space<vmem>>
    %dma_start3A_236 = arith.constant 0 : i32
    %dma_start3A_237 = tpu.memref_slice %arg5[%dma_start3A_230, %dma_start3A_236] : memref<512x50xi32, #tpu.memory_space<vmem>> -> memref<1x50xi32, #tpu.memory_space<vmem>>
    %dma_start3A_238 = tpu.memref_squeeze %dma_start3A_237 : memref<1x50xi32, #tpu.memory_space<vmem>> -> memref<50xi32, #tpu.memory_space<vmem>>
    %dma_start3A_239 = arith.constant 0 : i32
    %dma_start3A_240 = arith.constant 0 : i32
    %dma_start3A_241 = tpu.memref_slice %arg2[%dma_start3A_239, %dma_start3A_240] : memref<2000000x64xf32, #tpu.memory_space<hbm>> -> memref<2000000x64xf32, #tpu.memory_space<hbm>>
    tpu.enqueue_indirect_dma source(%dma_start3A_241 : memref<2000000x64xf32, #tpu.memory_space<hbm>>) target(%dma_start3A_235 : memref<50x64xf32, #tpu.memory_space<vmem>>) offsets(%dma_start3A_238 : memref<50xi32, #tpu.memory_space<vmem>>) semaphore(%arg12 : memref<!tpu.dma_semaphore, #tpu.memory_space<semaphore_mem>>)
    %dma_start3A_242 = arith.constant 20 : i32
    %dma_start3A_243 = arith.constant 4 : i32
    %dma_start3A_244 = arith.constant 0 : i32
    %dma_start3A_245 = arith.constant 0 : i32
    %dma_start3A_246 = tpu.memref_slice %arg8[%dma_start3A_243, %dma_start3A_244, %dma_start3A_245] : memref<8x50x64xf32, #tpu.memory_space<vmem>> -> memref<1x50x64xf32, #tpu.memory_space<vmem>>
    %dma_start3A_247 = tpu.memref_squeeze %dma_start3A_246 : memref<1x50x64xf32, #tpu.memory_space<vmem>> -> memref<50x64xf32, #tpu.memory_space<vmem>>
    %dma_start3A_248 = arith.constant 0 : i32
    %dma_start3A_249 = tpu.memref_slice %arg5[%dma_start3A_242, %dma_start3A_248] : memref<512x50xi32, #tpu.memory_space<vmem>> -> memref<1x50xi32, #tpu.memory_space<vmem>>
    %dma_start3A_250 = tpu.memref_squeeze %dma_start3A_249 : memref<1x50xi32, #tpu.memory_space<vmem>> -> memref<50xi32, #tpu.memory_space<vmem>>
    %dma_start3A_251 = arith.constant 0 : i32
    %dma_start3A_252 = arith.constant 0 : i32
    %dma_start3A_253 = tpu.memref_slice %arg2[%dma_start3A_251, %dma_start3A_252] : memref<2000000x64xf32, #tpu.memory_space<hbm>> -> memref<2000000x64xf32, #tpu.memory_space<hbm>>
    tpu.enqueue_indirect_dma source(%dma_start3A_253 : memref<2000000x64xf32, #tpu.memory_space<hbm>>) target(%dma_start3A_247 : memref<50x64xf32, #tpu.memory_space<vmem>>) offsets(%dma_start3A_250 : memref<50xi32, #tpu.memory_space<vmem>>) semaphore(%arg12 : memref<!tpu.dma_semaphore, #tpu.memory_space<semaphore_mem>>)
    %dma_start3A_254 = arith.constant 21 : i32
    %dma_start3A_255 = arith.constant 5 : i32
    %dma_start3A_256 = arith.constant 0 : i32
    %dma_start3A_257 = arith.constant 0 : i32
    %dma_start3A_258 = tpu.memref_slice %arg8[%dma_start3A_255, %dma_start3A_256, %dma_start3A_257] : memref<8x50x64xf32, #tpu.memory_space<vmem>> -> memref<1x50x64xf32, #tpu.memory_space<vmem>>
    %dma_start3A_259 = tpu.memref_squeeze %dma_start3A_258 : memref<1x50x64xf32, #tpu.memory_space<vmem>> -> memref<50x64xf32, #tpu.memory_space<vmem>>
    %dma_start3A_260 = arith.constant 0 : i32
    %dma_start3A_261 = tpu.memref_slice %arg5[%dma_start3A_254, %dma_start3A_260] : memref<512x50xi32, #tpu.memory_space<vmem>> -> memref<1x50xi32, #tpu.memory_space<vmem>>
    %dma_start3A_262 = tpu.memref_squeeze %dma_start3A_261 : memref<1x50xi32, #tpu.memory_space<vmem>> -> memref<50xi32, #tpu.memory_space<vmem>>
    %dma_start3A_263 = arith.constant 0 : i32
    %dma_start3A_264 = arith.constant 0 : i32
    %dma_start3A_265 = tpu.memref_slice %arg2[%dma_start3A_263, %dma_start3A_264] : memref<2000000x64xf32, #tpu.memory_space<hbm>> -> memref<2000000x64xf32, #tpu.memory_space<hbm>>
    tpu.enqueue_indirect_dma source(%dma_start3A_265 : memref<2000000x64xf32, #tpu.memory_space<hbm>>) target(%dma_start3A_259 : memref<50x64xf32, #tpu.memory_space<vmem>>) offsets(%dma_start3A_262 : memref<50xi32, #tpu.memory_space<vmem>>) semaphore(%arg12 : memref<!tpu.dma_semaphore, #tpu.memory_space<semaphore_mem>>)
    %dma_start3A_266 = arith.constant 22 : i32
    %dma_start3A_267 = arith.constant 6 : i32
    %dma_start3A_268 = arith.constant 0 : i32
    %dma_start3A_269 = arith.constant 0 : i32
    %dma_start3A_270 = tpu.memref_slice %arg8[%dma_start3A_267, %dma_start3A_268, %dma_start3A_269] : memref<8x50x64xf32, #tpu.memory_space<vmem>> -> memref<1x50x64xf32, #tpu.memory_space<vmem>>
    %dma_start3A_271 = tpu.memref_squeeze %dma_start3A_270 : memref<1x50x64xf32, #tpu.memory_space<vmem>> -> memref<50x64xf32, #tpu.memory_space<vmem>>
    %dma_start3A_272 = arith.constant 0 : i32
    %dma_start3A_273 = tpu.memref_slice %arg5[%dma_start3A_266, %dma_start3A_272] : memref<512x50xi32, #tpu.memory_space<vmem>> -> memref<1x50xi32, #tpu.memory_space<vmem>>
    %dma_start3A_274 = tpu.memref_squeeze %dma_start3A_273 : memref<1x50xi32, #tpu.memory_space<vmem>> -> memref<50xi32, #tpu.memory_space<vmem>>
    %dma_start3A_275 = arith.constant 0 : i32
    %dma_start3A_276 = arith.constant 0 : i32
    %dma_start3A_277 = tpu.memref_slice %arg2[%dma_start3A_275, %dma_start3A_276] : memref<2000000x64xf32, #tpu.memory_space<hbm>> -> memref<2000000x64xf32, #tpu.memory_space<hbm>>
    tpu.enqueue_indirect_dma source(%dma_start3A_277 : memref<2000000x64xf32, #tpu.memory_space<hbm>>) target(%dma_start3A_271 : memref<50x64xf32, #tpu.memory_space<vmem>>) offsets(%dma_start3A_274 : memref<50xi32, #tpu.memory_space<vmem>>) semaphore(%arg12 : memref<!tpu.dma_semaphore, #tpu.memory_space<semaphore_mem>>)
    %dma_start3A_278 = arith.constant 23 : i32
    %dma_start3A_279 = arith.constant 7 : i32
    %dma_start3A_280 = arith.constant 0 : i32
    %dma_start3A_281 = arith.constant 0 : i32
    %dma_start3A_282 = tpu.memref_slice %arg8[%dma_start3A_279, %dma_start3A_280, %dma_start3A_281] : memref<8x50x64xf32, #tpu.memory_space<vmem>> -> memref<1x50x64xf32, #tpu.memory_space<vmem>>
    %dma_start3A_283 = tpu.memref_squeeze %dma_start3A_282 : memref<1x50x64xf32, #tpu.memory_space<vmem>> -> memref<50x64xf32, #tpu.memory_space<vmem>>
    %dma_start3A_284 = arith.constant 0 : i32
    %dma_start3A_285 = tpu.memref_slice %arg5[%dma_start3A_278, %dma_start3A_284] : memref<512x50xi32, #tpu.memory_space<vmem>> -> memref<1x50xi32, #tpu.memory_space<vmem>>
    %dma_start3A_286 = tpu.memref_squeeze %dma_start3A_285 : memref<1x50xi32, #tpu.memory_space<vmem>> -> memref<50xi32, #tpu.memory_space<vmem>>
    %dma_start3A_287 = arith.constant 0 : i32
    %dma_start3A_288 = arith.constant 0 : i32
    %dma_start3A_289 = tpu.memref_slice %arg2[%dma_start3A_287, %dma_start3A_288] : memref<2000000x64xf32, #tpu.memory_space<hbm>> -> memref<2000000x64xf32, #tpu.memory_space<hbm>>
    tpu.enqueue_indirect_dma source(%dma_start3A_289 : memref<2000000x64xf32, #tpu.memory_space<hbm>>) target(%dma_start3A_283 : memref<50x64xf32, #tpu.memory_space<vmem>>) offsets(%dma_start3A_286 : memref<50xi32, #tpu.memory_space<vmem>>) semaphore(%arg12 : memref<!tpu.dma_semaphore, #tpu.memory_space<semaphore_mem>>)
    %dma_start3A_290 = arith.constant 24 : i32
    %dma_start3A_291 = arith.constant 0 : i32
    %dma_start3A_292 = arith.constant 0 : i32
    %dma_start3A_293 = arith.constant 0 : i32
    %dma_start3A_294 = tpu.memref_slice %arg9[%dma_start3A_291, %dma_start3A_292, %dma_start3A_293] : memref<8x50x64xf32, #tpu.memory_space<vmem>> -> memref<1x50x64xf32, #tpu.memory_space<vmem>>
    %dma_start3A_295 = tpu.memref_squeeze %dma_start3A_294 : memref<1x50x64xf32, #tpu.memory_space<vmem>> -> memref<50x64xf32, #tpu.memory_space<vmem>>
    %dma_start3A_296 = arith.constant 0 : i32
    %dma_start3A_297 = tpu.memref_slice %arg5[%dma_start3A_290, %dma_start3A_296] : memref<512x50xi32, #tpu.memory_space<vmem>> -> memref<1x50xi32, #tpu.memory_space<vmem>>
    %dma_start3A_298 = tpu.memref_squeeze %dma_start3A_297 : memref<1x50xi32, #tpu.memory_space<vmem>> -> memref<50xi32, #tpu.memory_space<vmem>>
    %dma_start3A_299 = arith.constant 0 : i32
    %dma_start3A_300 = arith.constant 0 : i32
    %dma_start3A_301 = tpu.memref_slice %arg2[%dma_start3A_299, %dma_start3A_300] : memref<2000000x64xf32, #tpu.memory_space<hbm>> -> memref<2000000x64xf32, #tpu.memory_space<hbm>>
    tpu.enqueue_indirect_dma source(%dma_start3A_301 : memref<2000000x64xf32, #tpu.memory_space<hbm>>) target(%dma_start3A_295 : memref<50x64xf32, #tpu.memory_space<vmem>>) offsets(%dma_start3A_298 : memref<50xi32, #tpu.memory_space<vmem>>) semaphore(%arg13 : memref<!tpu.dma_semaphore, #tpu.memory_space<semaphore_mem>>)
    %dma_start3A_302 = arith.constant 25 : i32
    %dma_start3A_303 = arith.constant 1 : i32
    %dma_start3A_304 = arith.constant 0 : i32
    %dma_start3A_305 = arith.constant 0 : i32
    %dma_start3A_306 = tpu.memref_slice %arg9[%dma_start3A_303, %dma_start3A_304, %dma_start3A_305] : memref<8x50x64xf32, #tpu.memory_space<vmem>> -> memref<1x50x64xf32, #tpu.memory_space<vmem>>
    %dma_start3A_307 = tpu.memref_squeeze %dma_start3A_306 : memref<1x50x64xf32, #tpu.memory_space<vmem>> -> memref<50x64xf32, #tpu.memory_space<vmem>>
    %dma_start3A_308 = arith.constant 0 : i32
    %dma_start3A_309 = tpu.memref_slice %arg5[%dma_start3A_302, %dma_start3A_308] : memref<512x50xi32, #tpu.memory_space<vmem>> -> memref<1x50xi32, #tpu.memory_space<vmem>>
    %dma_start3A_310 = tpu.memref_squeeze %dma_start3A_309 : memref<1x50xi32, #tpu.memory_space<vmem>> -> memref<50xi32, #tpu.memory_space<vmem>>
    %dma_start3A_311 = arith.constant 0 : i32
    %dma_start3A_312 = arith.constant 0 : i32
    %dma_start3A_313 = tpu.memref_slice %arg2[%dma_start3A_311, %dma_start3A_312] : memref<2000000x64xf32, #tpu.memory_space<hbm>> -> memref<2000000x64xf32, #tpu.memory_space<hbm>>
    tpu.enqueue_indirect_dma source(%dma_start3A_313 : memref<2000000x64xf32, #tpu.memory_space<hbm>>) target(%dma_start3A_307 : memref<50x64xf32, #tpu.memory_space<vmem>>) offsets(%dma_start3A_310 : memref<50xi32, #tpu.memory_space<vmem>>) semaphore(%arg13 : memref<!tpu.dma_semaphore, #tpu.memory_space<semaphore_mem>>)
    %dma_start3A_314 = arith.constant 26 : i32
    %dma_start3A_315 = arith.constant 2 : i32
    %dma_start3A_316 = arith.constant 0 : i32
    %dma_start3A_317 = arith.constant 0 : i32
    %dma_start3A_318 = tpu.memref_slice %arg9[%dma_start3A_315, %dma_start3A_316, %dma_start3A_317] : memref<8x50x64xf32, #tpu.memory_space<vmem>> -> memref<1x50x64xf32, #tpu.memory_space<vmem>>
    %dma_start3A_319 = tpu.memref_squeeze %dma_start3A_318 : memref<1x50x64xf32, #tpu.memory_space<vmem>> -> memref<50x64xf32, #tpu.memory_space<vmem>>
    %dma_start3A_320 = arith.constant 0 : i32
    %dma_start3A_321 = tpu.memref_slice %arg5[%dma_start3A_314, %dma_start3A_320] : memref<512x50xi32, #tpu.memory_space<vmem>> -> memref<1x50xi32, #tpu.memory_space<vmem>>
    %dma_start3A_322 = tpu.memref_squeeze %dma_start3A_321 : memref<1x50xi32, #tpu.memory_space<vmem>> -> memref<50xi32, #tpu.memory_space<vmem>>
    %dma_start3A_323 = arith.constant 0 : i32
    %dma_start3A_324 = arith.constant 0 : i32
    %dma_start3A_325 = tpu.memref_slice %arg2[%dma_start3A_323, %dma_start3A_324] : memref<2000000x64xf32, #tpu.memory_space<hbm>> -> memref<2000000x64xf32, #tpu.memory_space<hbm>>
    tpu.enqueue_indirect_dma source(%dma_start3A_325 : memref<2000000x64xf32, #tpu.memory_space<hbm>>) target(%dma_start3A_319 : memref<50x64xf32, #tpu.memory_space<vmem>>) offsets(%dma_start3A_322 : memref<50xi32, #tpu.memory_space<vmem>>) semaphore(%arg13 : memref<!tpu.dma_semaphore, #tpu.memory_space<semaphore_mem>>)
    %dma_start3A_326 = arith.constant 27 : i32
    %dma_start3A_327 = arith.constant 3 : i32
    %dma_start3A_328 = arith.constant 0 : i32
    %dma_start3A_329 = arith.constant 0 : i32
    %dma_start3A_330 = tpu.memref_slice %arg9[%dma_start3A_327, %dma_start3A_328, %dma_start3A_329] : memref<8x50x64xf32, #tpu.memory_space<vmem>> -> memref<1x50x64xf32, #tpu.memory_space<vmem>>
    %dma_start3A_331 = tpu.memref_squeeze %dma_start3A_330 : memref<1x50x64xf32, #tpu.memory_space<vmem>> -> memref<50x64xf32, #tpu.memory_space<vmem>>
    %dma_start3A_332 = arith.constant 0 : i32
    %dma_start3A_333 = tpu.memref_slice %arg5[%dma_start3A_326, %dma_start3A_332] : memref<512x50xi32, #tpu.memory_space<vmem>> -> memref<1x50xi32, #tpu.memory_space<vmem>>
    %dma_start3A_334 = tpu.memref_squeeze %dma_start3A_333 : memref<1x50xi32, #tpu.memory_space<vmem>> -> memref<50xi32, #tpu.memory_space<vmem>>
    %dma_start3A_335 = arith.constant 0 : i32
    %dma_start3A_336 = arith.constant 0 : i32
    %dma_start3A_337 = tpu.memref_slice %arg2[%dma_start3A_335, %dma_start3A_336] : memref<2000000x64xf32, #tpu.memory_space<hbm>> -> memref<2000000x64xf32, #tpu.memory_space<hbm>>
    tpu.enqueue_indirect_dma source(%dma_start3A_337 : memref<2000000x64xf32, #tpu.memory_space<hbm>>) target(%dma_start3A_331 : memref<50x64xf32, #tpu.memory_space<vmem>>) offsets(%dma_start3A_334 : memref<50xi32, #tpu.memory_space<vmem>>) semaphore(%arg13 : memref<!tpu.dma_semaphore, #tpu.memory_space<semaphore_mem>>)
    %dma_start3A_338 = arith.constant 28 : i32
    %dma_start3A_339 = arith.constant 4 : i32
    %dma_start3A_340 = arith.constant 0 : i32
    %dma_start3A_341 = arith.constant 0 : i32
    %dma_start3A_342 = tpu.memref_slice %arg9[%dma_start3A_339, %dma_start3A_340, %dma_start3A_341] : memref<8x50x64xf32, #tpu.memory_space<vmem>> -> memref<1x50x64xf32, #tpu.memory_space<vmem>>
    %dma_start3A_343 = tpu.memref_squeeze %dma_start3A_342 : memref<1x50x64xf32, #tpu.memory_space<vmem>> -> memref<50x64xf32, #tpu.memory_space<vmem>>
    %dma_start3A_344 = arith.constant 0 : i32
    %dma_start3A_345 = tpu.memref_slice %arg5[%dma_start3A_338, %dma_start3A_344] : memref<512x50xi32, #tpu.memory_space<vmem>> -> memref<1x50xi32, #tpu.memory_space<vmem>>
    %dma_start3A_346 = tpu.memref_squeeze %dma_start3A_345 : memref<1x50xi32, #tpu.memory_space<vmem>> -> memref<50xi32, #tpu.memory_space<vmem>>
    %dma_start3A_347 = arith.constant 0 : i32
    %dma_start3A_348 = arith.constant 0 : i32
    %dma_start3A_349 = tpu.memref_slice %arg2[%dma_start3A_347, %dma_start3A_348] : memref<2000000x64xf32, #tpu.memory_space<hbm>> -> memref<2000000x64xf32, #tpu.memory_space<hbm>>
    tpu.enqueue_indirect_dma source(%dma_start3A_349 : memref<2000000x64xf32, #tpu.memory_space<hbm>>) target(%dma_start3A_343 : memref<50x64xf32, #tpu.memory_space<vmem>>) offsets(%dma_start3A_346 : memref<50xi32, #tpu.memory_space<vmem>>) semaphore(%arg13 : memref<!tpu.dma_semaphore, #tpu.memory_space<semaphore_mem>>)
    %dma_start3A_350 = arith.constant 29 : i32
    %dma_start3A_351 = arith.constant 5 : i32
    %dma_start3A_352 = arith.constant 0 : i32
    %dma_start3A_353 = arith.constant 0 : i32
    %dma_start3A_354 = tpu.memref_slice %arg9[%dma_start3A_351, %dma_start3A_352, %dma_start3A_353] : memref<8x50x64xf32, #tpu.memory_space<vmem>> -> memref<1x50x64xf32, #tpu.memory_space<vmem>>
    %dma_start3A_355 = tpu.memref_squeeze %dma_start3A_354 : memref<1x50x64xf32, #tpu.memory_space<vmem>> -> memref<50x64xf32, #tpu.memory_space<vmem>>
    %dma_start3A_356 = arith.constant 0 : i32
    %dma_start3A_357 = tpu.memref_slice %arg5[%dma_start3A_350, %dma_start3A_356] : memref<512x50xi32, #tpu.memory_space<vmem>> -> memref<1x50xi32, #tpu.memory_space<vmem>>
    %dma_start3A_358 = tpu.memref_squeeze %dma_start3A_357 : memref<1x50xi32, #tpu.memory_space<vmem>> -> memref<50xi32, #tpu.memory_space<vmem>>
    %dma_start3A_359 = arith.constant 0 : i32
    %dma_start3A_360 = arith.constant 0 : i32
    %dma_start3A_361 = tpu.memref_slice %arg2[%dma_start3A_359, %dma_start3A_360] : memref<2000000x64xf32, #tpu.memory_space<hbm>> -> memref<2000000x64xf32, #tpu.memory_space<hbm>>
    tpu.enqueue_indirect_dma source(%dma_start3A_361 : memref<2000000x64xf32, #tpu.memory_space<hbm>>) target(%dma_start3A_355 : memref<50x64xf32, #tpu.memory_space<vmem>>) offsets(%dma_start3A_358 : memref<50xi32, #tpu.memory_space<vmem>>) semaphore(%arg13 : memref<!tpu.dma_semaphore, #tpu.memory_space<semaphore_mem>>)
    %dma_start3A_362 = arith.constant 30 : i32
    %dma_start3A_363 = arith.constant 6 : i32
    %dma_start3A_364 = arith.constant 0 : i32
    %dma_start3A_365 = arith.constant 0 : i32
    %dma_start3A_366 = tpu.memref_slice %arg9[%dma_start3A_363, %dma_start3A_364, %dma_start3A_365] : memref<8x50x64xf32, #tpu.memory_space<vmem>> -> memref<1x50x64xf32, #tpu.memory_space<vmem>>
    %dma_start3A_367 = tpu.memref_squeeze %dma_start3A_366 : memref<1x50x64xf32, #tpu.memory_space<vmem>> -> memref<50x64xf32, #tpu.memory_space<vmem>>
    %dma_start3A_368 = arith.constant 0 : i32
    %dma_start3A_369 = tpu.memref_slice %arg5[%dma_start3A_362, %dma_start3A_368] : memref<512x50xi32, #tpu.memory_space<vmem>> -> memref<1x50xi32, #tpu.memory_space<vmem>>
    %dma_start3A_370 = tpu.memref_squeeze %dma_start3A_369 : memref<1x50xi32, #tpu.memory_space<vmem>> -> memref<50xi32, #tpu.memory_space<vmem>>
    %dma_start3A_371 = arith.constant 0 : i32
    %dma_start3A_372 = arith.constant 0 : i32
    %dma_start3A_373 = tpu.memref_slice %arg2[%dma_start3A_371, %dma_start3A_372] : memref<2000000x64xf32, #tpu.memory_space<hbm>> -> memref<2000000x64xf32, #tpu.memory_space<hbm>>
    tpu.enqueue_indirect_dma source(%dma_start3A_373 : memref<2000000x64xf32, #tpu.memory_space<hbm>>) target(%dma_start3A_367 : memref<50x64xf32, #tpu.memory_space<vmem>>) offsets(%dma_start3A_370 : memref<50xi32, #tpu.memory_space<vmem>>) semaphore(%arg13 : memref<!tpu.dma_semaphore, #tpu.memory_space<semaphore_mem>>)
    %dma_start3A_374 = arith.constant 31 : i32
    %dma_start3A_375 = arith.constant 7 : i32
    %dma_start3A_376 = arith.constant 0 : i32
    %dma_start3A_377 = arith.constant 0 : i32
    %dma_start3A_378 = tpu.memref_slice %arg9[%dma_start3A_375, %dma_start3A_376, %dma_start3A_377] : memref<8x50x64xf32, #tpu.memory_space<vmem>> -> memref<1x50x64xf32, #tpu.memory_space<vmem>>
    %dma_start3A_379 = tpu.memref_squeeze %dma_start3A_378 : memref<1x50x64xf32, #tpu.memory_space<vmem>> -> memref<50x64xf32, #tpu.memory_space<vmem>>
    %dma_start3A_380 = arith.constant 0 : i32
    %dma_start3A_381 = tpu.memref_slice %arg5[%dma_start3A_374, %dma_start3A_380] : memref<512x50xi32, #tpu.memory_space<vmem>> -> memref<1x50xi32, #tpu.memory_space<vmem>>
    %dma_start3A_382 = tpu.memref_squeeze %dma_start3A_381 : memref<1x50xi32, #tpu.memory_space<vmem>> -> memref<50xi32, #tpu.memory_space<vmem>>
    %dma_start3A_383 = arith.constant 0 : i32
    %dma_start3A_384 = arith.constant 0 : i32
    %dma_start3A_385 = tpu.memref_slice %arg2[%dma_start3A_383, %dma_start3A_384] : memref<2000000x64xf32, #tpu.memory_space<hbm>> -> memref<2000000x64xf32, #tpu.memory_space<hbm>>
    tpu.enqueue_indirect_dma source(%dma_start3A_385 : memref<2000000x64xf32, #tpu.memory_space<hbm>>) target(%dma_start3A_379 : memref<50x64xf32, #tpu.memory_space<vmem>>) offsets(%dma_start3A_382 : memref<50xi32, #tpu.memory_space<vmem>>) semaphore(%arg13 : memref<!tpu.dma_semaphore, #tpu.memory_space<semaphore_mem>>)
    %scan3A = arith.constant 0 : i32
    %scan3A_386 = arith.constant 0 : i32
    %scan3A_387 = arith.constant 16 : i32
    %scan3A_388 = arith.addi %scan3A_386, %scan3A_387 : i32
    %scan3A_389 = arith.constant 1 : i32
    scf.for %scan3A_422 = %scan3A_386 to %scan3A_388 step %scan3A_389  : i32 {
      %mul3A_423 = arith.constant 4 : i32
      %mul3A_424 = arith.muli %scan3A_422, %mul3A_423 : i32
      %add3A_425 = arith.constant 0 : i32
      %add3A_426 = arith.addi %mul3A_424, %add3A_425 : i32
      %mul3A_427 = arith.constant 8 : i32
      %mul3A_428 = arith.muli %add3A_426, %mul3A_427 : i32
      %add3A_429 = arith.constant 0 : i32
      %add3A_430 = arith.addi %mul3A_428, %add3A_429 : i32
      %dma_wait3A_431 = arith.constant 0 : i32
      %dma_wait3A_432 = arith.constant 0 : i32
      %dma_wait3A_433 = arith.constant 0 : i32
      %dma_wait3A_434 = tpu.memref_slice %arg6[%dma_wait3A_431, %dma_wait3A_432, %dma_wait3A_433] : memref<8x50x64xf32, #tpu.memory_space<vmem>> -> memref<1x50x64xf32, #tpu.memory_space<vmem>>
      %dma_wait3A_435 = tpu.memref_squeeze %dma_wait3A_434 : memref<1x50x64xf32, #tpu.memory_space<vmem>> -> memref<50x64xf32, #tpu.memory_space<vmem>>
      %dma_wait3A_436 = arith.constant 0 : i32
      %dma_wait3A_437 = tpu.memref_slice %arg5[%add3A_430, %dma_wait3A_436] : memref<512x50xi32, #tpu.memory_space<vmem>> -> memref<1x50xi32, #tpu.memory_space<vmem>>
      %dma_wait3A_438 = tpu.memref_squeeze %dma_wait3A_437 : memref<1x50xi32, #tpu.memory_space<vmem>> -> memref<50xi32, #tpu.memory_space<vmem>>
      %dma_wait3A_439 = arith.constant 0 : i32
      %dma_wait3A_440 = arith.constant 0 : i32
      %dma_wait3A_441 = tpu.memref_slice %arg2[%dma_wait3A_439, %dma_wait3A_440] : memref<2000000x64xf32, #tpu.memory_space<hbm>> -> memref<2000000x64xf32, #tpu.memory_space<hbm>>
      tpu.wait_indirect_dma semaphore(%arg10 : memref<!tpu.dma_semaphore, #tpu.memory_space<semaphore_mem>>) src(%dma_wait3A_441 : memref<2000000x64xf32, #tpu.memory_space<hbm>>) dst(%dma_wait3A_435 : memref<50x64xf32, #tpu.memory_space<vmem>>)
      %mul3A_442 = arith.constant 8 : i32
      %mul3A_443 = arith.muli %add3A_426, %mul3A_442 : i32
      %add3A_444 = arith.constant 1 : i32
      %add3A_445 = arith.addi %mul3A_443, %add3A_444 : i32
      %dma_wait3A_446 = arith.constant 1 : i32
      %dma_wait3A_447 = arith.constant 0 : i32
      %dma_wait3A_448 = arith.constant 0 : i32
      %dma_wait3A_449 = tpu.memref_slice %arg6[%dma_wait3A_446, %dma_wait3A_447, %dma_wait3A_448] : memref<8x50x64xf32, #tpu.memory_space<vmem>> -> memref<1x50x64xf32, #tpu.memory_space<vmem>>
      %dma_wait3A_450 = tpu.memref_squeeze %dma_wait3A_449 : memref<1x50x64xf32, #tpu.memory_space<vmem>> -> memref<50x64xf32, #tpu.memory_space<vmem>>
      %dma_wait3A_451 = arith.constant 0 : i32
      %dma_wait3A_452 = tpu.memref_slice %arg5[%add3A_445, %dma_wait3A_451] : memref<512x50xi32, #tpu.memory_space<vmem>> -> memref<1x50xi32, #tpu.memory_space<vmem>>
      %dma_wait3A_453 = tpu.memref_squeeze %dma_wait3A_452 : memref<1x50xi32, #tpu.memory_space<vmem>> -> memref<50xi32, #tpu.memory_space<vmem>>
      %dma_wait3A_454 = arith.constant 0 : i32
      %dma_wait3A_455 = arith.constant 0 : i32
      %dma_wait3A_456 = tpu.memref_slice %arg2[%dma_wait3A_454, %dma_wait3A_455] : memref<2000000x64xf32, #tpu.memory_space<hbm>> -> memref<2000000x64xf32, #tpu.memory_space<hbm>>
      tpu.wait_indirect_dma semaphore(%arg10 : memref<!tpu.dma_semaphore, #tpu.memory_space<semaphore_mem>>) src(%dma_wait3A_456 : memref<2000000x64xf32, #tpu.memory_space<hbm>>) dst(%dma_wait3A_450 : memref<50x64xf32, #tpu.memory_space<vmem>>)
      %mul3A_457 = arith.constant 8 : i32
      %mul3A_458 = arith.muli %add3A_426, %mul3A_457 : i32
      %add3A_459 = arith.constant 2 : i32
      %add3A_460 = arith.addi %mul3A_458, %add3A_459 : i32
      %dma_wait3A_461 = arith.constant 2 : i32
      %dma_wait3A_462 = arith.constant 0 : i32
      %dma_wait3A_463 = arith.constant 0 : i32
      %dma_wait3A_464 = tpu.memref_slice %arg6[%dma_wait3A_461, %dma_wait3A_462, %dma_wait3A_463] : memref<8x50x64xf32, #tpu.memory_space<vmem>> -> memref<1x50x64xf32, #tpu.memory_space<vmem>>
      %dma_wait3A_465 = tpu.memref_squeeze %dma_wait3A_464 : memref<1x50x64xf32, #tpu.memory_space<vmem>> -> memref<50x64xf32, #tpu.memory_space<vmem>>
      %dma_wait3A_466 = arith.constant 0 : i32
      %dma_wait3A_467 = tpu.memref_slice %arg5[%add3A_460, %dma_wait3A_466] : memref<512x50xi32, #tpu.memory_space<vmem>> -> memref<1x50xi32, #tpu.memory_space<vmem>>
      %dma_wait3A_468 = tpu.memref_squeeze %dma_wait3A_467 : memref<1x50xi32, #tpu.memory_space<vmem>> -> memref<50xi32, #tpu.memory_space<vmem>>
      %dma_wait3A_469 = arith.constant 0 : i32
      %dma_wait3A_470 = arith.constant 0 : i32
      %dma_wait3A_471 = tpu.memref_slice %arg2[%dma_wait3A_469, %dma_wait3A_470] : memref<2000000x64xf32, #tpu.memory_space<hbm>> -> memref<2000000x64xf32, #tpu.memory_space<hbm>>
      tpu.wait_indirect_dma semaphore(%arg10 : memref<!tpu.dma_semaphore, #tpu.memory_space<semaphore_mem>>) src(%dma_wait3A_471 : memref<2000000x64xf32, #tpu.memory_space<hbm>>) dst(%dma_wait3A_465 : memref<50x64xf32, #tpu.memory_space<vmem>>)
      %mul3A_472 = arith.constant 8 : i32
      %mul3A_473 = arith.muli %add3A_426, %mul3A_472 : i32
      %add3A_474 = arith.constant 3 : i32
      %add3A_475 = arith.addi %mul3A_473, %add3A_474 : i32
      %dma_wait3A_476 = arith.constant 3 : i32
      %dma_wait3A_477 = arith.constant 0 : i32
      %dma_wait3A_478 = arith.constant 0 : i32
      %dma_wait3A_479 = tpu.memref_slice %arg6[%dma_wait3A_476, %dma_wait3A_477, %dma_wait3A_478] : memref<8x50x64xf32, #tpu.memory_space<vmem>> -> memref<1x50x64xf32, #tpu.memory_space<vmem>>
      %dma_wait3A_480 = tpu.memref_squeeze %dma_wait3A_479 : memref<1x50x64xf32, #tpu.memory_space<vmem>> -> memref<50x64xf32, #tpu.memory_space<vmem>>
      %dma_wait3A_481 = arith.constant 0 : i32
      %dma_wait3A_482 = tpu.memref_slice %arg5[%add3A_475, %dma_wait3A_481] : memref<512x50xi32, #tpu.memory_space<vmem>> -> memref<1x50xi32, #tpu.memory_space<vmem>>
      %dma_wait3A_483 = tpu.memref_squeeze %dma_wait3A_482 : memref<1x50xi32, #tpu.memory_space<vmem>> -> memref<50xi32, #tpu.memory_space<vmem>>
      %dma_wait3A_484 = arith.constant 0 : i32
      %dma_wait3A_485 = arith.constant 0 : i32
      %dma_wait3A_486 = tpu.memref_slice %arg2[%dma_wait3A_484, %dma_wait3A_485] : memref<2000000x64xf32, #tpu.memory_space<hbm>> -> memref<2000000x64xf32, #tpu.memory_space<hbm>>
      tpu.wait_indirect_dma semaphore(%arg10 : memref<!tpu.dma_semaphore, #tpu.memory_space<semaphore_mem>>) src(%dma_wait3A_486 : memref<2000000x64xf32, #tpu.memory_space<hbm>>) dst(%dma_wait3A_480 : memref<50x64xf32, #tpu.memory_space<vmem>>)
      %mul3A_487 = arith.constant 8 : i32
      %mul3A_488 = arith.muli %add3A_426, %mul3A_487 : i32
      %add3A_489 = arith.constant 4 : i32
      %add3A_490 = arith.addi %mul3A_488, %add3A_489 : i32
      %dma_wait3A_491 = arith.constant 4 : i32
      %dma_wait3A_492 = arith.constant 0 : i32
      %dma_wait3A_493 = arith.constant 0 : i32
      %dma_wait3A_494 = tpu.memref_slice %arg6[%dma_wait3A_491, %dma_wait3A_492, %dma_wait3A_493] : memref<8x50x64xf32, #tpu.memory_space<vmem>> -> memref<1x50x64xf32, #tpu.memory_space<vmem>>
      %dma_wait3A_495 = tpu.memref_squeeze %dma_wait3A_494 : memref<1x50x64xf32, #tpu.memory_space<vmem>> -> memref<50x64xf32, #tpu.memory_space<vmem>>
      %dma_wait3A_496 = arith.constant 0 : i32
      %dma_wait3A_497 = tpu.memref_slice %arg5[%add3A_490, %dma_wait3A_496] : memref<512x50xi32, #tpu.memory_space<vmem>> -> memref<1x50xi32, #tpu.memory_space<vmem>>
      %dma_wait3A_498 = tpu.memref_squeeze %dma_wait3A_497 : memref<1x50xi32, #tpu.memory_space<vmem>> -> memref<50xi32, #tpu.memory_space<vmem>>
      %dma_wait3A_499 = arith.constant 0 : i32
      %dma_wait3A_500 = arith.constant 0 : i32
      %dma_wait3A_501 = tpu.memref_slice %arg2[%dma_wait3A_499, %dma_wait3A_500] : memref<2000000x64xf32, #tpu.memory_space<hbm>> -> memref<2000000x64xf32, #tpu.memory_space<hbm>>
      tpu.wait_indirect_dma semaphore(%arg10 : memref<!tpu.dma_semaphore, #tpu.memory_space<semaphore_mem>>) src(%dma_wait3A_501 : memref<2000000x64xf32, #tpu.memory_space<hbm>>) dst(%dma_wait3A_495 : memref<50x64xf32, #tpu.memory_space<vmem>>)
      %mul3A_502 = arith.constant 8 : i32
      %mul3A_503 = arith.muli %add3A_426, %mul3A_502 : i32
      %add3A_504 = arith.constant 5 : i32
      %add3A_505 = arith.addi %mul3A_503, %add3A_504 : i32
      %dma_wait3A_506 = arith.constant 5 : i32
      %dma_wait3A_507 = arith.constant 0 : i32
      %dma_wait3A_508 = arith.constant 0 : i32
      %dma_wait3A_509 = tpu.memref_slice %arg6[%dma_wait3A_506, %dma_wait3A_507, %dma_wait3A_508] : memref<8x50x64xf32, #tpu.memory_space<vmem>> -> memref<1x50x64xf32, #tpu.memory_space<vmem>>
      %dma_wait3A_510 = tpu.memref_squeeze %dma_wait3A_509 : memref<1x50x64xf32, #tpu.memory_space<vmem>> -> memref<50x64xf32, #tpu.memory_space<vmem>>
      %dma_wait3A_511 = arith.constant 0 : i32
      %dma_wait3A_512 = tpu.memref_slice %arg5[%add3A_505, %dma_wait3A_511] : memref<512x50xi32, #tpu.memory_space<vmem>> -> memref<1x50xi32, #tpu.memory_space<vmem>>
      %dma_wait3A_513 = tpu.memref_squeeze %dma_wait3A_512 : memref<1x50xi32, #tpu.memory_space<vmem>> -> memref<50xi32, #tpu.memory_space<vmem>>
      %dma_wait3A_514 = arith.constant 0 : i32
      %dma_wait3A_515 = arith.constant 0 : i32
      %dma_wait3A_516 = tpu.memref_slice %arg2[%dma_wait3A_514, %dma_wait3A_515] : memref<2000000x64xf32, #tpu.memory_space<hbm>> -> memref<2000000x64xf32, #tpu.memory_space<hbm>>
      tpu.wait_indirect_dma semaphore(%arg10 : memref<!tpu.dma_semaphore, #tpu.memory_space<semaphore_mem>>) src(%dma_wait3A_516 : memref<2000000x64xf32, #tpu.memory_space<hbm>>) dst(%dma_wait3A_510 : memref<50x64xf32, #tpu.memory_space<vmem>>)
      %mul3A_517 = arith.constant 8 : i32
      %mul3A_518 = arith.muli %add3A_426, %mul3A_517 : i32
      %add3A_519 = arith.constant 6 : i32
      %add3A_520 = arith.addi %mul3A_518, %add3A_519 : i32
      %dma_wait3A_521 = arith.constant 6 : i32
      %dma_wait3A_522 = arith.constant 0 : i32
      %dma_wait3A_523 = arith.constant 0 : i32
      %dma_wait3A_524 = tpu.memref_slice %arg6[%dma_wait3A_521, %dma_wait3A_522, %dma_wait3A_523] : memref<8x50x64xf32, #tpu.memory_space<vmem>> -> memref<1x50x64xf32, #tpu.memory_space<vmem>>
      %dma_wait3A_525 = tpu.memref_squeeze %dma_wait3A_524 : memref<1x50x64xf32, #tpu.memory_space<vmem>> -> memref<50x64xf32, #tpu.memory_space<vmem>>
      %dma_wait3A_526 = arith.constant 0 : i32
      %dma_wait3A_527 = tpu.memref_slice %arg5[%add3A_520, %dma_wait3A_526] : memref<512x50xi32, #tpu.memory_space<vmem>> -> memref<1x50xi32, #tpu.memory_space<vmem>>
      %dma_wait3A_528 = tpu.memref_squeeze %dma_wait3A_527 : memref<1x50xi32, #tpu.memory_space<vmem>> -> memref<50xi32, #tpu.memory_space<vmem>>
      %dma_wait3A_529 = arith.constant 0 : i32
      %dma_wait3A_530 = arith.constant 0 : i32
      %dma_wait3A_531 = tpu.memref_slice %arg2[%dma_wait3A_529, %dma_wait3A_530] : memref<2000000x64xf32, #tpu.memory_space<hbm>> -> memref<2000000x64xf32, #tpu.memory_space<hbm>>
      tpu.wait_indirect_dma semaphore(%arg10 : memref<!tpu.dma_semaphore, #tpu.memory_space<semaphore_mem>>) src(%dma_wait3A_531 : memref<2000000x64xf32, #tpu.memory_space<hbm>>) dst(%dma_wait3A_525 : memref<50x64xf32, #tpu.memory_space<vmem>>)
      %mul3A_532 = arith.constant 8 : i32
      %mul3A_533 = arith.muli %add3A_426, %mul3A_532 : i32
      %add3A_534 = arith.constant 7 : i32
      %add3A_535 = arith.addi %mul3A_533, %add3A_534 : i32
      %dma_wait3A_536 = arith.constant 7 : i32
      %dma_wait3A_537 = arith.constant 0 : i32
      %dma_wait3A_538 = arith.constant 0 : i32
      %dma_wait3A_539 = tpu.memref_slice %arg6[%dma_wait3A_536, %dma_wait3A_537, %dma_wait3A_538] : memref<8x50x64xf32, #tpu.memory_space<vmem>> -> memref<1x50x64xf32, #tpu.memory_space<vmem>>
      %dma_wait3A_540 = tpu.memref_squeeze %dma_wait3A_539 : memref<1x50x64xf32, #tpu.memory_space<vmem>> -> memref<50x64xf32, #tpu.memory_space<vmem>>
      %dma_wait3A_541 = arith.constant 0 : i32
      %dma_wait3A_542 = tpu.memref_slice %arg5[%add3A_535, %dma_wait3A_541] : memref<512x50xi32, #tpu.memory_space<vmem>> -> memref<1x50xi32, #tpu.memory_space<vmem>>
      %dma_wait3A_543 = tpu.memref_squeeze %dma_wait3A_542 : memref<1x50xi32, #tpu.memory_space<vmem>> -> memref<50xi32, #tpu.memory_space<vmem>>
      %dma_wait3A_544 = arith.constant 0 : i32
      %dma_wait3A_545 = arith.constant 0 : i32
      %dma_wait3A_546 = tpu.memref_slice %arg2[%dma_wait3A_544, %dma_wait3A_545] : memref<2000000x64xf32, #tpu.memory_space<hbm>> -> memref<2000000x64xf32, #tpu.memory_space<hbm>>
      tpu.wait_indirect_dma semaphore(%arg10 : memref<!tpu.dma_semaphore, #tpu.memory_space<semaphore_mem>>) src(%dma_wait3A_546 : memref<2000000x64xf32, #tpu.memory_space<hbm>>) dst(%dma_wait3A_540 : memref<50x64xf32, #tpu.memory_space<vmem>>)
      %mul3A_547 = arith.constant 8 : i32
      %mul3A_548 = arith.muli %add3A_426, %mul3A_547 : i32
      %add3A_549 = arith.addi %mul3A_2, %mul3A_548 : i32
      %dma_start3A_550 = arith.constant 0 : i32
      %dma_start3A_551 = arith.constant 0 : i32
      %dma_start3A_552 = tpu.memref_slice %arg4[%add3A_549, %dma_start3A_550, %dma_start3A_551] : memref<16384x56x128xf32, #tpu.memory_space<hbm>> -> memref<8x50x64xf32, #tpu.memory_space<hbm>>
      %dma_start3A_553 = arith.constant 0 : i32
      %dma_start3A_554 = arith.constant 0 : i32
      %dma_start3A_555 = tpu.memref_slice %arg4[%add3A_549, %dma_start3A_553, %dma_start3A_554] : memref<16384x56x128xf32, #tpu.memory_space<hbm>> -> memref<8x50x64xf32, #tpu.memory_space<hbm>>
      tpu.enqueue_dma source(%arg6 : memref<8x50x64xf32, #tpu.memory_space<vmem>>) target(%dma_start3A_555 : memref<8x50x64xf32, #tpu.memory_space<hbm>>) target_semaphore(%arg14 : memref<!tpu.dma_semaphore, #tpu.memory_space<semaphore_mem>>)
      %add3A_556 = arith.constant 4 : i32
      %add3A_557 = arith.addi %add3A_426, %add3A_556 : i32
      %lt3A = arith.constant 64 : i32
      %lt3A_558 = arith.cmpi slt, %add3A_557, %lt3A : i32
      %convert_element_type3A = arith.extui %lt3A_558 : i1 to i32
      %cond3A = arith.constant 0 : i32
      %cond3A_559 = arith.cmpi ne, %convert_element_type3A, %cond3A : i32
      scf.if %cond3A_559 {
        %mul3A_980 = arith.constant 8 : i32
        %mul3A_981 = arith.muli %add3A_426, %mul3A_980 : i32
        %add3A_982 = arith.addi %mul3A_2, %mul3A_981 : i32
        %dma_wait3A_983 = arith.constant 0 : i32
        %dma_wait3A_984 = arith.constant 0 : i32
        %dma_wait3A_985 = tpu.memref_slice %arg4[%add3A_982, %dma_wait3A_983, %dma_wait3A_984] : memref<16384x56x128xf32, #tpu.memory_space<hbm>> -> memref<8x50x64xf32, #tpu.memory_space<hbm>>
        %dma_wait3A_986 = arith.constant 0 : i32
        %dma_wait3A_987 = arith.constant 0 : i32
        %dma_wait3A_988 = tpu.memref_slice %arg4[%add3A_982, %dma_wait3A_986, %dma_wait3A_987] : memref<16384x56x128xf32, #tpu.memory_space<hbm>> -> memref<8x50x64xf32, #tpu.memory_space<hbm>>
        tpu.wait_dma2 semaphore(%arg14 : memref<!tpu.dma_semaphore, #tpu.memory_space<semaphore_mem>>) src(%arg6 : memref<8x50x64xf32, #tpu.memory_space<vmem>>) dst(%dma_wait3A_988 : memref<8x50x64xf32, #tpu.memory_space<hbm>>)
        %add3A_989 = arith.constant 4 : i32
        %add3A_990 = arith.addi %add3A_426, %add3A_989 : i32
        %mul3A_991 = arith.constant 8 : i32
        %mul3A_992 = arith.muli %add3A_990, %mul3A_991 : i32
        %add3A_993 = arith.constant 0 : i32
        %add3A_994 = arith.addi %mul3A_992, %add3A_993 : i32
        %dma_start3A_995 = arith.constant 0 : i32
        %dma_start3A_996 = arith.constant 0 : i32
        %dma_start3A_997 = arith.constant 0 : i32
        %dma_start3A_998 = tpu.memref_slice %arg6[%dma_start3A_995, %dma_start3A_996, %dma_start3A_997] : memref<8x50x64xf32, #tpu.memory_space<vmem>> -> memref<1x50x64xf32, #tpu.memory_space<vmem>>
        %dma_start3A_999 = tpu.memref_squeeze %dma_start3A_998 : memref<1x50x64xf32, #tpu.memory_space<vmem>> -> memref<50x64xf32, #tpu.memory_space<vmem>>
        %dma_start3A_1000 = arith.constant 0 : i32
        %dma_start3A_1001 = tpu.memref_slice %arg5[%add3A_994, %dma_start3A_1000] : memref<512x50xi32, #tpu.memory_space<vmem>> -> memref<1x50xi32, #tpu.memory_space<vmem>>
        %dma_start3A_1002 = tpu.memref_squeeze %dma_start3A_1001 : memref<1x50xi32, #tpu.memory_space<vmem>> -> memref<50xi32, #tpu.memory_space<vmem>>
        %dma_start3A_1003 = arith.constant 0 : i32
        %dma_start3A_1004 = arith.constant 0 : i32
        %dma_start3A_1005 = tpu.memref_slice %arg2[%dma_start3A_1003, %dma_start3A_1004] : memref<2000000x64xf32, #tpu.memory_space<hbm>> -> memref<2000000x64xf32, #tpu.memory_space<hbm>>
        tpu.enqueue_indirect_dma source(%dma_start3A_1005 : memref<2000000x64xf32, #tpu.memory_space<hbm>>) target(%dma_start3A_999 : memref<50x64xf32, #tpu.memory_space<vmem>>) offsets(%dma_start3A_1002 : memref<50xi32, #tpu.memory_space<vmem>>) semaphore(%arg10 : memref<!tpu.dma_semaphore, #tpu.memory_space<semaphore_mem>>)
        %mul3A_1006 = arith.constant 8 : i32
        %mul3A_1007 = arith.muli %add3A_990, %mul3A_1006 : i32
        %add3A_1008 = arith.constant 1 : i32
        %add3A_1009 = arith.addi %mul3A_1007, %add3A_1008 : i32
        %dma_start3A_1010 = arith.constant 1 : i32
        %dma_start3A_1011 = arith.constant 0 : i32
        %dma_start3A_1012 = arith.constant 0 : i32
        %dma_start3A_1013 = tpu.memref_slice %arg6[%dma_start3A_1010, %dma_start3A_1011, %dma_start3A_1012] : memref<8x50x64xf32, #tpu.memory_space<vmem>> -> memref<1x50x64xf32, #tpu.memory_space<vmem>>
        %dma_start3A_1014 = tpu.memref_squeeze %dma_start3A_1013 : memref<1x50x64xf32, #tpu.memory_space<vmem>> -> memref<50x64xf32, #tpu.memory_space<vmem>>
        %dma_start3A_1015 = arith.constant 0 : i32
        %dma_start3A_1016 = tpu.memref_slice %arg5[%add3A_1009, %dma_start3A_1015] : memref<512x50xi32, #tpu.memory_space<vmem>> -> memref<1x50xi32, #tpu.memory_space<vmem>>
        %dma_start3A_1017 = tpu.memref_squeeze %dma_start3A_1016 : memref<1x50xi32, #tpu.memory_space<vmem>> -> memref<50xi32, #tpu.memory_space<vmem>>
        %dma_start3A_1018 = arith.constant 0 : i32
        %dma_start3A_1019 = arith.constant 0 : i32
        %dma_start3A_1020 = tpu.memref_slice %arg2[%dma_start3A_1018, %dma_start3A_1019] : memref<2000000x64xf32, #tpu.memory_space<hbm>> -> memref<2000000x64xf32, #tpu.memory_space<hbm>>
        tpu.enqueue_indirect_dma source(%dma_start3A_1020 : memref<2000000x64xf32, #tpu.memory_space<hbm>>) target(%dma_start3A_1014 : memref<50x64xf32, #tpu.memory_space<vmem>>) offsets(%dma_start3A_1017 : memref<50xi32, #tpu.memory_space<vmem>>) semaphore(%arg10 : memref<!tpu.dma_semaphore, #tpu.memory_space<semaphore_mem>>)
        %mul3A_1021 = arith.constant 8 : i32
        %mul3A_1022 = arith.muli %add3A_990, %mul3A_1021 : i32
        %add3A_1023 = arith.constant 2 : i32
        %add3A_1024 = arith.addi %mul3A_1022, %add3A_1023 : i32
        %dma_start3A_1025 = arith.constant 2 : i32
        %dma_start3A_1026 = arith.constant 0 : i32
        %dma_start3A_1027 = arith.constant 0 : i32
        %dma_start3A_1028 = tpu.memref_slice %arg6[%dma_start3A_1025, %dma_start3A_1026, %dma_start3A_1027] : memref<8x50x64xf32, #tpu.memory_space<vmem>> -> memref<1x50x64xf32, #tpu.memory_space<vmem>>
        %dma_start3A_1029 = tpu.memref_squeeze %dma_start3A_1028 : memref<1x50x64xf32, #tpu.memory_space<vmem>> -> memref<50x64xf32, #tpu.memory_space<vmem>>
        %dma_start3A_1030 = arith.constant 0 : i32
        %dma_start3A_1031 = tpu.memref_slice %arg5[%add3A_1024, %dma_start3A_1030] : memref<512x50xi32, #tpu.memory_space<vmem>> -> memref<1x50xi32, #tpu.memory_space<vmem>>
        %dma_start3A_1032 = tpu.memref_squeeze %dma_start3A_1031 : memref<1x50xi32, #tpu.memory_space<vmem>> -> memref<50xi32, #tpu.memory_space<vmem>>
        %dma_start3A_1033 = arith.constant 0 : i32
        %dma_start3A_1034 = arith.constant 0 : i32
        %dma_start3A_1035 = tpu.memref_slice %arg2[%dma_start3A_1033, %dma_start3A_1034] : memref<2000000x64xf32, #tpu.memory_space<hbm>> -> memref<2000000x64xf32, #tpu.memory_space<hbm>>
        tpu.enqueue_indirect_dma source(%dma_start3A_1035 : memref<2000000x64xf32, #tpu.memory_space<hbm>>) target(%dma_start3A_1029 : memref<50x64xf32, #tpu.memory_space<vmem>>) offsets(%dma_start3A_1032 : memref<50xi32, #tpu.memory_space<vmem>>) semaphore(%arg10 : memref<!tpu.dma_semaphore, #tpu.memory_space<semaphore_mem>>)
        %mul3A_1036 = arith.constant 8 : i32
        %mul3A_1037 = arith.muli %add3A_990, %mul3A_1036 : i32
        %add3A_1038 = arith.constant 3 : i32
        %add3A_1039 = arith.addi %mul3A_1037, %add3A_1038 : i32
        %dma_start3A_1040 = arith.constant 3 : i32
        %dma_start3A_1041 = arith.constant 0 : i32
        %dma_start3A_1042 = arith.constant 0 : i32
        %dma_start3A_1043 = tpu.memref_slice %arg6[%dma_start3A_1040, %dma_start3A_1041, %dma_start3A_1042] : memref<8x50x64xf32, #tpu.memory_space<vmem>> -> memref<1x50x64xf32, #tpu.memory_space<vmem>>
        %dma_start3A_1044 = tpu.memref_squeeze %dma_start3A_1043 : memref<1x50x64xf32, #tpu.memory_space<vmem>> -> memref<50x64xf32, #tpu.memory_space<vmem>>
        %dma_start3A_1045 = arith.constant 0 : i32
        %dma_start3A_1046 = tpu.memref_slice %arg5[%add3A_1039, %dma_start3A_1045] : memref<512x50xi32, #tpu.memory_space<vmem>> -> memref<1x50xi32, #tpu.memory_space<vmem>>
        %dma_start3A_1047 = tpu.memref_squeeze %dma_start3A_1046 : memref<1x50xi32, #tpu.memory_space<vmem>> -> memref<50xi32, #tpu.memory_space<vmem>>
        %dma_start3A_1048 = arith.constant 0 : i32
        %dma_start3A_1049 = arith.constant 0 : i32
        %dma_start3A_1050 = tpu.memref_slice %arg2[%dma_start3A_1048, %dma_start3A_1049] : memref<2000000x64xf32, #tpu.memory_space<hbm>> -> memref<2000000x64xf32, #tpu.memory_space<hbm>>
        tpu.enqueue_indirect_dma source(%dma_start3A_1050 : memref<2000000x64xf32, #tpu.memory_space<hbm>>) target(%dma_start3A_1044 : memref<50x64xf32, #tpu.memory_space<vmem>>) offsets(%dma_start3A_1047 : memref<50xi32, #tpu.memory_space<vmem>>) semaphore(%arg10 : memref<!tpu.dma_semaphore, #tpu.memory_space<semaphore_mem>>)
        %mul3A_1051 = arith.constant 8 : i32
        %mul3A_1052 = arith.muli %add3A_990, %mul3A_1051 : i32
        %add3A_1053 = arith.constant 4 : i32
        %add3A_1054 = arith.addi %mul3A_1052, %add3A_1053 : i32
        %dma_start3A_1055 = arith.constant 4 : i32
        %dma_start3A_1056 = arith.constant 0 : i32
        %dma_start3A_1057 = arith.constant 0 : i32
        %dma_start3A_1058 = tpu.memref_slice %arg6[%dma_start3A_1055, %dma_start3A_1056, %dma_start3A_1057] : memref<8x50x64xf32, #tpu.memory_space<vmem>> -> memref<1x50x64xf32, #tpu.memory_space<vmem>>
        %dma_start3A_1059 = tpu.memref_squeeze %dma_start3A_1058 : memref<1x50x64xf32, #tpu.memory_space<vmem>> -> memref<50x64xf32, #tpu.memory_space<vmem>>
        %dma_start3A_1060 = arith.constant 0 : i32
        %dma_start3A_1061 = tpu.memref_slice %arg5[%add3A_1054, %dma_start3A_1060] : memref<512x50xi32, #tpu.memory_space<vmem>> -> memref<1x50xi32, #tpu.memory_space<vmem>>
        %dma_start3A_1062 = tpu.memref_squeeze %dma_start3A_1061 : memref<1x50xi32, #tpu.memory_space<vmem>> -> memref<50xi32, #tpu.memory_space<vmem>>
        %dma_start3A_1063 = arith.constant 0 : i32
        %dma_start3A_1064 = arith.constant 0 : i32
        %dma_start3A_1065 = tpu.memref_slice %arg2[%dma_start3A_1063, %dma_start3A_1064] : memref<2000000x64xf32, #tpu.memory_space<hbm>> -> memref<2000000x64xf32, #tpu.memory_space<hbm>>
        tpu.enqueue_indirect_dma source(%dma_start3A_1065 : memref<2000000x64xf32, #tpu.memory_space<hbm>>) target(%dma_start3A_1059 : memref<50x64xf32, #tpu.memory_space<vmem>>) offsets(%dma_start3A_1062 : memref<50xi32, #tpu.memory_space<vmem>>) semaphore(%arg10 : memref<!tpu.dma_semaphore, #tpu.memory_space<semaphore_mem>>)
        %mul3A_1066 = arith.constant 8 : i32
        %mul3A_1067 = arith.muli %add3A_990, %mul3A_1066 : i32
        %add3A_1068 = arith.constant 5 : i32
        %add3A_1069 = arith.addi %mul3A_1067, %add3A_1068 : i32
        %dma_start3A_1070 = arith.constant 5 : i32
        %dma_start3A_1071 = arith.constant 0 : i32
        %dma_start3A_1072 = arith.constant 0 : i32
        %dma_start3A_1073 = tpu.memref_slice %arg6[%dma_start3A_1070, %dma_start3A_1071, %dma_start3A_1072] : memref<8x50x64xf32, #tpu.memory_space<vmem>> -> memref<1x50x64xf32, #tpu.memory_space<vmem>>
        %dma_start3A_1074 = tpu.memref_squeeze %dma_start3A_1073 : memref<1x50x64xf32, #tpu.memory_space<vmem>> -> memref<50x64xf32, #tpu.memory_space<vmem>>
        %dma_start3A_1075 = arith.constant 0 : i32
        %dma_start3A_1076 = tpu.memref_slice %arg5[%add3A_1069, %dma_start3A_1075] : memref<512x50xi32, #tpu.memory_space<vmem>> -> memref<1x50xi32, #tpu.memory_space<vmem>>
        %dma_start3A_1077 = tpu.memref_squeeze %dma_start3A_1076 : memref<1x50xi32, #tpu.memory_space<vmem>> -> memref<50xi32, #tpu.memory_space<vmem>>
        %dma_start3A_1078 = arith.constant 0 : i32
        %dma_start3A_1079 = arith.constant 0 : i32
        %dma_start3A_1080 = tpu.memref_slice %arg2[%dma_start3A_1078, %dma_start3A_1079] : memref<2000000x64xf32, #tpu.memory_space<hbm>> -> memref<2000000x64xf32, #tpu.memory_space<hbm>>
        tpu.enqueue_indirect_dma source(%dma_start3A_1080 : memref<2000000x64xf32, #tpu.memory_space<hbm>>) target(%dma_start3A_1074 : memref<50x64xf32, #tpu.memory_space<vmem>>) offsets(%dma_start3A_1077 : memref<50xi32, #tpu.memory_space<vmem>>) semaphore(%arg10 : memref<!tpu.dma_semaphore, #tpu.memory_space<semaphore_mem>>)
        %mul3A_1081 = arith.constant 8 : i32
        %mul3A_1082 = arith.muli %add3A_990, %mul3A_1081 : i32
        %add3A_1083 = arith.constant 6 : i32
        %add3A_1084 = arith.addi %mul3A_1082, %add3A_1083 : i32
        %dma_start3A_1085 = arith.constant 6 : i32
        %dma_start3A_1086 = arith.constant 0 : i32
        %dma_start3A_1087 = arith.constant 0 : i32
        %dma_start3A_1088 = tpu.memref_slice %arg6[%dma_start3A_1085, %dma_start3A_1086, %dma_start3A_1087] : memref<8x50x64xf32, #tpu.memory_space<vmem>> -> memref<1x50x64xf32, #tpu.memory_space<vmem>>
        %dma_start3A_1089 = tpu.memref_squeeze %dma_start3A_1088 : memref<1x50x64xf32, #tpu.memory_space<vmem>> -> memref<50x64xf32, #tpu.memory_space<vmem>>
        %dma_start3A_1090 = arith.constant 0 : i32
        %dma_start3A_1091 = tpu.memref_slice %arg5[%add3A_1084, %dma_start3A_1090] : memref<512x50xi32, #tpu.memory_space<vmem>> -> memref<1x50xi32, #tpu.memory_space<vmem>>
        %dma_start3A_1092 = tpu.memref_squeeze %dma_start3A_1091 : memref<1x50xi32, #tpu.memory_space<vmem>> -> memref<50xi32, #tpu.memory_space<vmem>>
        %dma_start3A_1093 = arith.constant 0 : i32
        %dma_start3A_1094 = arith.constant 0 : i32
        %dma_start3A_1095 = tpu.memref_slice %arg2[%dma_start3A_1093, %dma_start3A_1094] : memref<2000000x64xf32, #tpu.memory_space<hbm>> -> memref<2000000x64xf32, #tpu.memory_space<hbm>>
        tpu.enqueue_indirect_dma source(%dma_start3A_1095 : memref<2000000x64xf32, #tpu.memory_space<hbm>>) target(%dma_start3A_1089 : memref<50x64xf32, #tpu.memory_space<vmem>>) offsets(%dma_start3A_1092 : memref<50xi32, #tpu.memory_space<vmem>>) semaphore(%arg10 : memref<!tpu.dma_semaphore, #tpu.memory_space<semaphore_mem>>)
        %mul3A_1096 = arith.constant 8 : i32
        %mul3A_1097 = arith.muli %add3A_990, %mul3A_1096 : i32
        %add3A_1098 = arith.constant 7 : i32
        %add3A_1099 = arith.addi %mul3A_1097, %add3A_1098 : i32
        %dma_start3A_1100 = arith.constant 7 : i32
        %dma_start3A_1101 = arith.constant 0 : i32
        %dma_start3A_1102 = arith.constant 0 : i32
        %dma_start3A_1103 = tpu.memref_slice %arg6[%dma_start3A_1100, %dma_start3A_1101, %dma_start3A_1102] : memref<8x50x64xf32, #tpu.memory_space<vmem>> -> memref<1x50x64xf32, #tpu.memory_space<vmem>>
        %dma_start3A_1104 = tpu.memref_squeeze %dma_start3A_1103 : memref<1x50x64xf32, #tpu.memory_space<vmem>> -> memref<50x64xf32, #tpu.memory_space<vmem>>
        %dma_start3A_1105 = arith.constant 0 : i32
        %dma_start3A_1106 = tpu.memref_slice %arg5[%add3A_1099, %dma_start3A_1105] : memref<512x50xi32, #tpu.memory_space<vmem>> -> memref<1x50xi32, #tpu.memory_space<vmem>>
        %dma_start3A_1107 = tpu.memref_squeeze %dma_start3A_1106 : memref<1x50xi32, #tpu.memory_space<vmem>> -> memref<50xi32, #tpu.memory_space<vmem>>
        %dma_start3A_1108 = arith.constant 0 : i32
        %dma_start3A_1109 = arith.constant 0 : i32
        %dma_start3A_1110 = tpu.memref_slice %arg2[%dma_start3A_1108, %dma_start3A_1109] : memref<2000000x64xf32, #tpu.memory_space<hbm>> -> memref<2000000x64xf32, #tpu.memory_space<hbm>>
        tpu.enqueue_indirect_dma source(%dma_start3A_1110 : memref<2000000x64xf32, #tpu.memory_space<hbm>>) target(%dma_start3A_1104 : memref<50x64xf32, #tpu.memory_space<vmem>>) offsets(%dma_start3A_1107 : memref<50xi32, #tpu.memory_space<vmem>>) semaphore(%arg10 : memref<!tpu.dma_semaphore, #tpu.memory_space<semaphore_mem>>)
      } else {
      }
      %mul3A_560 = arith.constant 4 : i32
      %mul3A_561 = arith.muli %scan3A_422, %mul3A_560 : i32
      %add3A_562 = arith.constant 1 : i32
      %add3A_563 = arith.addi %mul3A_561, %add3A_562 : i32
      %mul3A_564 = arith.constant 8 : i32
      %mul3A_565 = arith.muli %add3A_563, %mul3A_564 : i32
      %add3A_566 = arith.constant 0 : i32
      %add3A_567 = arith.addi %mul3A_565, %add3A_566 : i32
      %dma_wait3A_568 = arith.constant 0 : i32
      %dma_wait3A_569 = arith.constant 0 : i32
      %dma_wait3A_570 = arith.constant 0 : i32
      %dma_wait3A_571 = tpu.memref_slice %arg7[%dma_wait3A_568, %dma_wait3A_569, %dma_wait3A_570] : memref<8x50x64xf32, #tpu.memory_space<vmem>> -> memref<1x50x64xf32, #tpu.memory_space<vmem>>
      %dma_wait3A_572 = tpu.memref_squeeze %dma_wait3A_571 : memref<1x50x64xf32, #tpu.memory_space<vmem>> -> memref<50x64xf32, #tpu.memory_space<vmem>>
      %dma_wait3A_573 = arith.constant 0 : i32
      %dma_wait3A_574 = tpu.memref_slice %arg5[%add3A_567, %dma_wait3A_573] : memref<512x50xi32, #tpu.memory_space<vmem>> -> memref<1x50xi32, #tpu.memory_space<vmem>>
      %dma_wait3A_575 = tpu.memref_squeeze %dma_wait3A_574 : memref<1x50xi32, #tpu.memory_space<vmem>> -> memref<50xi32, #tpu.memory_space<vmem>>
      %dma_wait3A_576 = arith.constant 0 : i32
      %dma_wait3A_577 = arith.constant 0 : i32
      %dma_wait3A_578 = tpu.memref_slice %arg2[%dma_wait3A_576, %dma_wait3A_577] : memref<2000000x64xf32, #tpu.memory_space<hbm>> -> memref<2000000x64xf32, #tpu.memory_space<hbm>>
      tpu.wait_indirect_dma semaphore(%arg11 : memref<!tpu.dma_semaphore, #tpu.memory_space<semaphore_mem>>) src(%dma_wait3A_578 : memref<2000000x64xf32, #tpu.memory_space<hbm>>) dst(%dma_wait3A_572 : memref<50x64xf32, #tpu.memory_space<vmem>>)
      %mul3A_579 = arith.constant 8 : i32
      %mul3A_580 = arith.muli %add3A_563, %mul3A_579 : i32
      %add3A_581 = arith.constant 1 : i32
      %add3A_582 = arith.addi %mul3A_580, %add3A_581 : i32
      %dma_wait3A_583 = arith.constant 1 : i32
      %dma_wait3A_584 = arith.constant 0 : i32
      %dma_wait3A_585 = arith.constant 0 : i32
      %dma_wait3A_586 = tpu.memref_slice %arg7[%dma_wait3A_583, %dma_wait3A_584, %dma_wait3A_585] : memref<8x50x64xf32, #tpu.memory_space<vmem>> -> memref<1x50x64xf32, #tpu.memory_space<vmem>>
      %dma_wait3A_587 = tpu.memref_squeeze %dma_wait3A_586 : memref<1x50x64xf32, #tpu.memory_space<vmem>> -> memref<50x64xf32, #tpu.memory_space<vmem>>
      %dma_wait3A_588 = arith.constant 0 : i32
      %dma_wait3A_589 = tpu.memref_slice %arg5[%add3A_582, %dma_wait3A_588] : memref<512x50xi32, #tpu.memory_space<vmem>> -> memref<1x50xi32, #tpu.memory_space<vmem>>
      %dma_wait3A_590 = tpu.memref_squeeze %dma_wait3A_589 : memref<1x50xi32, #tpu.memory_space<vmem>> -> memref<50xi32, #tpu.memory_space<vmem>>
      %dma_wait3A_591 = arith.constant 0 : i32
      %dma_wait3A_592 = arith.constant 0 : i32
      %dma_wait3A_593 = tpu.memref_slice %arg2[%dma_wait3A_591, %dma_wait3A_592] : memref<2000000x64xf32, #tpu.memory_space<hbm>> -> memref<2000000x64xf32, #tpu.memory_space<hbm>>
      tpu.wait_indirect_dma semaphore(%arg11 : memref<!tpu.dma_semaphore, #tpu.memory_space<semaphore_mem>>) src(%dma_wait3A_593 : memref<2000000x64xf32, #tpu.memory_space<hbm>>) dst(%dma_wait3A_587 : memref<50x64xf32, #tpu.memory_space<vmem>>)
      %mul3A_594 = arith.constant 8 : i32
      %mul3A_595 = arith.muli %add3A_563, %mul3A_594 : i32
      %add3A_596 = arith.constant 2 : i32
      %add3A_597 = arith.addi %mul3A_595, %add3A_596 : i32
      %dma_wait3A_598 = arith.constant 2 : i32
      %dma_wait3A_599 = arith.constant 0 : i32
      %dma_wait3A_600 = arith.constant 0 : i32
      %dma_wait3A_601 = tpu.memref_slice %arg7[%dma_wait3A_598, %dma_wait3A_599, %dma_wait3A_600] : memref<8x50x64xf32, #tpu.memory_space<vmem>> -> memref<1x50x64xf32, #tpu.memory_space<vmem>>
      %dma_wait3A_602 = tpu.memref_squeeze %dma_wait3A_601 : memref<1x50x64xf32, #tpu.memory_space<vmem>> -> memref<50x64xf32, #tpu.memory_space<vmem>>
      %dma_wait3A_603 = arith.constant 0 : i32
      %dma_wait3A_604 = tpu.memref_slice %arg5[%add3A_597, %dma_wait3A_603] : memref<512x50xi32, #tpu.memory_space<vmem>> -> memref<1x50xi32, #tpu.memory_space<vmem>>
      %dma_wait3A_605 = tpu.memref_squeeze %dma_wait3A_604 : memref<1x50xi32, #tpu.memory_space<vmem>> -> memref<50xi32, #tpu.memory_space<vmem>>
      %dma_wait3A_606 = arith.constant 0 : i32
      %dma_wait3A_607 = arith.constant 0 : i32
      %dma_wait3A_608 = tpu.memref_slice %arg2[%dma_wait3A_606, %dma_wait3A_607] : memref<2000000x64xf32, #tpu.memory_space<hbm>> -> memref<2000000x64xf32, #tpu.memory_space<hbm>>
      tpu.wait_indirect_dma semaphore(%arg11 : memref<!tpu.dma_semaphore, #tpu.memory_space<semaphore_mem>>) src(%dma_wait3A_608 : memref<2000000x64xf32, #tpu.memory_space<hbm>>) dst(%dma_wait3A_602 : memref<50x64xf32, #tpu.memory_space<vmem>>)
      %mul3A_609 = arith.constant 8 : i32
      %mul3A_610 = arith.muli %add3A_563, %mul3A_609 : i32
      %add3A_611 = arith.constant 3 : i32
      %add3A_612 = arith.addi %mul3A_610, %add3A_611 : i32
      %dma_wait3A_613 = arith.constant 3 : i32
      %dma_wait3A_614 = arith.constant 0 : i32
      %dma_wait3A_615 = arith.constant 0 : i32
      %dma_wait3A_616 = tpu.memref_slice %arg7[%dma_wait3A_613, %dma_wait3A_614, %dma_wait3A_615] : memref<8x50x64xf32, #tpu.memory_space<vmem>> -> memref<1x50x64xf32, #tpu.memory_space<vmem>>
      %dma_wait3A_617 = tpu.memref_squeeze %dma_wait3A_616 : memref<1x50x64xf32, #tpu.memory_space<vmem>> -> memref<50x64xf32, #tpu.memory_space<vmem>>
      %dma_wait3A_618 = arith.constant 0 : i32
      %dma_wait3A_619 = tpu.memref_slice %arg5[%add3A_612, %dma_wait3A_618] : memref<512x50xi32, #tpu.memory_space<vmem>> -> memref<1x50xi32, #tpu.memory_space<vmem>>
      %dma_wait3A_620 = tpu.memref_squeeze %dma_wait3A_619 : memref<1x50xi32, #tpu.memory_space<vmem>> -> memref<50xi32, #tpu.memory_space<vmem>>
      %dma_wait3A_621 = arith.constant 0 : i32
      %dma_wait3A_622 = arith.constant 0 : i32
      %dma_wait3A_623 = tpu.memref_slice %arg2[%dma_wait3A_621, %dma_wait3A_622] : memref<2000000x64xf32, #tpu.memory_space<hbm>> -> memref<2000000x64xf32, #tpu.memory_space<hbm>>
      tpu.wait_indirect_dma semaphore(%arg11 : memref<!tpu.dma_semaphore, #tpu.memory_space<semaphore_mem>>) src(%dma_wait3A_623 : memref<2000000x64xf32, #tpu.memory_space<hbm>>) dst(%dma_wait3A_617 : memref<50x64xf32, #tpu.memory_space<vmem>>)
      %mul3A_624 = arith.constant 8 : i32
      %mul3A_625 = arith.muli %add3A_563, %mul3A_624 : i32
      %add3A_626 = arith.constant 4 : i32
      %add3A_627 = arith.addi %mul3A_625, %add3A_626 : i32
      %dma_wait3A_628 = arith.constant 4 : i32
      %dma_wait3A_629 = arith.constant 0 : i32
      %dma_wait3A_630 = arith.constant 0 : i32
      %dma_wait3A_631 = tpu.memref_slice %arg7[%dma_wait3A_628, %dma_wait3A_629, %dma_wait3A_630] : memref<8x50x64xf32, #tpu.memory_space<vmem>> -> memref<1x50x64xf32, #tpu.memory_space<vmem>>
      %dma_wait3A_632 = tpu.memref_squeeze %dma_wait3A_631 : memref<1x50x64xf32, #tpu.memory_space<vmem>> -> memref<50x64xf32, #tpu.memory_space<vmem>>
      %dma_wait3A_633 = arith.constant 0 : i32
      %dma_wait3A_634 = tpu.memref_slice %arg5[%add3A_627, %dma_wait3A_633] : memref<512x50xi32, #tpu.memory_space<vmem>> -> memref<1x50xi32, #tpu.memory_space<vmem>>
      %dma_wait3A_635 = tpu.memref_squeeze %dma_wait3A_634 : memref<1x50xi32, #tpu.memory_space<vmem>> -> memref<50xi32, #tpu.memory_space<vmem>>
      %dma_wait3A_636 = arith.constant 0 : i32
      %dma_wait3A_637 = arith.constant 0 : i32
      %dma_wait3A_638 = tpu.memref_slice %arg2[%dma_wait3A_636, %dma_wait3A_637] : memref<2000000x64xf32, #tpu.memory_space<hbm>> -> memref<2000000x64xf32, #tpu.memory_space<hbm>>
      tpu.wait_indirect_dma semaphore(%arg11 : memref<!tpu.dma_semaphore, #tpu.memory_space<semaphore_mem>>) src(%dma_wait3A_638 : memref<2000000x64xf32, #tpu.memory_space<hbm>>) dst(%dma_wait3A_632 : memref<50x64xf32, #tpu.memory_space<vmem>>)
      %mul3A_639 = arith.constant 8 : i32
      %mul3A_640 = arith.muli %add3A_563, %mul3A_639 : i32
      %add3A_641 = arith.constant 5 : i32
      %add3A_642 = arith.addi %mul3A_640, %add3A_641 : i32
      %dma_wait3A_643 = arith.constant 5 : i32
      %dma_wait3A_644 = arith.constant 0 : i32
      %dma_wait3A_645 = arith.constant 0 : i32
      %dma_wait3A_646 = tpu.memref_slice %arg7[%dma_wait3A_643, %dma_wait3A_644, %dma_wait3A_645] : memref<8x50x64xf32, #tpu.memory_space<vmem>> -> memref<1x50x64xf32, #tpu.memory_space<vmem>>
      %dma_wait3A_647 = tpu.memref_squeeze %dma_wait3A_646 : memref<1x50x64xf32, #tpu.memory_space<vmem>> -> memref<50x64xf32, #tpu.memory_space<vmem>>
      %dma_wait3A_648 = arith.constant 0 : i32
      %dma_wait3A_649 = tpu.memref_slice %arg5[%add3A_642, %dma_wait3A_648] : memref<512x50xi32, #tpu.memory_space<vmem>> -> memref<1x50xi32, #tpu.memory_space<vmem>>
      %dma_wait3A_650 = tpu.memref_squeeze %dma_wait3A_649 : memref<1x50xi32, #tpu.memory_space<vmem>> -> memref<50xi32, #tpu.memory_space<vmem>>
      %dma_wait3A_651 = arith.constant 0 : i32
      %dma_wait3A_652 = arith.constant 0 : i32
      %dma_wait3A_653 = tpu.memref_slice %arg2[%dma_wait3A_651, %dma_wait3A_652] : memref<2000000x64xf32, #tpu.memory_space<hbm>> -> memref<2000000x64xf32, #tpu.memory_space<hbm>>
      tpu.wait_indirect_dma semaphore(%arg11 : memref<!tpu.dma_semaphore, #tpu.memory_space<semaphore_mem>>) src(%dma_wait3A_653 : memref<2000000x64xf32, #tpu.memory_space<hbm>>) dst(%dma_wait3A_647 : memref<50x64xf32, #tpu.memory_space<vmem>>)
      %mul3A_654 = arith.constant 8 : i32
      %mul3A_655 = arith.muli %add3A_563, %mul3A_654 : i32
      %add3A_656 = arith.constant 6 : i32
      %add3A_657 = arith.addi %mul3A_655, %add3A_656 : i32
      %dma_wait3A_658 = arith.constant 6 : i32
      %dma_wait3A_659 = arith.constant 0 : i32
      %dma_wait3A_660 = arith.constant 0 : i32
      %dma_wait3A_661 = tpu.memref_slice %arg7[%dma_wait3A_658, %dma_wait3A_659, %dma_wait3A_660] : memref<8x50x64xf32, #tpu.memory_space<vmem>> -> memref<1x50x64xf32, #tpu.memory_space<vmem>>
      %dma_wait3A_662 = tpu.memref_squeeze %dma_wait3A_661 : memref<1x50x64xf32, #tpu.memory_space<vmem>> -> memref<50x64xf32, #tpu.memory_space<vmem>>
      %dma_wait3A_663 = arith.constant 0 : i32
      %dma_wait3A_664 = tpu.memref_slice %arg5[%add3A_657, %dma_wait3A_663] : memref<512x50xi32, #tpu.memory_space<vmem>> -> memref<1x50xi32, #tpu.memory_space<vmem>>
      %dma_wait3A_665 = tpu.memref_squeeze %dma_wait3A_664 : memref<1x50xi32, #tpu.memory_space<vmem>> -> memref<50xi32, #tpu.memory_space<vmem>>
      %dma_wait3A_666 = arith.constant 0 : i32
      %dma_wait3A_667 = arith.constant 0 : i32
      %dma_wait3A_668 = tpu.memref_slice %arg2[%dma_wait3A_666, %dma_wait3A_667] : memref<2000000x64xf32, #tpu.memory_space<hbm>> -> memref<2000000x64xf32, #tpu.memory_space<hbm>>
      tpu.wait_indirect_dma semaphore(%arg11 : memref<!tpu.dma_semaphore, #tpu.memory_space<semaphore_mem>>) src(%dma_wait3A_668 : memref<2000000x64xf32, #tpu.memory_space<hbm>>) dst(%dma_wait3A_662 : memref<50x64xf32, #tpu.memory_space<vmem>>)
      %mul3A_669 = arith.constant 8 : i32
      %mul3A_670 = arith.muli %add3A_563, %mul3A_669 : i32
      %add3A_671 = arith.constant 7 : i32
      %add3A_672 = arith.addi %mul3A_670, %add3A_671 : i32
      %dma_wait3A_673 = arith.constant 7 : i32
      %dma_wait3A_674 = arith.constant 0 : i32
      %dma_wait3A_675 = arith.constant 0 : i32
      %dma_wait3A_676 = tpu.memref_slice %arg7[%dma_wait3A_673, %dma_wait3A_674, %dma_wait3A_675] : memref<8x50x64xf32, #tpu.memory_space<vmem>> -> memref<1x50x64xf32, #tpu.memory_space<vmem>>
      %dma_wait3A_677 = tpu.memref_squeeze %dma_wait3A_676 : memref<1x50x64xf32, #tpu.memory_space<vmem>> -> memref<50x64xf32, #tpu.memory_space<vmem>>
      %dma_wait3A_678 = arith.constant 0 : i32
      %dma_wait3A_679 = tpu.memref_slice %arg5[%add3A_672, %dma_wait3A_678] : memref<512x50xi32, #tpu.memory_space<vmem>> -> memref<1x50xi32, #tpu.memory_space<vmem>>
      %dma_wait3A_680 = tpu.memref_squeeze %dma_wait3A_679 : memref<1x50xi32, #tpu.memory_space<vmem>> -> memref<50xi32, #tpu.memory_space<vmem>>
      %dma_wait3A_681 = arith.constant 0 : i32
      %dma_wait3A_682 = arith.constant 0 : i32
      %dma_wait3A_683 = tpu.memref_slice %arg2[%dma_wait3A_681, %dma_wait3A_682] : memref<2000000x64xf32, #tpu.memory_space<hbm>> -> memref<2000000x64xf32, #tpu.memory_space<hbm>>
      tpu.wait_indirect_dma semaphore(%arg11 : memref<!tpu.dma_semaphore, #tpu.memory_space<semaphore_mem>>) src(%dma_wait3A_683 : memref<2000000x64xf32, #tpu.memory_space<hbm>>) dst(%dma_wait3A_677 : memref<50x64xf32, #tpu.memory_space<vmem>>)
      %mul3A_684 = arith.constant 8 : i32
      %mul3A_685 = arith.muli %add3A_563, %mul3A_684 : i32
      %add3A_686 = arith.addi %mul3A_2, %mul3A_685 : i32
      %dma_start3A_687 = arith.constant 0 : i32
      %dma_start3A_688 = arith.constant 0 : i32
      %dma_start3A_689 = tpu.memref_slice %arg4[%add3A_686, %dma_start3A_687, %dma_start3A_688] : memref<16384x56x128xf32, #tpu.memory_space<hbm>> -> memref<8x50x64xf32, #tpu.memory_space<hbm>>
      %dma_start3A_690 = arith.constant 0 : i32
      %dma_start3A_691 = arith.constant 0 : i32
      %dma_start3A_692 = tpu.memref_slice %arg4[%add3A_686, %dma_start3A_690, %dma_start3A_691] : memref<16384x56x128xf32, #tpu.memory_space<hbm>> -> memref<8x50x64xf32, #tpu.memory_space<hbm>>
      tpu.enqueue_dma source(%arg7 : memref<8x50x64xf32, #tpu.memory_space<vmem>>) target(%dma_start3A_692 : memref<8x50x64xf32, #tpu.memory_space<hbm>>) target_semaphore(%arg15 : memref<!tpu.dma_semaphore, #tpu.memory_space<semaphore_mem>>)
      %add3A_693 = arith.constant 4 : i32
      %add3A_694 = arith.addi %add3A_563, %add3A_693 : i32
      %lt3A_695 = arith.constant 64 : i32
      %lt3A_696 = arith.cmpi slt, %add3A_694, %lt3A_695 : i32
      %convert_element_type3A_697 = arith.extui %lt3A_696 : i1 to i32
      %cond3A_698 = arith.constant 0 : i32
      %cond3A_699 = arith.cmpi ne, %convert_element_type3A_697, %cond3A_698 : i32
      scf.if %cond3A_699 {
        %mul3A_980 = arith.constant 8 : i32
        %mul3A_981 = arith.muli %add3A_563, %mul3A_980 : i32
        %add3A_982 = arith.addi %mul3A_2, %mul3A_981 : i32
        %dma_wait3A_983 = arith.constant 0 : i32
        %dma_wait3A_984 = arith.constant 0 : i32
        %dma_wait3A_985 = tpu.memref_slice %arg4[%add3A_982, %dma_wait3A_983, %dma_wait3A_984] : memref<16384x56x128xf32, #tpu.memory_space<hbm>> -> memref<8x50x64xf32, #tpu.memory_space<hbm>>
        %dma_wait3A_986 = arith.constant 0 : i32
        %dma_wait3A_987 = arith.constant 0 : i32
        %dma_wait3A_988 = tpu.memref_slice %arg4[%add3A_982, %dma_wait3A_986, %dma_wait3A_987] : memref<16384x56x128xf32, #tpu.memory_space<hbm>> -> memref<8x50x64xf32, #tpu.memory_space<hbm>>
        tpu.wait_dma2 semaphore(%arg15 : memref<!tpu.dma_semaphore, #tpu.memory_space<semaphore_mem>>) src(%arg7 : memref<8x50x64xf32, #tpu.memory_space<vmem>>) dst(%dma_wait3A_988 : memref<8x50x64xf32, #tpu.memory_space<hbm>>)
        %add3A_989 = arith.constant 4 : i32
        %add3A_990 = arith.addi %add3A_563, %add3A_989 : i32
        %mul3A_991 = arith.constant 8 : i32
        %mul3A_992 = arith.muli %add3A_990, %mul3A_991 : i32
        %add3A_993 = arith.constant 0 : i32
        %add3A_994 = arith.addi %mul3A_992, %add3A_993 : i32
        %dma_start3A_995 = arith.constant 0 : i32
        %dma_start3A_996 = arith.constant 0 : i32
        %dma_start3A_997 = arith.constant 0 : i32
        %dma_start3A_998 = tpu.memref_slice %arg7[%dma_start3A_995, %dma_start3A_996, %dma_start3A_997] : memref<8x50x64xf32, #tpu.memory_space<vmem>> -> memref<1x50x64xf32, #tpu.memory_space<vmem>>
        %dma_start3A_999 = tpu.memref_squeeze %dma_start3A_998 : memref<1x50x64xf32, #tpu.memory_space<vmem>> -> memref<50x64xf32, #tpu.memory_space<vmem>>
        %dma_start3A_1000 = arith.constant 0 : i32
        %dma_start3A_1001 = tpu.memref_slice %arg5[%add3A_994, %dma_start3A_1000] : memref<512x50xi32, #tpu.memory_space<vmem>> -> memref<1x50xi32, #tpu.memory_space<vmem>>
        %dma_start3A_1002 = tpu.memref_squeeze %dma_start3A_1001 : memref<1x50xi32, #tpu.memory_space<vmem>> -> memref<50xi32, #tpu.memory_space<vmem>>
        %dma_start3A_1003 = arith.constant 0 : i32
        %dma_start3A_1004 = arith.constant 0 : i32
        %dma_start3A_1005 = tpu.memref_slice %arg2[%dma_start3A_1003, %dma_start3A_1004] : memref<2000000x64xf32, #tpu.memory_space<hbm>> -> memref<2000000x64xf32, #tpu.memory_space<hbm>>
        tpu.enqueue_indirect_dma source(%dma_start3A_1005 : memref<2000000x64xf32, #tpu.memory_space<hbm>>) target(%dma_start3A_999 : memref<50x64xf32, #tpu.memory_space<vmem>>) offsets(%dma_start3A_1002 : memref<50xi32, #tpu.memory_space<vmem>>) semaphore(%arg11 : memref<!tpu.dma_semaphore, #tpu.memory_space<semaphore_mem>>)
        %mul3A_1006 = arith.constant 8 : i32
        %mul3A_1007 = arith.muli %add3A_990, %mul3A_1006 : i32
        %add3A_1008 = arith.constant 1 : i32
        %add3A_1009 = arith.addi %mul3A_1007, %add3A_1008 : i32
        %dma_start3A_1010 = arith.constant 1 : i32
        %dma_start3A_1011 = arith.constant 0 : i32
        %dma_start3A_1012 = arith.constant 0 : i32
        %dma_start3A_1013 = tpu.memref_slice %arg7[%dma_start3A_1010, %dma_start3A_1011, %dma_start3A_1012] : memref<8x50x64xf32, #tpu.memory_space<vmem>> -> memref<1x50x64xf32, #tpu.memory_space<vmem>>
        %dma_start3A_1014 = tpu.memref_squeeze %dma_start3A_1013 : memref<1x50x64xf32, #tpu.memory_space<vmem>> -> memref<50x64xf32, #tpu.memory_space<vmem>>
        %dma_start3A_1015 = arith.constant 0 : i32
        %dma_start3A_1016 = tpu.memref_slice %arg5[%add3A_1009, %dma_start3A_1015] : memref<512x50xi32, #tpu.memory_space<vmem>> -> memref<1x50xi32, #tpu.memory_space<vmem>>
        %dma_start3A_1017 = tpu.memref_squeeze %dma_start3A_1016 : memref<1x50xi32, #tpu.memory_space<vmem>> -> memref<50xi32, #tpu.memory_space<vmem>>
        %dma_start3A_1018 = arith.constant 0 : i32
        %dma_start3A_1019 = arith.constant 0 : i32
        %dma_start3A_1020 = tpu.memref_slice %arg2[%dma_start3A_1018, %dma_start3A_1019] : memref<2000000x64xf32, #tpu.memory_space<hbm>> -> memref<2000000x64xf32, #tpu.memory_space<hbm>>
        tpu.enqueue_indirect_dma source(%dma_start3A_1020 : memref<2000000x64xf32, #tpu.memory_space<hbm>>) target(%dma_start3A_1014 : memref<50x64xf32, #tpu.memory_space<vmem>>) offsets(%dma_start3A_1017 : memref<50xi32, #tpu.memory_space<vmem>>) semaphore(%arg11 : memref<!tpu.dma_semaphore, #tpu.memory_space<semaphore_mem>>)
        %mul3A_1021 = arith.constant 8 : i32
        %mul3A_1022 = arith.muli %add3A_990, %mul3A_1021 : i32
        %add3A_1023 = arith.constant 2 : i32
        %add3A_1024 = arith.addi %mul3A_1022, %add3A_1023 : i32
        %dma_start3A_1025 = arith.constant 2 : i32
        %dma_start3A_1026 = arith.constant 0 : i32
        %dma_start3A_1027 = arith.constant 0 : i32
        %dma_start3A_1028 = tpu.memref_slice %arg7[%dma_start3A_1025, %dma_start3A_1026, %dma_start3A_1027] : memref<8x50x64xf32, #tpu.memory_space<vmem>> -> memref<1x50x64xf32, #tpu.memory_space<vmem>>
        %dma_start3A_1029 = tpu.memref_squeeze %dma_start3A_1028 : memref<1x50x64xf32, #tpu.memory_space<vmem>> -> memref<50x64xf32, #tpu.memory_space<vmem>>
        %dma_start3A_1030 = arith.constant 0 : i32
        %dma_start3A_1031 = tpu.memref_slice %arg5[%add3A_1024, %dma_start3A_1030] : memref<512x50xi32, #tpu.memory_space<vmem>> -> memref<1x50xi32, #tpu.memory_space<vmem>>
        %dma_start3A_1032 = tpu.memref_squeeze %dma_start3A_1031 : memref<1x50xi32, #tpu.memory_space<vmem>> -> memref<50xi32, #tpu.memory_space<vmem>>
        %dma_start3A_1033 = arith.constant 0 : i32
        %dma_start3A_1034 = arith.constant 0 : i32
        %dma_start3A_1035 = tpu.memref_slice %arg2[%dma_start3A_1033, %dma_start3A_1034] : memref<2000000x64xf32, #tpu.memory_space<hbm>> -> memref<2000000x64xf32, #tpu.memory_space<hbm>>
        tpu.enqueue_indirect_dma source(%dma_start3A_1035 : memref<2000000x64xf32, #tpu.memory_space<hbm>>) target(%dma_start3A_1029 : memref<50x64xf32, #tpu.memory_space<vmem>>) offsets(%dma_start3A_1032 : memref<50xi32, #tpu.memory_space<vmem>>) semaphore(%arg11 : memref<!tpu.dma_semaphore, #tpu.memory_space<semaphore_mem>>)
        %mul3A_1036 = arith.constant 8 : i32
        %mul3A_1037 = arith.muli %add3A_990, %mul3A_1036 : i32
        %add3A_1038 = arith.constant 3 : i32
        %add3A_1039 = arith.addi %mul3A_1037, %add3A_1038 : i32
        %dma_start3A_1040 = arith.constant 3 : i32
        %dma_start3A_1041 = arith.constant 0 : i32
        %dma_start3A_1042 = arith.constant 0 : i32
        %dma_start3A_1043 = tpu.memref_slice %arg7[%dma_start3A_1040, %dma_start3A_1041, %dma_start3A_1042] : memref<8x50x64xf32, #tpu.memory_space<vmem>> -> memref<1x50x64xf32, #tpu.memory_space<vmem>>
        %dma_start3A_1044 = tpu.memref_squeeze %dma_start3A_1043 : memref<1x50x64xf32, #tpu.memory_space<vmem>> -> memref<50x64xf32, #tpu.memory_space<vmem>>
        %dma_start3A_1045 = arith.constant 0 : i32
        %dma_start3A_1046 = tpu.memref_slice %arg5[%add3A_1039, %dma_start3A_1045] : memref<512x50xi32, #tpu.memory_space<vmem>> -> memref<1x50xi32, #tpu.memory_space<vmem>>
        %dma_start3A_1047 = tpu.memref_squeeze %dma_start3A_1046 : memref<1x50xi32, #tpu.memory_space<vmem>> -> memref<50xi32, #tpu.memory_space<vmem>>
        %dma_start3A_1048 = arith.constant 0 : i32
        %dma_start3A_1049 = arith.constant 0 : i32
        %dma_start3A_1050 = tpu.memref_slice %arg2[%dma_start3A_1048, %dma_start3A_1049] : memref<2000000x64xf32, #tpu.memory_space<hbm>> -> memref<2000000x64xf32, #tpu.memory_space<hbm>>
        tpu.enqueue_indirect_dma source(%dma_start3A_1050 : memref<2000000x64xf32, #tpu.memory_space<hbm>>) target(%dma_start3A_1044 : memref<50x64xf32, #tpu.memory_space<vmem>>) offsets(%dma_start3A_1047 : memref<50xi32, #tpu.memory_space<vmem>>) semaphore(%arg11 : memref<!tpu.dma_semaphore, #tpu.memory_space<semaphore_mem>>)
        %mul3A_1051 = arith.constant 8 : i32
        %mul3A_1052 = arith.muli %add3A_990, %mul3A_1051 : i32
        %add3A_1053 = arith.constant 4 : i32
        %add3A_1054 = arith.addi %mul3A_1052, %add3A_1053 : i32
        %dma_start3A_1055 = arith.constant 4 : i32
        %dma_start3A_1056 = arith.constant 0 : i32
        %dma_start3A_1057 = arith.constant 0 : i32
        %dma_start3A_1058 = tpu.memref_slice %arg7[%dma_start3A_1055, %dma_start3A_1056, %dma_start3A_1057] : memref<8x50x64xf32, #tpu.memory_space<vmem>> -> memref<1x50x64xf32, #tpu.memory_space<vmem>>
        %dma_start3A_1059 = tpu.memref_squeeze %dma_start3A_1058 : memref<1x50x64xf32, #tpu.memory_space<vmem>> -> memref<50x64xf32, #tpu.memory_space<vmem>>
        %dma_start3A_1060 = arith.constant 0 : i32
        %dma_start3A_1061 = tpu.memref_slice %arg5[%add3A_1054, %dma_start3A_1060] : memref<512x50xi32, #tpu.memory_space<vmem>> -> memref<1x50xi32, #tpu.memory_space<vmem>>
        %dma_start3A_1062 = tpu.memref_squeeze %dma_start3A_1061 : memref<1x50xi32, #tpu.memory_space<vmem>> -> memref<50xi32, #tpu.memory_space<vmem>>
        %dma_start3A_1063 = arith.constant 0 : i32
        %dma_start3A_1064 = arith.constant 0 : i32
        %dma_start3A_1065 = tpu.memref_slice %arg2[%dma_start3A_1063, %dma_start3A_1064] : memref<2000000x64xf32, #tpu.memory_space<hbm>> -> memref<2000000x64xf32, #tpu.memory_space<hbm>>
        tpu.enqueue_indirect_dma source(%dma_start3A_1065 : memref<2000000x64xf32, #tpu.memory_space<hbm>>) target(%dma_start3A_1059 : memref<50x64xf32, #tpu.memory_space<vmem>>) offsets(%dma_start3A_1062 : memref<50xi32, #tpu.memory_space<vmem>>) semaphore(%arg11 : memref<!tpu.dma_semaphore, #tpu.memory_space<semaphore_mem>>)
        %mul3A_1066 = arith.constant 8 : i32
        %mul3A_1067 = arith.muli %add3A_990, %mul3A_1066 : i32
        %add3A_1068 = arith.constant 5 : i32
        %add3A_1069 = arith.addi %mul3A_1067, %add3A_1068 : i32
        %dma_start3A_1070 = arith.constant 5 : i32
        %dma_start3A_1071 = arith.constant 0 : i32
        %dma_start3A_1072 = arith.constant 0 : i32
        %dma_start3A_1073 = tpu.memref_slice %arg7[%dma_start3A_1070, %dma_start3A_1071, %dma_start3A_1072] : memref<8x50x64xf32, #tpu.memory_space<vmem>> -> memref<1x50x64xf32, #tpu.memory_space<vmem>>
        %dma_start3A_1074 = tpu.memref_squeeze %dma_start3A_1073 : memref<1x50x64xf32, #tpu.memory_space<vmem>> -> memref<50x64xf32, #tpu.memory_space<vmem>>
        %dma_start3A_1075 = arith.constant 0 : i32
        %dma_start3A_1076 = tpu.memref_slice %arg5[%add3A_1069, %dma_start3A_1075] : memref<512x50xi32, #tpu.memory_space<vmem>> -> memref<1x50xi32, #tpu.memory_space<vmem>>
        %dma_start3A_1077 = tpu.memref_squeeze %dma_start3A_1076 : memref<1x50xi32, #tpu.memory_space<vmem>> -> memref<50xi32, #tpu.memory_space<vmem>>
        %dma_start3A_1078 = arith.constant 0 : i32
        %dma_start3A_1079 = arith.constant 0 : i32
        %dma_start3A_1080 = tpu.memref_slice %arg2[%dma_start3A_1078, %dma_start3A_1079] : memref<2000000x64xf32, #tpu.memory_space<hbm>> -> memref<2000000x64xf32, #tpu.memory_space<hbm>>
        tpu.enqueue_indirect_dma source(%dma_start3A_1080 : memref<2000000x64xf32, #tpu.memory_space<hbm>>) target(%dma_start3A_1074 : memref<50x64xf32, #tpu.memory_space<vmem>>) offsets(%dma_start3A_1077 : memref<50xi32, #tpu.memory_space<vmem>>) semaphore(%arg11 : memref<!tpu.dma_semaphore, #tpu.memory_space<semaphore_mem>>)
        %mul3A_1081 = arith.constant 8 : i32
        %mul3A_1082 = arith.muli %add3A_990, %mul3A_1081 : i32
        %add3A_1083 = arith.constant 6 : i32
        %add3A_1084 = arith.addi %mul3A_1082, %add3A_1083 : i32
        %dma_start3A_1085 = arith.constant 6 : i32
        %dma_start3A_1086 = arith.constant 0 : i32
        %dma_start3A_1087 = arith.constant 0 : i32
        %dma_start3A_1088 = tpu.memref_slice %arg7[%dma_start3A_1085, %dma_start3A_1086, %dma_start3A_1087] : memref<8x50x64xf32, #tpu.memory_space<vmem>> -> memref<1x50x64xf32, #tpu.memory_space<vmem>>
        %dma_start3A_1089 = tpu.memref_squeeze %dma_start3A_1088 : memref<1x50x64xf32, #tpu.memory_space<vmem>> -> memref<50x64xf32, #tpu.memory_space<vmem>>
        %dma_start3A_1090 = arith.constant 0 : i32
        %dma_start3A_1091 = tpu.memref_slice %arg5[%add3A_1084, %dma_start3A_1090] : memref<512x50xi32, #tpu.memory_space<vmem>> -> memref<1x50xi32, #tpu.memory_space<vmem>>
        %dma_start3A_1092 = tpu.memref_squeeze %dma_start3A_1091 : memref<1x50xi32, #tpu.memory_space<vmem>> -> memref<50xi32, #tpu.memory_space<vmem>>
        %dma_start3A_1093 = arith.constant 0 : i32
        %dma_start3A_1094 = arith.constant 0 : i32
        %dma_start3A_1095 = tpu.memref_slice %arg2[%dma_start3A_1093, %dma_start3A_1094] : memref<2000000x64xf32, #tpu.memory_space<hbm>> -> memref<2000000x64xf32, #tpu.memory_space<hbm>>
        tpu.enqueue_indirect_dma source(%dma_start3A_1095 : memref<2000000x64xf32, #tpu.memory_space<hbm>>) target(%dma_start3A_1089 : memref<50x64xf32, #tpu.memory_space<vmem>>) offsets(%dma_start3A_1092 : memref<50xi32, #tpu.memory_space<vmem>>) semaphore(%arg11 : memref<!tpu.dma_semaphore, #tpu.memory_space<semaphore_mem>>)
        %mul3A_1096 = arith.constant 8 : i32
        %mul3A_1097 = arith.muli %add3A_990, %mul3A_1096 : i32
        %add3A_1098 = arith.constant 7 : i32
        %add3A_1099 = arith.addi %mul3A_1097, %add3A_1098 : i32
        %dma_start3A_1100 = arith.constant 7 : i32
        %dma_start3A_1101 = arith.constant 0 : i32
        %dma_start3A_1102 = arith.constant 0 : i32
        %dma_start3A_1103 = tpu.memref_slice %arg7[%dma_start3A_1100, %dma_start3A_1101, %dma_start3A_1102] : memref<8x50x64xf32, #tpu.memory_space<vmem>> -> memref<1x50x64xf32, #tpu.memory_space<vmem>>
        %dma_start3A_1104 = tpu.memref_squeeze %dma_start3A_1103 : memref<1x50x64xf32, #tpu.memory_space<vmem>> -> memref<50x64xf32, #tpu.memory_space<vmem>>
        %dma_start3A_1105 = arith.constant 0 : i32
        %dma_start3A_1106 = tpu.memref_slice %arg5[%add3A_1099, %dma_start3A_1105] : memref<512x50xi32, #tpu.memory_space<vmem>> -> memref<1x50xi32, #tpu.memory_space<vmem>>
        %dma_start3A_1107 = tpu.memref_squeeze %dma_start3A_1106 : memref<1x50xi32, #tpu.memory_space<vmem>> -> memref<50xi32, #tpu.memory_space<vmem>>
        %dma_start3A_1108 = arith.constant 0 : i32
        %dma_start3A_1109 = arith.constant 0 : i32
        %dma_start3A_1110 = tpu.memref_slice %arg2[%dma_start3A_1108, %dma_start3A_1109] : memref<2000000x64xf32, #tpu.memory_space<hbm>> -> memref<2000000x64xf32, #tpu.memory_space<hbm>>
        tpu.enqueue_indirect_dma source(%dma_start3A_1110 : memref<2000000x64xf32, #tpu.memory_space<hbm>>) target(%dma_start3A_1104 : memref<50x64xf32, #tpu.memory_space<vmem>>) offsets(%dma_start3A_1107 : memref<50xi32, #tpu.memory_space<vmem>>) semaphore(%arg11 : memref<!tpu.dma_semaphore, #tpu.memory_space<semaphore_mem>>)
      } else {
      }
      %mul3A_700 = arith.constant 4 : i32
      %mul3A_701 = arith.muli %scan3A_422, %mul3A_700 : i32
      %add3A_702 = arith.constant 2 : i32
      %add3A_703 = arith.addi %mul3A_701, %add3A_702 : i32
      %mul3A_704 = arith.constant 8 : i32
      %mul3A_705 = arith.muli %add3A_703, %mul3A_704 : i32
      %add3A_706 = arith.constant 0 : i32
      %add3A_707 = arith.addi %mul3A_705, %add3A_706 : i32
      %dma_wait3A_708 = arith.constant 0 : i32
      %dma_wait3A_709 = arith.constant 0 : i32
      %dma_wait3A_710 = arith.constant 0 : i32
      %dma_wait3A_711 = tpu.memref_slice %arg8[%dma_wait3A_708, %dma_wait3A_709, %dma_wait3A_710] : memref<8x50x64xf32, #tpu.memory_space<vmem>> -> memref<1x50x64xf32, #tpu.memory_space<vmem>>
      %dma_wait3A_712 = tpu.memref_squeeze %dma_wait3A_711 : memref<1x50x64xf32, #tpu.memory_space<vmem>> -> memref<50x64xf32, #tpu.memory_space<vmem>>
      %dma_wait3A_713 = arith.constant 0 : i32
      %dma_wait3A_714 = tpu.memref_slice %arg5[%add3A_707, %dma_wait3A_713] : memref<512x50xi32, #tpu.memory_space<vmem>> -> memref<1x50xi32, #tpu.memory_space<vmem>>
      %dma_wait3A_715 = tpu.memref_squeeze %dma_wait3A_714 : memref<1x50xi32, #tpu.memory_space<vmem>> -> memref<50xi32, #tpu.memory_space<vmem>>
      %dma_wait3A_716 = arith.constant 0 : i32
      %dma_wait3A_717 = arith.constant 0 : i32
      %dma_wait3A_718 = tpu.memref_slice %arg2[%dma_wait3A_716, %dma_wait3A_717] : memref<2000000x64xf32, #tpu.memory_space<hbm>> -> memref<2000000x64xf32, #tpu.memory_space<hbm>>
      tpu.wait_indirect_dma semaphore(%arg12 : memref<!tpu.dma_semaphore, #tpu.memory_space<semaphore_mem>>) src(%dma_wait3A_718 : memref<2000000x64xf32, #tpu.memory_space<hbm>>) dst(%dma_wait3A_712 : memref<50x64xf32, #tpu.memory_space<vmem>>)
      %mul3A_719 = arith.constant 8 : i32
      %mul3A_720 = arith.muli %add3A_703, %mul3A_719 : i32
      %add3A_721 = arith.constant 1 : i32
      %add3A_722 = arith.addi %mul3A_720, %add3A_721 : i32
      %dma_wait3A_723 = arith.constant 1 : i32
      %dma_wait3A_724 = arith.constant 0 : i32
      %dma_wait3A_725 = arith.constant 0 : i32
      %dma_wait3A_726 = tpu.memref_slice %arg8[%dma_wait3A_723, %dma_wait3A_724, %dma_wait3A_725] : memref<8x50x64xf32, #tpu.memory_space<vmem>> -> memref<1x50x64xf32, #tpu.memory_space<vmem>>
      %dma_wait3A_727 = tpu.memref_squeeze %dma_wait3A_726 : memref<1x50x64xf32, #tpu.memory_space<vmem>> -> memref<50x64xf32, #tpu.memory_space<vmem>>
      %dma_wait3A_728 = arith.constant 0 : i32
      %dma_wait3A_729 = tpu.memref_slice %arg5[%add3A_722, %dma_wait3A_728] : memref<512x50xi32, #tpu.memory_space<vmem>> -> memref<1x50xi32, #tpu.memory_space<vmem>>
      %dma_wait3A_730 = tpu.memref_squeeze %dma_wait3A_729 : memref<1x50xi32, #tpu.memory_space<vmem>> -> memref<50xi32, #tpu.memory_space<vmem>>
      %dma_wait3A_731 = arith.constant 0 : i32
      %dma_wait3A_732 = arith.constant 0 : i32
      %dma_wait3A_733 = tpu.memref_slice %arg2[%dma_wait3A_731, %dma_wait3A_732] : memref<2000000x64xf32, #tpu.memory_space<hbm>> -> memref<2000000x64xf32, #tpu.memory_space<hbm>>
      tpu.wait_indirect_dma semaphore(%arg12 : memref<!tpu.dma_semaphore, #tpu.memory_space<semaphore_mem>>) src(%dma_wait3A_733 : memref<2000000x64xf32, #tpu.memory_space<hbm>>) dst(%dma_wait3A_727 : memref<50x64xf32, #tpu.memory_space<vmem>>)
      %mul3A_734 = arith.constant 8 : i32
      %mul3A_735 = arith.muli %add3A_703, %mul3A_734 : i32
      %add3A_736 = arith.constant 2 : i32
      %add3A_737 = arith.addi %mul3A_735, %add3A_736 : i32
      %dma_wait3A_738 = arith.constant 2 : i32
      %dma_wait3A_739 = arith.constant 0 : i32
      %dma_wait3A_740 = arith.constant 0 : i32
      %dma_wait3A_741 = tpu.memref_slice %arg8[%dma_wait3A_738, %dma_wait3A_739, %dma_wait3A_740] : memref<8x50x64xf32, #tpu.memory_space<vmem>> -> memref<1x50x64xf32, #tpu.memory_space<vmem>>
      %dma_wait3A_742 = tpu.memref_squeeze %dma_wait3A_741 : memref<1x50x64xf32, #tpu.memory_space<vmem>> -> memref<50x64xf32, #tpu.memory_space<vmem>>
      %dma_wait3A_743 = arith.constant 0 : i32
      %dma_wait3A_744 = tpu.memref_slice %arg5[%add3A_737, %dma_wait3A_743] : memref<512x50xi32, #tpu.memory_space<vmem>> -> memref<1x50xi32, #tpu.memory_space<vmem>>
      %dma_wait3A_745 = tpu.memref_squeeze %dma_wait3A_744 : memref<1x50xi32, #tpu.memory_space<vmem>> -> memref<50xi32, #tpu.memory_space<vmem>>
      %dma_wait3A_746 = arith.constant 0 : i32
      %dma_wait3A_747 = arith.constant 0 : i32
      %dma_wait3A_748 = tpu.memref_slice %arg2[%dma_wait3A_746, %dma_wait3A_747] : memref<2000000x64xf32, #tpu.memory_space<hbm>> -> memref<2000000x64xf32, #tpu.memory_space<hbm>>
      tpu.wait_indirect_dma semaphore(%arg12 : memref<!tpu.dma_semaphore, #tpu.memory_space<semaphore_mem>>) src(%dma_wait3A_748 : memref<2000000x64xf32, #tpu.memory_space<hbm>>) dst(%dma_wait3A_742 : memref<50x64xf32, #tpu.memory_space<vmem>>)
      %mul3A_749 = arith.constant 8 : i32
      %mul3A_750 = arith.muli %add3A_703, %mul3A_749 : i32
      %add3A_751 = arith.constant 3 : i32
      %add3A_752 = arith.addi %mul3A_750, %add3A_751 : i32
      %dma_wait3A_753 = arith.constant 3 : i32
      %dma_wait3A_754 = arith.constant 0 : i32
      %dma_wait3A_755 = arith.constant 0 : i32
      %dma_wait3A_756 = tpu.memref_slice %arg8[%dma_wait3A_753, %dma_wait3A_754, %dma_wait3A_755] : memref<8x50x64xf32, #tpu.memory_space<vmem>> -> memref<1x50x64xf32, #tpu.memory_space<vmem>>
      %dma_wait3A_757 = tpu.memref_squeeze %dma_wait3A_756 : memref<1x50x64xf32, #tpu.memory_space<vmem>> -> memref<50x64xf32, #tpu.memory_space<vmem>>
      %dma_wait3A_758 = arith.constant 0 : i32
      %dma_wait3A_759 = tpu.memref_slice %arg5[%add3A_752, %dma_wait3A_758] : memref<512x50xi32, #tpu.memory_space<vmem>> -> memref<1x50xi32, #tpu.memory_space<vmem>>
      %dma_wait3A_760 = tpu.memref_squeeze %dma_wait3A_759 : memref<1x50xi32, #tpu.memory_space<vmem>> -> memref<50xi32, #tpu.memory_space<vmem>>
      %dma_wait3A_761 = arith.constant 0 : i32
      %dma_wait3A_762 = arith.constant 0 : i32
      %dma_wait3A_763 = tpu.memref_slice %arg2[%dma_wait3A_761, %dma_wait3A_762] : memref<2000000x64xf32, #tpu.memory_space<hbm>> -> memref<2000000x64xf32, #tpu.memory_space<hbm>>
      tpu.wait_indirect_dma semaphore(%arg12 : memref<!tpu.dma_semaphore, #tpu.memory_space<semaphore_mem>>) src(%dma_wait3A_763 : memref<2000000x64xf32, #tpu.memory_space<hbm>>) dst(%dma_wait3A_757 : memref<50x64xf32, #tpu.memory_space<vmem>>)
      %mul3A_764 = arith.constant 8 : i32
      %mul3A_765 = arith.muli %add3A_703, %mul3A_764 : i32
      %add3A_766 = arith.constant 4 : i32
      %add3A_767 = arith.addi %mul3A_765, %add3A_766 : i32
      %dma_wait3A_768 = arith.constant 4 : i32
      %dma_wait3A_769 = arith.constant 0 : i32
      %dma_wait3A_770 = arith.constant 0 : i32
      %dma_wait3A_771 = tpu.memref_slice %arg8[%dma_wait3A_768, %dma_wait3A_769, %dma_wait3A_770] : memref<8x50x64xf32, #tpu.memory_space<vmem>> -> memref<1x50x64xf32, #tpu.memory_space<vmem>>
      %dma_wait3A_772 = tpu.memref_squeeze %dma_wait3A_771 : memref<1x50x64xf32, #tpu.memory_space<vmem>> -> memref<50x64xf32, #tpu.memory_space<vmem>>
      %dma_wait3A_773 = arith.constant 0 : i32
      %dma_wait3A_774 = tpu.memref_slice %arg5[%add3A_767, %dma_wait3A_773] : memref<512x50xi32, #tpu.memory_space<vmem>> -> memref<1x50xi32, #tpu.memory_space<vmem>>
      %dma_wait3A_775 = tpu.memref_squeeze %dma_wait3A_774 : memref<1x50xi32, #tpu.memory_space<vmem>> -> memref<50xi32, #tpu.memory_space<vmem>>
      %dma_wait3A_776 = arith.constant 0 : i32
      %dma_wait3A_777 = arith.constant 0 : i32
      %dma_wait3A_778 = tpu.memref_slice %arg2[%dma_wait3A_776, %dma_wait3A_777] : memref<2000000x64xf32, #tpu.memory_space<hbm>> -> memref<2000000x64xf32, #tpu.memory_space<hbm>>
      tpu.wait_indirect_dma semaphore(%arg12 : memref<!tpu.dma_semaphore, #tpu.memory_space<semaphore_mem>>) src(%dma_wait3A_778 : memref<2000000x64xf32, #tpu.memory_space<hbm>>) dst(%dma_wait3A_772 : memref<50x64xf32, #tpu.memory_space<vmem>>)
      %mul3A_779 = arith.constant 8 : i32
      %mul3A_780 = arith.muli %add3A_703, %mul3A_779 : i32
      %add3A_781 = arith.constant 5 : i32
      %add3A_782 = arith.addi %mul3A_780, %add3A_781 : i32
      %dma_wait3A_783 = arith.constant 5 : i32
      %dma_wait3A_784 = arith.constant 0 : i32
      %dma_wait3A_785 = arith.constant 0 : i32
      %dma_wait3A_786 = tpu.memref_slice %arg8[%dma_wait3A_783, %dma_wait3A_784, %dma_wait3A_785] : memref<8x50x64xf32, #tpu.memory_space<vmem>> -> memref<1x50x64xf32, #tpu.memory_space<vmem>>
      %dma_wait3A_787 = tpu.memref_squeeze %dma_wait3A_786 : memref<1x50x64xf32, #tpu.memory_space<vmem>> -> memref<50x64xf32, #tpu.memory_space<vmem>>
      %dma_wait3A_788 = arith.constant 0 : i32
      %dma_wait3A_789 = tpu.memref_slice %arg5[%add3A_782, %dma_wait3A_788] : memref<512x50xi32, #tpu.memory_space<vmem>> -> memref<1x50xi32, #tpu.memory_space<vmem>>
      %dma_wait3A_790 = tpu.memref_squeeze %dma_wait3A_789 : memref<1x50xi32, #tpu.memory_space<vmem>> -> memref<50xi32, #tpu.memory_space<vmem>>
      %dma_wait3A_791 = arith.constant 0 : i32
      %dma_wait3A_792 = arith.constant 0 : i32
      %dma_wait3A_793 = tpu.memref_slice %arg2[%dma_wait3A_791, %dma_wait3A_792] : memref<2000000x64xf32, #tpu.memory_space<hbm>> -> memref<2000000x64xf32, #tpu.memory_space<hbm>>
      tpu.wait_indirect_dma semaphore(%arg12 : memref<!tpu.dma_semaphore, #tpu.memory_space<semaphore_mem>>) src(%dma_wait3A_793 : memref<2000000x64xf32, #tpu.memory_space<hbm>>) dst(%dma_wait3A_787 : memref<50x64xf32, #tpu.memory_space<vmem>>)
      %mul3A_794 = arith.constant 8 : i32
      %mul3A_795 = arith.muli %add3A_703, %mul3A_794 : i32
      %add3A_796 = arith.constant 6 : i32
      %add3A_797 = arith.addi %mul3A_795, %add3A_796 : i32
      %dma_wait3A_798 = arith.constant 6 : i32
      %dma_wait3A_799 = arith.constant 0 : i32
      %dma_wait3A_800 = arith.constant 0 : i32
      %dma_wait3A_801 = tpu.memref_slice %arg8[%dma_wait3A_798, %dma_wait3A_799, %dma_wait3A_800] : memref<8x50x64xf32, #tpu.memory_space<vmem>> -> memref<1x50x64xf32, #tpu.memory_space<vmem>>
      %dma_wait3A_802 = tpu.memref_squeeze %dma_wait3A_801 : memref<1x50x64xf32, #tpu.memory_space<vmem>> -> memref<50x64xf32, #tpu.memory_space<vmem>>
      %dma_wait3A_803 = arith.constant 0 : i32
      %dma_wait3A_804 = tpu.memref_slice %arg5[%add3A_797, %dma_wait3A_803] : memref<512x50xi32, #tpu.memory_space<vmem>> -> memref<1x50xi32, #tpu.memory_space<vmem>>
      %dma_wait3A_805 = tpu.memref_squeeze %dma_wait3A_804 : memref<1x50xi32, #tpu.memory_space<vmem>> -> memref<50xi32, #tpu.memory_space<vmem>>
      %dma_wait3A_806 = arith.constant 0 : i32
      %dma_wait3A_807 = arith.constant 0 : i32
      %dma_wait3A_808 = tpu.memref_slice %arg2[%dma_wait3A_806, %dma_wait3A_807] : memref<2000000x64xf32, #tpu.memory_space<hbm>> -> memref<2000000x64xf32, #tpu.memory_space<hbm>>
      tpu.wait_indirect_dma semaphore(%arg12 : memref<!tpu.dma_semaphore, #tpu.memory_space<semaphore_mem>>) src(%dma_wait3A_808 : memref<2000000x64xf32, #tpu.memory_space<hbm>>) dst(%dma_wait3A_802 : memref<50x64xf32, #tpu.memory_space<vmem>>)
      %mul3A_809 = arith.constant 8 : i32
      %mul3A_810 = arith.muli %add3A_703, %mul3A_809 : i32
      %add3A_811 = arith.constant 7 : i32
      %add3A_812 = arith.addi %mul3A_810, %add3A_811 : i32
      %dma_wait3A_813 = arith.constant 7 : i32
      %dma_wait3A_814 = arith.constant 0 : i32
      %dma_wait3A_815 = arith.constant 0 : i32
      %dma_wait3A_816 = tpu.memref_slice %arg8[%dma_wait3A_813, %dma_wait3A_814, %dma_wait3A_815] : memref<8x50x64xf32, #tpu.memory_space<vmem>> -> memref<1x50x64xf32, #tpu.memory_space<vmem>>
      %dma_wait3A_817 = tpu.memref_squeeze %dma_wait3A_816 : memref<1x50x64xf32, #tpu.memory_space<vmem>> -> memref<50x64xf32, #tpu.memory_space<vmem>>
      %dma_wait3A_818 = arith.constant 0 : i32
      %dma_wait3A_819 = tpu.memref_slice %arg5[%add3A_812, %dma_wait3A_818] : memref<512x50xi32, #tpu.memory_space<vmem>> -> memref<1x50xi32, #tpu.memory_space<vmem>>
      %dma_wait3A_820 = tpu.memref_squeeze %dma_wait3A_819 : memref<1x50xi32, #tpu.memory_space<vmem>> -> memref<50xi32, #tpu.memory_space<vmem>>
      %dma_wait3A_821 = arith.constant 0 : i32
      %dma_wait3A_822 = arith.constant 0 : i32
      %dma_wait3A_823 = tpu.memref_slice %arg2[%dma_wait3A_821, %dma_wait3A_822] : memref<2000000x64xf32, #tpu.memory_space<hbm>> -> memref<2000000x64xf32, #tpu.memory_space<hbm>>
      tpu.wait_indirect_dma semaphore(%arg12 : memref<!tpu.dma_semaphore, #tpu.memory_space<semaphore_mem>>) src(%dma_wait3A_823 : memref<2000000x64xf32, #tpu.memory_space<hbm>>) dst(%dma_wait3A_817 : memref<50x64xf32, #tpu.memory_space<vmem>>)
      %mul3A_824 = arith.constant 8 : i32
      %mul3A_825 = arith.muli %add3A_703, %mul3A_824 : i32
      %add3A_826 = arith.addi %mul3A_2, %mul3A_825 : i32
      %dma_start3A_827 = arith.constant 0 : i32
      %dma_start3A_828 = arith.constant 0 : i32
      %dma_start3A_829 = tpu.memref_slice %arg4[%add3A_826, %dma_start3A_827, %dma_start3A_828] : memref<16384x56x128xf32, #tpu.memory_space<hbm>> -> memref<8x50x64xf32, #tpu.memory_space<hbm>>
      %dma_start3A_830 = arith.constant 0 : i32
      %dma_start3A_831 = arith.constant 0 : i32
      %dma_start3A_832 = tpu.memref_slice %arg4[%add3A_826, %dma_start3A_830, %dma_start3A_831] : memref<16384x56x128xf32, #tpu.memory_space<hbm>> -> memref<8x50x64xf32, #tpu.memory_space<hbm>>
      tpu.enqueue_dma source(%arg8 : memref<8x50x64xf32, #tpu.memory_space<vmem>>) target(%dma_start3A_832 : memref<8x50x64xf32, #tpu.memory_space<hbm>>) target_semaphore(%arg16 : memref<!tpu.dma_semaphore, #tpu.memory_space<semaphore_mem>>)
      %add3A_833 = arith.constant 4 : i32
      %add3A_834 = arith.addi %add3A_703, %add3A_833 : i32
      %lt3A_835 = arith.constant 64 : i32
      %lt3A_836 = arith.cmpi slt, %add3A_834, %lt3A_835 : i32
      %convert_element_type3A_837 = arith.extui %lt3A_836 : i1 to i32
      %cond3A_838 = arith.constant 0 : i32
      %cond3A_839 = arith.cmpi ne, %convert_element_type3A_837, %cond3A_838 : i32
      scf.if %cond3A_839 {
        %mul3A_980 = arith.constant 8 : i32
        %mul3A_981 = arith.muli %add3A_703, %mul3A_980 : i32
        %add3A_982 = arith.addi %mul3A_2, %mul3A_981 : i32
        %dma_wait3A_983 = arith.constant 0 : i32
        %dma_wait3A_984 = arith.constant 0 : i32
        %dma_wait3A_985 = tpu.memref_slice %arg4[%add3A_982, %dma_wait3A_983, %dma_wait3A_984] : memref<16384x56x128xf32, #tpu.memory_space<hbm>> -> memref<8x50x64xf32, #tpu.memory_space<hbm>>
        %dma_wait3A_986 = arith.constant 0 : i32
        %dma_wait3A_987 = arith.constant 0 : i32
        %dma_wait3A_988 = tpu.memref_slice %arg4[%add3A_982, %dma_wait3A_986, %dma_wait3A_987] : memref<16384x56x128xf32, #tpu.memory_space<hbm>> -> memref<8x50x64xf32, #tpu.memory_space<hbm>>
        tpu.wait_dma2 semaphore(%arg16 : memref<!tpu.dma_semaphore, #tpu.memory_space<semaphore_mem>>) src(%arg8 : memref<8x50x64xf32, #tpu.memory_space<vmem>>) dst(%dma_wait3A_988 : memref<8x50x64xf32, #tpu.memory_space<hbm>>)
        %add3A_989 = arith.constant 4 : i32
        %add3A_990 = arith.addi %add3A_703, %add3A_989 : i32
        %mul3A_991 = arith.constant 8 : i32
        %mul3A_992 = arith.muli %add3A_990, %mul3A_991 : i32
        %add3A_993 = arith.constant 0 : i32
        %add3A_994 = arith.addi %mul3A_992, %add3A_993 : i32
        %dma_start3A_995 = arith.constant 0 : i32
        %dma_start3A_996 = arith.constant 0 : i32
        %dma_start3A_997 = arith.constant 0 : i32
        %dma_start3A_998 = tpu.memref_slice %arg8[%dma_start3A_995, %dma_start3A_996, %dma_start3A_997] : memref<8x50x64xf32, #tpu.memory_space<vmem>> -> memref<1x50x64xf32, #tpu.memory_space<vmem>>
        %dma_start3A_999 = tpu.memref_squeeze %dma_start3A_998 : memref<1x50x64xf32, #tpu.memory_space<vmem>> -> memref<50x64xf32, #tpu.memory_space<vmem>>
        %dma_start3A_1000 = arith.constant 0 : i32
        %dma_start3A_1001 = tpu.memref_slice %arg5[%add3A_994, %dma_start3A_1000] : memref<512x50xi32, #tpu.memory_space<vmem>> -> memref<1x50xi32, #tpu.memory_space<vmem>>
        %dma_start3A_1002 = tpu.memref_squeeze %dma_start3A_1001 : memref<1x50xi32, #tpu.memory_space<vmem>> -> memref<50xi32, #tpu.memory_space<vmem>>
        %dma_start3A_1003 = arith.constant 0 : i32
        %dma_start3A_1004 = arith.constant 0 : i32
        %dma_start3A_1005 = tpu.memref_slice %arg2[%dma_start3A_1003, %dma_start3A_1004] : memref<2000000x64xf32, #tpu.memory_space<hbm>> -> memref<2000000x64xf32, #tpu.memory_space<hbm>>
        tpu.enqueue_indirect_dma source(%dma_start3A_1005 : memref<2000000x64xf32, #tpu.memory_space<hbm>>) target(%dma_start3A_999 : memref<50x64xf32, #tpu.memory_space<vmem>>) offsets(%dma_start3A_1002 : memref<50xi32, #tpu.memory_space<vmem>>) semaphore(%arg12 : memref<!tpu.dma_semaphore, #tpu.memory_space<semaphore_mem>>)
        %mul3A_1006 = arith.constant 8 : i32
        %mul3A_1007 = arith.muli %add3A_990, %mul3A_1006 : i32
        %add3A_1008 = arith.constant 1 : i32
        %add3A_1009 = arith.addi %mul3A_1007, %add3A_1008 : i32
        %dma_start3A_1010 = arith.constant 1 : i32
        %dma_start3A_1011 = arith.constant 0 : i32
        %dma_start3A_1012 = arith.constant 0 : i32
        %dma_start3A_1013 = tpu.memref_slice %arg8[%dma_start3A_1010, %dma_start3A_1011, %dma_start3A_1012] : memref<8x50x64xf32, #tpu.memory_space<vmem>> -> memref<1x50x64xf32, #tpu.memory_space<vmem>>
        %dma_start3A_1014 = tpu.memref_squeeze %dma_start3A_1013 : memref<1x50x64xf32, #tpu.memory_space<vmem>> -> memref<50x64xf32, #tpu.memory_space<vmem>>
        %dma_start3A_1015 = arith.constant 0 : i32
        %dma_start3A_1016 = tpu.memref_slice %arg5[%add3A_1009, %dma_start3A_1015] : memref<512x50xi32, #tpu.memory_space<vmem>> -> memref<1x50xi32, #tpu.memory_space<vmem>>
        %dma_start3A_1017 = tpu.memref_squeeze %dma_start3A_1016 : memref<1x50xi32, #tpu.memory_space<vmem>> -> memref<50xi32, #tpu.memory_space<vmem>>
        %dma_start3A_1018 = arith.constant 0 : i32
        %dma_start3A_1019 = arith.constant 0 : i32
        %dma_start3A_1020 = tpu.memref_slice %arg2[%dma_start3A_1018, %dma_start3A_1019] : memref<2000000x64xf32, #tpu.memory_space<hbm>> -> memref<2000000x64xf32, #tpu.memory_space<hbm>>
        tpu.enqueue_indirect_dma source(%dma_start3A_1020 : memref<2000000x64xf32, #tpu.memory_space<hbm>>) target(%dma_start3A_1014 : memref<50x64xf32, #tpu.memory_space<vmem>>) offsets(%dma_start3A_1017 : memref<50xi32, #tpu.memory_space<vmem>>) semaphore(%arg12 : memref<!tpu.dma_semaphore, #tpu.memory_space<semaphore_mem>>)
        %mul3A_1021 = arith.constant 8 : i32
        %mul3A_1022 = arith.muli %add3A_990, %mul3A_1021 : i32
        %add3A_1023 = arith.constant 2 : i32
        %add3A_1024 = arith.addi %mul3A_1022, %add3A_1023 : i32
        %dma_start3A_1025 = arith.constant 2 : i32
        %dma_start3A_1026 = arith.constant 0 : i32
        %dma_start3A_1027 = arith.constant 0 : i32
        %dma_start3A_1028 = tpu.memref_slice %arg8[%dma_start3A_1025, %dma_start3A_1026, %dma_start3A_1027] : memref<8x50x64xf32, #tpu.memory_space<vmem>> -> memref<1x50x64xf32, #tpu.memory_space<vmem>>
        %dma_start3A_1029 = tpu.memref_squeeze %dma_start3A_1028 : memref<1x50x64xf32, #tpu.memory_space<vmem>> -> memref<50x64xf32, #tpu.memory_space<vmem>>
        %dma_start3A_1030 = arith.constant 0 : i32
        %dma_start3A_1031 = tpu.memref_slice %arg5[%add3A_1024, %dma_start3A_1030] : memref<512x50xi32, #tpu.memory_space<vmem>> -> memref<1x50xi32, #tpu.memory_space<vmem>>
        %dma_start3A_1032 = tpu.memref_squeeze %dma_start3A_1031 : memref<1x50xi32, #tpu.memory_space<vmem>> -> memref<50xi32, #tpu.memory_space<vmem>>
        %dma_start3A_1033 = arith.constant 0 : i32
        %dma_start3A_1034 = arith.constant 0 : i32
        %dma_start3A_1035 = tpu.memref_slice %arg2[%dma_start3A_1033, %dma_start3A_1034] : memref<2000000x64xf32, #tpu.memory_space<hbm>> -> memref<2000000x64xf32, #tpu.memory_space<hbm>>
        tpu.enqueue_indirect_dma source(%dma_start3A_1035 : memref<2000000x64xf32, #tpu.memory_space<hbm>>) target(%dma_start3A_1029 : memref<50x64xf32, #tpu.memory_space<vmem>>) offsets(%dma_start3A_1032 : memref<50xi32, #tpu.memory_space<vmem>>) semaphore(%arg12 : memref<!tpu.dma_semaphore, #tpu.memory_space<semaphore_mem>>)
        %mul3A_1036 = arith.constant 8 : i32
        %mul3A_1037 = arith.muli %add3A_990, %mul3A_1036 : i32
        %add3A_1038 = arith.constant 3 : i32
        %add3A_1039 = arith.addi %mul3A_1037, %add3A_1038 : i32
        %dma_start3A_1040 = arith.constant 3 : i32
        %dma_start3A_1041 = arith.constant 0 : i32
        %dma_start3A_1042 = arith.constant 0 : i32
        %dma_start3A_1043 = tpu.memref_slice %arg8[%dma_start3A_1040, %dma_start3A_1041, %dma_start3A_1042] : memref<8x50x64xf32, #tpu.memory_space<vmem>> -> memref<1x50x64xf32, #tpu.memory_space<vmem>>
        %dma_start3A_1044 = tpu.memref_squeeze %dma_start3A_1043 : memref<1x50x64xf32, #tpu.memory_space<vmem>> -> memref<50x64xf32, #tpu.memory_space<vmem>>
        %dma_start3A_1045 = arith.constant 0 : i32
        %dma_start3A_1046 = tpu.memref_slice %arg5[%add3A_1039, %dma_start3A_1045] : memref<512x50xi32, #tpu.memory_space<vmem>> -> memref<1x50xi32, #tpu.memory_space<vmem>>
        %dma_start3A_1047 = tpu.memref_squeeze %dma_start3A_1046 : memref<1x50xi32, #tpu.memory_space<vmem>> -> memref<50xi32, #tpu.memory_space<vmem>>
        %dma_start3A_1048 = arith.constant 0 : i32
        %dma_start3A_1049 = arith.constant 0 : i32
        %dma_start3A_1050 = tpu.memref_slice %arg2[%dma_start3A_1048, %dma_start3A_1049] : memref<2000000x64xf32, #tpu.memory_space<hbm>> -> memref<2000000x64xf32, #tpu.memory_space<hbm>>
        tpu.enqueue_indirect_dma source(%dma_start3A_1050 : memref<2000000x64xf32, #tpu.memory_space<hbm>>) target(%dma_start3A_1044 : memref<50x64xf32, #tpu.memory_space<vmem>>) offsets(%dma_start3A_1047 : memref<50xi32, #tpu.memory_space<vmem>>) semaphore(%arg12 : memref<!tpu.dma_semaphore, #tpu.memory_space<semaphore_mem>>)
        %mul3A_1051 = arith.constant 8 : i32
        %mul3A_1052 = arith.muli %add3A_990, %mul3A_1051 : i32
        %add3A_1053 = arith.constant 4 : i32
        %add3A_1054 = arith.addi %mul3A_1052, %add3A_1053 : i32
        %dma_start3A_1055 = arith.constant 4 : i32
        %dma_start3A_1056 = arith.constant 0 : i32
        %dma_start3A_1057 = arith.constant 0 : i32
        %dma_start3A_1058 = tpu.memref_slice %arg8[%dma_start3A_1055, %dma_start3A_1056, %dma_start3A_1057] : memref<8x50x64xf32, #tpu.memory_space<vmem>> -> memref<1x50x64xf32, #tpu.memory_space<vmem>>
        %dma_start3A_1059 = tpu.memref_squeeze %dma_start3A_1058 : memref<1x50x64xf32, #tpu.memory_space<vmem>> -> memref<50x64xf32, #tpu.memory_space<vmem>>
        %dma_start3A_1060 = arith.constant 0 : i32
        %dma_start3A_1061 = tpu.memref_slice %arg5[%add3A_1054, %dma_start3A_1060] : memref<512x50xi32, #tpu.memory_space<vmem>> -> memref<1x50xi32, #tpu.memory_space<vmem>>
        %dma_start3A_1062 = tpu.memref_squeeze %dma_start3A_1061 : memref<1x50xi32, #tpu.memory_space<vmem>> -> memref<50xi32, #tpu.memory_space<vmem>>
        %dma_start3A_1063 = arith.constant 0 : i32
        %dma_start3A_1064 = arith.constant 0 : i32
        %dma_start3A_1065 = tpu.memref_slice %arg2[%dma_start3A_1063, %dma_start3A_1064] : memref<2000000x64xf32, #tpu.memory_space<hbm>> -> memref<2000000x64xf32, #tpu.memory_space<hbm>>
        tpu.enqueue_indirect_dma source(%dma_start3A_1065 : memref<2000000x64xf32, #tpu.memory_space<hbm>>) target(%dma_start3A_1059 : memref<50x64xf32, #tpu.memory_space<vmem>>) offsets(%dma_start3A_1062 : memref<50xi32, #tpu.memory_space<vmem>>) semaphore(%arg12 : memref<!tpu.dma_semaphore, #tpu.memory_space<semaphore_mem>>)
        %mul3A_1066 = arith.constant 8 : i32
        %mul3A_1067 = arith.muli %add3A_990, %mul3A_1066 : i32
        %add3A_1068 = arith.constant 5 : i32
        %add3A_1069 = arith.addi %mul3A_1067, %add3A_1068 : i32
        %dma_start3A_1070 = arith.constant 5 : i32
        %dma_start3A_1071 = arith.constant 0 : i32
        %dma_start3A_1072 = arith.constant 0 : i32
        %dma_start3A_1073 = tpu.memref_slice %arg8[%dma_start3A_1070, %dma_start3A_1071, %dma_start3A_1072] : memref<8x50x64xf32, #tpu.memory_space<vmem>> -> memref<1x50x64xf32, #tpu.memory_space<vmem>>
        %dma_start3A_1074 = tpu.memref_squeeze %dma_start3A_1073 : memref<1x50x64xf32, #tpu.memory_space<vmem>> -> memref<50x64xf32, #tpu.memory_space<vmem>>
        %dma_start3A_1075 = arith.constant 0 : i32
        %dma_start3A_1076 = tpu.memref_slice %arg5[%add3A_1069, %dma_start3A_1075] : memref<512x50xi32, #tpu.memory_space<vmem>> -> memref<1x50xi32, #tpu.memory_space<vmem>>
        %dma_start3A_1077 = tpu.memref_squeeze %dma_start3A_1076 : memref<1x50xi32, #tpu.memory_space<vmem>> -> memref<50xi32, #tpu.memory_space<vmem>>
        %dma_start3A_1078 = arith.constant 0 : i32
        %dma_start3A_1079 = arith.constant 0 : i32
        %dma_start3A_1080 = tpu.memref_slice %arg2[%dma_start3A_1078, %dma_start3A_1079] : memref<2000000x64xf32, #tpu.memory_space<hbm>> -> memref<2000000x64xf32, #tpu.memory_space<hbm>>
        tpu.enqueue_indirect_dma source(%dma_start3A_1080 : memref<2000000x64xf32, #tpu.memory_space<hbm>>) target(%dma_start3A_1074 : memref<50x64xf32, #tpu.memory_space<vmem>>) offsets(%dma_start3A_1077 : memref<50xi32, #tpu.memory_space<vmem>>) semaphore(%arg12 : memref<!tpu.dma_semaphore, #tpu.memory_space<semaphore_mem>>)
        %mul3A_1081 = arith.constant 8 : i32
        %mul3A_1082 = arith.muli %add3A_990, %mul3A_1081 : i32
        %add3A_1083 = arith.constant 6 : i32
        %add3A_1084 = arith.addi %mul3A_1082, %add3A_1083 : i32
        %dma_start3A_1085 = arith.constant 6 : i32
        %dma_start3A_1086 = arith.constant 0 : i32
        %dma_start3A_1087 = arith.constant 0 : i32
        %dma_start3A_1088 = tpu.memref_slice %arg8[%dma_start3A_1085, %dma_start3A_1086, %dma_start3A_1087] : memref<8x50x64xf32, #tpu.memory_space<vmem>> -> memref<1x50x64xf32, #tpu.memory_space<vmem>>
        %dma_start3A_1089 = tpu.memref_squeeze %dma_start3A_1088 : memref<1x50x64xf32, #tpu.memory_space<vmem>> -> memref<50x64xf32, #tpu.memory_space<vmem>>
        %dma_start3A_1090 = arith.constant 0 : i32
        %dma_start3A_1091 = tpu.memref_slice %arg5[%add3A_1084, %dma_start3A_1090] : memref<512x50xi32, #tpu.memory_space<vmem>> -> memref<1x50xi32, #tpu.memory_space<vmem>>
        %dma_start3A_1092 = tpu.memref_squeeze %dma_start3A_1091 : memref<1x50xi32, #tpu.memory_space<vmem>> -> memref<50xi32, #tpu.memory_space<vmem>>
        %dma_start3A_1093 = arith.constant 0 : i32
        %dma_start3A_1094 = arith.constant 0 : i32
        %dma_start3A_1095 = tpu.memref_slice %arg2[%dma_start3A_1093, %dma_start3A_1094] : memref<2000000x64xf32, #tpu.memory_space<hbm>> -> memref<2000000x64xf32, #tpu.memory_space<hbm>>
        tpu.enqueue_indirect_dma source(%dma_start3A_1095 : memref<2000000x64xf32, #tpu.memory_space<hbm>>) target(%dma_start3A_1089 : memref<50x64xf32, #tpu.memory_space<vmem>>) offsets(%dma_start3A_1092 : memref<50xi32, #tpu.memory_space<vmem>>) semaphore(%arg12 : memref<!tpu.dma_semaphore, #tpu.memory_space<semaphore_mem>>)
        %mul3A_1096 = arith.constant 8 : i32
        %mul3A_1097 = arith.muli %add3A_990, %mul3A_1096 : i32
        %add3A_1098 = arith.constant 7 : i32
        %add3A_1099 = arith.addi %mul3A_1097, %add3A_1098 : i32
        %dma_start3A_1100 = arith.constant 7 : i32
        %dma_start3A_1101 = arith.constant 0 : i32
        %dma_start3A_1102 = arith.constant 0 : i32
        %dma_start3A_1103 = tpu.memref_slice %arg8[%dma_start3A_1100, %dma_start3A_1101, %dma_start3A_1102] : memref<8x50x64xf32, #tpu.memory_space<vmem>> -> memref<1x50x64xf32, #tpu.memory_space<vmem>>
        %dma_start3A_1104 = tpu.memref_squeeze %dma_start3A_1103 : memref<1x50x64xf32, #tpu.memory_space<vmem>> -> memref<50x64xf32, #tpu.memory_space<vmem>>
        %dma_start3A_1105 = arith.constant 0 : i32
        %dma_start3A_1106 = tpu.memref_slice %arg5[%add3A_1099, %dma_start3A_1105] : memref<512x50xi32, #tpu.memory_space<vmem>> -> memref<1x50xi32, #tpu.memory_space<vmem>>
        %dma_start3A_1107 = tpu.memref_squeeze %dma_start3A_1106 : memref<1x50xi32, #tpu.memory_space<vmem>> -> memref<50xi32, #tpu.memory_space<vmem>>
        %dma_start3A_1108 = arith.constant 0 : i32
        %dma_start3A_1109 = arith.constant 0 : i32
        %dma_start3A_1110 = tpu.memref_slice %arg2[%dma_start3A_1108, %dma_start3A_1109] : memref<2000000x64xf32, #tpu.memory_space<hbm>> -> memref<2000000x64xf32, #tpu.memory_space<hbm>>
        tpu.enqueue_indirect_dma source(%dma_start3A_1110 : memref<2000000x64xf32, #tpu.memory_space<hbm>>) target(%dma_start3A_1104 : memref<50x64xf32, #tpu.memory_space<vmem>>) offsets(%dma_start3A_1107 : memref<50xi32, #tpu.memory_space<vmem>>) semaphore(%arg12 : memref<!tpu.dma_semaphore, #tpu.memory_space<semaphore_mem>>)
      } else {
      }
      %mul3A_840 = arith.constant 4 : i32
      %mul3A_841 = arith.muli %scan3A_422, %mul3A_840 : i32
      %add3A_842 = arith.constant 3 : i32
      %add3A_843 = arith.addi %mul3A_841, %add3A_842 : i32
      %mul3A_844 = arith.constant 8 : i32
      %mul3A_845 = arith.muli %add3A_843, %mul3A_844 : i32
      %add3A_846 = arith.constant 0 : i32
      %add3A_847 = arith.addi %mul3A_845, %add3A_846 : i32
      %dma_wait3A_848 = arith.constant 0 : i32
      %dma_wait3A_849 = arith.constant 0 : i32
      %dma_wait3A_850 = arith.constant 0 : i32
      %dma_wait3A_851 = tpu.memref_slice %arg9[%dma_wait3A_848, %dma_wait3A_849, %dma_wait3A_850] : memref<8x50x64xf32, #tpu.memory_space<vmem>> -> memref<1x50x64xf32, #tpu.memory_space<vmem>>
      %dma_wait3A_852 = tpu.memref_squeeze %dma_wait3A_851 : memref<1x50x64xf32, #tpu.memory_space<vmem>> -> memref<50x64xf32, #tpu.memory_space<vmem>>
      %dma_wait3A_853 = arith.constant 0 : i32
      %dma_wait3A_854 = tpu.memref_slice %arg5[%add3A_847, %dma_wait3A_853] : memref<512x50xi32, #tpu.memory_space<vmem>> -> memref<1x50xi32, #tpu.memory_space<vmem>>
      %dma_wait3A_855 = tpu.memref_squeeze %dma_wait3A_854 : memref<1x50xi32, #tpu.memory_space<vmem>> -> memref<50xi32, #tpu.memory_space<vmem>>
      %dma_wait3A_856 = arith.constant 0 : i32
      %dma_wait3A_857 = arith.constant 0 : i32
      %dma_wait3A_858 = tpu.memref_slice %arg2[%dma_wait3A_856, %dma_wait3A_857] : memref<2000000x64xf32, #tpu.memory_space<hbm>> -> memref<2000000x64xf32, #tpu.memory_space<hbm>>
      tpu.wait_indirect_dma semaphore(%arg13 : memref<!tpu.dma_semaphore, #tpu.memory_space<semaphore_mem>>) src(%dma_wait3A_858 : memref<2000000x64xf32, #tpu.memory_space<hbm>>) dst(%dma_wait3A_852 : memref<50x64xf32, #tpu.memory_space<vmem>>)
      %mul3A_859 = arith.constant 8 : i32
      %mul3A_860 = arith.muli %add3A_843, %mul3A_859 : i32
      %add3A_861 = arith.constant 1 : i32
      %add3A_862 = arith.addi %mul3A_860, %add3A_861 : i32
      %dma_wait3A_863 = arith.constant 1 : i32
      %dma_wait3A_864 = arith.constant 0 : i32
      %dma_wait3A_865 = arith.constant 0 : i32
      %dma_wait3A_866 = tpu.memref_slice %arg9[%dma_wait3A_863, %dma_wait3A_864, %dma_wait3A_865] : memref<8x50x64xf32, #tpu.memory_space<vmem>> -> memref<1x50x64xf32, #tpu.memory_space<vmem>>
      %dma_wait3A_867 = tpu.memref_squeeze %dma_wait3A_866 : memref<1x50x64xf32, #tpu.memory_space<vmem>> -> memref<50x64xf32, #tpu.memory_space<vmem>>
      %dma_wait3A_868 = arith.constant 0 : i32
      %dma_wait3A_869 = tpu.memref_slice %arg5[%add3A_862, %dma_wait3A_868] : memref<512x50xi32, #tpu.memory_space<vmem>> -> memref<1x50xi32, #tpu.memory_space<vmem>>
      %dma_wait3A_870 = tpu.memref_squeeze %dma_wait3A_869 : memref<1x50xi32, #tpu.memory_space<vmem>> -> memref<50xi32, #tpu.memory_space<vmem>>
      %dma_wait3A_871 = arith.constant 0 : i32
      %dma_wait3A_872 = arith.constant 0 : i32
      %dma_wait3A_873 = tpu.memref_slice %arg2[%dma_wait3A_871, %dma_wait3A_872] : memref<2000000x64xf32, #tpu.memory_space<hbm>> -> memref<2000000x64xf32, #tpu.memory_space<hbm>>
      tpu.wait_indirect_dma semaphore(%arg13 : memref<!tpu.dma_semaphore, #tpu.memory_space<semaphore_mem>>) src(%dma_wait3A_873 : memref<2000000x64xf32, #tpu.memory_space<hbm>>) dst(%dma_wait3A_867 : memref<50x64xf32, #tpu.memory_space<vmem>>)
      %mul3A_874 = arith.constant 8 : i32
      %mul3A_875 = arith.muli %add3A_843, %mul3A_874 : i32
      %add3A_876 = arith.constant 2 : i32
      %add3A_877 = arith.addi %mul3A_875, %add3A_876 : i32
      %dma_wait3A_878 = arith.constant 2 : i32
      %dma_wait3A_879 = arith.constant 0 : i32
      %dma_wait3A_880 = arith.constant 0 : i32
      %dma_wait3A_881 = tpu.memref_slice %arg9[%dma_wait3A_878, %dma_wait3A_879, %dma_wait3A_880] : memref<8x50x64xf32, #tpu.memory_space<vmem>> -> memref<1x50x64xf32, #tpu.memory_space<vmem>>
      %dma_wait3A_882 = tpu.memref_squeeze %dma_wait3A_881 : memref<1x50x64xf32, #tpu.memory_space<vmem>> -> memref<50x64xf32, #tpu.memory_space<vmem>>
      %dma_wait3A_883 = arith.constant 0 : i32
      %dma_wait3A_884 = tpu.memref_slice %arg5[%add3A_877, %dma_wait3A_883] : memref<512x50xi32, #tpu.memory_space<vmem>> -> memref<1x50xi32, #tpu.memory_space<vmem>>
      %dma_wait3A_885 = tpu.memref_squeeze %dma_wait3A_884 : memref<1x50xi32, #tpu.memory_space<vmem>> -> memref<50xi32, #tpu.memory_space<vmem>>
      %dma_wait3A_886 = arith.constant 0 : i32
      %dma_wait3A_887 = arith.constant 0 : i32
      %dma_wait3A_888 = tpu.memref_slice %arg2[%dma_wait3A_886, %dma_wait3A_887] : memref<2000000x64xf32, #tpu.memory_space<hbm>> -> memref<2000000x64xf32, #tpu.memory_space<hbm>>
      tpu.wait_indirect_dma semaphore(%arg13 : memref<!tpu.dma_semaphore, #tpu.memory_space<semaphore_mem>>) src(%dma_wait3A_888 : memref<2000000x64xf32, #tpu.memory_space<hbm>>) dst(%dma_wait3A_882 : memref<50x64xf32, #tpu.memory_space<vmem>>)
      %mul3A_889 = arith.constant 8 : i32
      %mul3A_890 = arith.muli %add3A_843, %mul3A_889 : i32
      %add3A_891 = arith.constant 3 : i32
      %add3A_892 = arith.addi %mul3A_890, %add3A_891 : i32
      %dma_wait3A_893 = arith.constant 3 : i32
      %dma_wait3A_894 = arith.constant 0 : i32
      %dma_wait3A_895 = arith.constant 0 : i32
      %dma_wait3A_896 = tpu.memref_slice %arg9[%dma_wait3A_893, %dma_wait3A_894, %dma_wait3A_895] : memref<8x50x64xf32, #tpu.memory_space<vmem>> -> memref<1x50x64xf32, #tpu.memory_space<vmem>>
      %dma_wait3A_897 = tpu.memref_squeeze %dma_wait3A_896 : memref<1x50x64xf32, #tpu.memory_space<vmem>> -> memref<50x64xf32, #tpu.memory_space<vmem>>
      %dma_wait3A_898 = arith.constant 0 : i32
      %dma_wait3A_899 = tpu.memref_slice %arg5[%add3A_892, %dma_wait3A_898] : memref<512x50xi32, #tpu.memory_space<vmem>> -> memref<1x50xi32, #tpu.memory_space<vmem>>
      %dma_wait3A_900 = tpu.memref_squeeze %dma_wait3A_899 : memref<1x50xi32, #tpu.memory_space<vmem>> -> memref<50xi32, #tpu.memory_space<vmem>>
      %dma_wait3A_901 = arith.constant 0 : i32
      %dma_wait3A_902 = arith.constant 0 : i32
      %dma_wait3A_903 = tpu.memref_slice %arg2[%dma_wait3A_901, %dma_wait3A_902] : memref<2000000x64xf32, #tpu.memory_space<hbm>> -> memref<2000000x64xf32, #tpu.memory_space<hbm>>
      tpu.wait_indirect_dma semaphore(%arg13 : memref<!tpu.dma_semaphore, #tpu.memory_space<semaphore_mem>>) src(%dma_wait3A_903 : memref<2000000x64xf32, #tpu.memory_space<hbm>>) dst(%dma_wait3A_897 : memref<50x64xf32, #tpu.memory_space<vmem>>)
      %mul3A_904 = arith.constant 8 : i32
      %mul3A_905 = arith.muli %add3A_843, %mul3A_904 : i32
      %add3A_906 = arith.constant 4 : i32
      %add3A_907 = arith.addi %mul3A_905, %add3A_906 : i32
      %dma_wait3A_908 = arith.constant 4 : i32
      %dma_wait3A_909 = arith.constant 0 : i32
      %dma_wait3A_910 = arith.constant 0 : i32
      %dma_wait3A_911 = tpu.memref_slice %arg9[%dma_wait3A_908, %dma_wait3A_909, %dma_wait3A_910] : memref<8x50x64xf32, #tpu.memory_space<vmem>> -> memref<1x50x64xf32, #tpu.memory_space<vmem>>
      %dma_wait3A_912 = tpu.memref_squeeze %dma_wait3A_911 : memref<1x50x64xf32, #tpu.memory_space<vmem>> -> memref<50x64xf32, #tpu.memory_space<vmem>>
      %dma_wait3A_913 = arith.constant 0 : i32
      %dma_wait3A_914 = tpu.memref_slice %arg5[%add3A_907, %dma_wait3A_913] : memref<512x50xi32, #tpu.memory_space<vmem>> -> memref<1x50xi32, #tpu.memory_space<vmem>>
      %dma_wait3A_915 = tpu.memref_squeeze %dma_wait3A_914 : memref<1x50xi32, #tpu.memory_space<vmem>> -> memref<50xi32, #tpu.memory_space<vmem>>
      %dma_wait3A_916 = arith.constant 0 : i32
      %dma_wait3A_917 = arith.constant 0 : i32
      %dma_wait3A_918 = tpu.memref_slice %arg2[%dma_wait3A_916, %dma_wait3A_917] : memref<2000000x64xf32, #tpu.memory_space<hbm>> -> memref<2000000x64xf32, #tpu.memory_space<hbm>>
      tpu.wait_indirect_dma semaphore(%arg13 : memref<!tpu.dma_semaphore, #tpu.memory_space<semaphore_mem>>) src(%dma_wait3A_918 : memref<2000000x64xf32, #tpu.memory_space<hbm>>) dst(%dma_wait3A_912 : memref<50x64xf32, #tpu.memory_space<vmem>>)
      %mul3A_919 = arith.constant 8 : i32
      %mul3A_920 = arith.muli %add3A_843, %mul3A_919 : i32
      %add3A_921 = arith.constant 5 : i32
      %add3A_922 = arith.addi %mul3A_920, %add3A_921 : i32
      %dma_wait3A_923 = arith.constant 5 : i32
      %dma_wait3A_924 = arith.constant 0 : i32
      %dma_wait3A_925 = arith.constant 0 : i32
      %dma_wait3A_926 = tpu.memref_slice %arg9[%dma_wait3A_923, %dma_wait3A_924, %dma_wait3A_925] : memref<8x50x64xf32, #tpu.memory_space<vmem>> -> memref<1x50x64xf32, #tpu.memory_space<vmem>>
      %dma_wait3A_927 = tpu.memref_squeeze %dma_wait3A_926 : memref<1x50x64xf32, #tpu.memory_space<vmem>> -> memref<50x64xf32, #tpu.memory_space<vmem>>
      %dma_wait3A_928 = arith.constant 0 : i32
      %dma_wait3A_929 = tpu.memref_slice %arg5[%add3A_922, %dma_wait3A_928] : memref<512x50xi32, #tpu.memory_space<vmem>> -> memref<1x50xi32, #tpu.memory_space<vmem>>
      %dma_wait3A_930 = tpu.memref_squeeze %dma_wait3A_929 : memref<1x50xi32, #tpu.memory_space<vmem>> -> memref<50xi32, #tpu.memory_space<vmem>>
      %dma_wait3A_931 = arith.constant 0 : i32
      %dma_wait3A_932 = arith.constant 0 : i32
      %dma_wait3A_933 = tpu.memref_slice %arg2[%dma_wait3A_931, %dma_wait3A_932] : memref<2000000x64xf32, #tpu.memory_space<hbm>> -> memref<2000000x64xf32, #tpu.memory_space<hbm>>
      tpu.wait_indirect_dma semaphore(%arg13 : memref<!tpu.dma_semaphore, #tpu.memory_space<semaphore_mem>>) src(%dma_wait3A_933 : memref<2000000x64xf32, #tpu.memory_space<hbm>>) dst(%dma_wait3A_927 : memref<50x64xf32, #tpu.memory_space<vmem>>)
      %mul3A_934 = arith.constant 8 : i32
      %mul3A_935 = arith.muli %add3A_843, %mul3A_934 : i32
      %add3A_936 = arith.constant 6 : i32
      %add3A_937 = arith.addi %mul3A_935, %add3A_936 : i32
      %dma_wait3A_938 = arith.constant 6 : i32
      %dma_wait3A_939 = arith.constant 0 : i32
      %dma_wait3A_940 = arith.constant 0 : i32
      %dma_wait3A_941 = tpu.memref_slice %arg9[%dma_wait3A_938, %dma_wait3A_939, %dma_wait3A_940] : memref<8x50x64xf32, #tpu.memory_space<vmem>> -> memref<1x50x64xf32, #tpu.memory_space<vmem>>
      %dma_wait3A_942 = tpu.memref_squeeze %dma_wait3A_941 : memref<1x50x64xf32, #tpu.memory_space<vmem>> -> memref<50x64xf32, #tpu.memory_space<vmem>>
      %dma_wait3A_943 = arith.constant 0 : i32
      %dma_wait3A_944 = tpu.memref_slice %arg5[%add3A_937, %dma_wait3A_943] : memref<512x50xi32, #tpu.memory_space<vmem>> -> memref<1x50xi32, #tpu.memory_space<vmem>>
      %dma_wait3A_945 = tpu.memref_squeeze %dma_wait3A_944 : memref<1x50xi32, #tpu.memory_space<vmem>> -> memref<50xi32, #tpu.memory_space<vmem>>
      %dma_wait3A_946 = arith.constant 0 : i32
      %dma_wait3A_947 = arith.constant 0 : i32
      %dma_wait3A_948 = tpu.memref_slice %arg2[%dma_wait3A_946, %dma_wait3A_947] : memref<2000000x64xf32, #tpu.memory_space<hbm>> -> memref<2000000x64xf32, #tpu.memory_space<hbm>>
      tpu.wait_indirect_dma semaphore(%arg13 : memref<!tpu.dma_semaphore, #tpu.memory_space<semaphore_mem>>) src(%dma_wait3A_948 : memref<2000000x64xf32, #tpu.memory_space<hbm>>) dst(%dma_wait3A_942 : memref<50x64xf32, #tpu.memory_space<vmem>>)
      %mul3A_949 = arith.constant 8 : i32
      %mul3A_950 = arith.muli %add3A_843, %mul3A_949 : i32
      %add3A_951 = arith.constant 7 : i32
      %add3A_952 = arith.addi %mul3A_950, %add3A_951 : i32
      %dma_wait3A_953 = arith.constant 7 : i32
      %dma_wait3A_954 = arith.constant 0 : i32
      %dma_wait3A_955 = arith.constant 0 : i32
      %dma_wait3A_956 = tpu.memref_slice %arg9[%dma_wait3A_953, %dma_wait3A_954, %dma_wait3A_955] : memref<8x50x64xf32, #tpu.memory_space<vmem>> -> memref<1x50x64xf32, #tpu.memory_space<vmem>>
      %dma_wait3A_957 = tpu.memref_squeeze %dma_wait3A_956 : memref<1x50x64xf32, #tpu.memory_space<vmem>> -> memref<50x64xf32, #tpu.memory_space<vmem>>
      %dma_wait3A_958 = arith.constant 0 : i32
      %dma_wait3A_959 = tpu.memref_slice %arg5[%add3A_952, %dma_wait3A_958] : memref<512x50xi32, #tpu.memory_space<vmem>> -> memref<1x50xi32, #tpu.memory_space<vmem>>
      %dma_wait3A_960 = tpu.memref_squeeze %dma_wait3A_959 : memref<1x50xi32, #tpu.memory_space<vmem>> -> memref<50xi32, #tpu.memory_space<vmem>>
      %dma_wait3A_961 = arith.constant 0 : i32
      %dma_wait3A_962 = arith.constant 0 : i32
      %dma_wait3A_963 = tpu.memref_slice %arg2[%dma_wait3A_961, %dma_wait3A_962] : memref<2000000x64xf32, #tpu.memory_space<hbm>> -> memref<2000000x64xf32, #tpu.memory_space<hbm>>
      tpu.wait_indirect_dma semaphore(%arg13 : memref<!tpu.dma_semaphore, #tpu.memory_space<semaphore_mem>>) src(%dma_wait3A_963 : memref<2000000x64xf32, #tpu.memory_space<hbm>>) dst(%dma_wait3A_957 : memref<50x64xf32, #tpu.memory_space<vmem>>)
      %mul3A_964 = arith.constant 8 : i32
      %mul3A_965 = arith.muli %add3A_843, %mul3A_964 : i32
      %add3A_966 = arith.addi %mul3A_2, %mul3A_965 : i32
      %dma_start3A_967 = arith.constant 0 : i32
      %dma_start3A_968 = arith.constant 0 : i32
      %dma_start3A_969 = tpu.memref_slice %arg4[%add3A_966, %dma_start3A_967, %dma_start3A_968] : memref<16384x56x128xf32, #tpu.memory_space<hbm>> -> memref<8x50x64xf32, #tpu.memory_space<hbm>>
      %dma_start3A_970 = arith.constant 0 : i32
      %dma_start3A_971 = arith.constant 0 : i32
      %dma_start3A_972 = tpu.memref_slice %arg4[%add3A_966, %dma_start3A_970, %dma_start3A_971] : memref<16384x56x128xf32, #tpu.memory_space<hbm>> -> memref<8x50x64xf32, #tpu.memory_space<hbm>>
      tpu.enqueue_dma source(%arg9 : memref<8x50x64xf32, #tpu.memory_space<vmem>>) target(%dma_start3A_972 : memref<8x50x64xf32, #tpu.memory_space<hbm>>) target_semaphore(%arg17 : memref<!tpu.dma_semaphore, #tpu.memory_space<semaphore_mem>>)
      %add3A_973 = arith.constant 4 : i32
      %add3A_974 = arith.addi %add3A_843, %add3A_973 : i32
      %lt3A_975 = arith.constant 64 : i32
      %lt3A_976 = arith.cmpi slt, %add3A_974, %lt3A_975 : i32
      %convert_element_type3A_977 = arith.extui %lt3A_976 : i1 to i32
      %cond3A_978 = arith.constant 0 : i32
      %cond3A_979 = arith.cmpi ne, %convert_element_type3A_977, %cond3A_978 : i32
      scf.if %cond3A_979 {
        %mul3A_980 = arith.constant 8 : i32
        %mul3A_981 = arith.muli %add3A_843, %mul3A_980 : i32
        %add3A_982 = arith.addi %mul3A_2, %mul3A_981 : i32
        %dma_wait3A_983 = arith.constant 0 : i32
        %dma_wait3A_984 = arith.constant 0 : i32
        %dma_wait3A_985 = tpu.memref_slice %arg4[%add3A_982, %dma_wait3A_983, %dma_wait3A_984] : memref<16384x56x128xf32, #tpu.memory_space<hbm>> -> memref<8x50x64xf32, #tpu.memory_space<hbm>>
        %dma_wait3A_986 = arith.constant 0 : i32
        %dma_wait3A_987 = arith.constant 0 : i32
        %dma_wait3A_988 = tpu.memref_slice %arg4[%add3A_982, %dma_wait3A_986, %dma_wait3A_987] : memref<16384x56x128xf32, #tpu.memory_space<hbm>> -> memref<8x50x64xf32, #tpu.memory_space<hbm>>
        tpu.wait_dma2 semaphore(%arg17 : memref<!tpu.dma_semaphore, #tpu.memory_space<semaphore_mem>>) src(%arg9 : memref<8x50x64xf32, #tpu.memory_space<vmem>>) dst(%dma_wait3A_988 : memref<8x50x64xf32, #tpu.memory_space<hbm>>)
        %add3A_989 = arith.constant 4 : i32
        %add3A_990 = arith.addi %add3A_843, %add3A_989 : i32
        %mul3A_991 = arith.constant 8 : i32
        %mul3A_992 = arith.muli %add3A_990, %mul3A_991 : i32
        %add3A_993 = arith.constant 0 : i32
        %add3A_994 = arith.addi %mul3A_992, %add3A_993 : i32
        %dma_start3A_995 = arith.constant 0 : i32
        %dma_start3A_996 = arith.constant 0 : i32
        %dma_start3A_997 = arith.constant 0 : i32
        %dma_start3A_998 = tpu.memref_slice %arg9[%dma_start3A_995, %dma_start3A_996, %dma_start3A_997] : memref<8x50x64xf32, #tpu.memory_space<vmem>> -> memref<1x50x64xf32, #tpu.memory_space<vmem>>
        %dma_start3A_999 = tpu.memref_squeeze %dma_start3A_998 : memref<1x50x64xf32, #tpu.memory_space<vmem>> -> memref<50x64xf32, #tpu.memory_space<vmem>>
        %dma_start3A_1000 = arith.constant 0 : i32
        %dma_start3A_1001 = tpu.memref_slice %arg5[%add3A_994, %dma_start3A_1000] : memref<512x50xi32, #tpu.memory_space<vmem>> -> memref<1x50xi32, #tpu.memory_space<vmem>>
        %dma_start3A_1002 = tpu.memref_squeeze %dma_start3A_1001 : memref<1x50xi32, #tpu.memory_space<vmem>> -> memref<50xi32, #tpu.memory_space<vmem>>
        %dma_start3A_1003 = arith.constant 0 : i32
        %dma_start3A_1004 = arith.constant 0 : i32
        %dma_start3A_1005 = tpu.memref_slice %arg2[%dma_start3A_1003, %dma_start3A_1004] : memref<2000000x64xf32, #tpu.memory_space<hbm>> -> memref<2000000x64xf32, #tpu.memory_space<hbm>>
        tpu.enqueue_indirect_dma source(%dma_start3A_1005 : memref<2000000x64xf32, #tpu.memory_space<hbm>>) target(%dma_start3A_999 : memref<50x64xf32, #tpu.memory_space<vmem>>) offsets(%dma_start3A_1002 : memref<50xi32, #tpu.memory_space<vmem>>) semaphore(%arg13 : memref<!tpu.dma_semaphore, #tpu.memory_space<semaphore_mem>>)
        %mul3A_1006 = arith.constant 8 : i32
        %mul3A_1007 = arith.muli %add3A_990, %mul3A_1006 : i32
        %add3A_1008 = arith.constant 1 : i32
        %add3A_1009 = arith.addi %mul3A_1007, %add3A_1008 : i32
        %dma_start3A_1010 = arith.constant 1 : i32
        %dma_start3A_1011 = arith.constant 0 : i32
        %dma_start3A_1012 = arith.constant 0 : i32
        %dma_start3A_1013 = tpu.memref_slice %arg9[%dma_start3A_1010, %dma_start3A_1011, %dma_start3A_1012] : memref<8x50x64xf32, #tpu.memory_space<vmem>> -> memref<1x50x64xf32, #tpu.memory_space<vmem>>
        %dma_start3A_1014 = tpu.memref_squeeze %dma_start3A_1013 : memref<1x50x64xf32, #tpu.memory_space<vmem>> -> memref<50x64xf32, #tpu.memory_space<vmem>>
        %dma_start3A_1015 = arith.constant 0 : i32
        %dma_start3A_1016 = tpu.memref_slice %arg5[%add3A_1009, %dma_start3A_1015] : memref<512x50xi32, #tpu.memory_space<vmem>> -> memref<1x50xi32, #tpu.memory_space<vmem>>
        %dma_start3A_1017 = tpu.memref_squeeze %dma_start3A_1016 : memref<1x50xi32, #tpu.memory_space<vmem>> -> memref<50xi32, #tpu.memory_space<vmem>>
        %dma_start3A_1018 = arith.constant 0 : i32
        %dma_start3A_1019 = arith.constant 0 : i32
        %dma_start3A_1020 = tpu.memref_slice %arg2[%dma_start3A_1018, %dma_start3A_1019] : memref<2000000x64xf32, #tpu.memory_space<hbm>> -> memref<2000000x64xf32, #tpu.memory_space<hbm>>
        tpu.enqueue_indirect_dma source(%dma_start3A_1020 : memref<2000000x64xf32, #tpu.memory_space<hbm>>) target(%dma_start3A_1014 : memref<50x64xf32, #tpu.memory_space<vmem>>) offsets(%dma_start3A_1017 : memref<50xi32, #tpu.memory_space<vmem>>) semaphore(%arg13 : memref<!tpu.dma_semaphore, #tpu.memory_space<semaphore_mem>>)
        %mul3A_1021 = arith.constant 8 : i32
        %mul3A_1022 = arith.muli %add3A_990, %mul3A_1021 : i32
        %add3A_1023 = arith.constant 2 : i32
        %add3A_1024 = arith.addi %mul3A_1022, %add3A_1023 : i32
        %dma_start3A_1025 = arith.constant 2 : i32
        %dma_start3A_1026 = arith.constant 0 : i32
        %dma_start3A_1027 = arith.constant 0 : i32
        %dma_start3A_1028 = tpu.memref_slice %arg9[%dma_start3A_1025, %dma_start3A_1026, %dma_start3A_1027] : memref<8x50x64xf32, #tpu.memory_space<vmem>> -> memref<1x50x64xf32, #tpu.memory_space<vmem>>
        %dma_start3A_1029 = tpu.memref_squeeze %dma_start3A_1028 : memref<1x50x64xf32, #tpu.memory_space<vmem>> -> memref<50x64xf32, #tpu.memory_space<vmem>>
        %dma_start3A_1030 = arith.constant 0 : i32
        %dma_start3A_1031 = tpu.memref_slice %arg5[%add3A_1024, %dma_start3A_1030] : memref<512x50xi32, #tpu.memory_space<vmem>> -> memref<1x50xi32, #tpu.memory_space<vmem>>
        %dma_start3A_1032 = tpu.memref_squeeze %dma_start3A_1031 : memref<1x50xi32, #tpu.memory_space<vmem>> -> memref<50xi32, #tpu.memory_space<vmem>>
        %dma_start3A_1033 = arith.constant 0 : i32
        %dma_start3A_1034 = arith.constant 0 : i32
        %dma_start3A_1035 = tpu.memref_slice %arg2[%dma_start3A_1033, %dma_start3A_1034] : memref<2000000x64xf32, #tpu.memory_space<hbm>> -> memref<2000000x64xf32, #tpu.memory_space<hbm>>
        tpu.enqueue_indirect_dma source(%dma_start3A_1035 : memref<2000000x64xf32, #tpu.memory_space<hbm>>) target(%dma_start3A_1029 : memref<50x64xf32, #tpu.memory_space<vmem>>) offsets(%dma_start3A_1032 : memref<50xi32, #tpu.memory_space<vmem>>) semaphore(%arg13 : memref<!tpu.dma_semaphore, #tpu.memory_space<semaphore_mem>>)
        %mul3A_1036 = arith.constant 8 : i32
        %mul3A_1037 = arith.muli %add3A_990, %mul3A_1036 : i32
        %add3A_1038 = arith.constant 3 : i32
        %add3A_1039 = arith.addi %mul3A_1037, %add3A_1038 : i32
        %dma_start3A_1040 = arith.constant 3 : i32
        %dma_start3A_1041 = arith.constant 0 : i32
        %dma_start3A_1042 = arith.constant 0 : i32
        %dma_start3A_1043 = tpu.memref_slice %arg9[%dma_start3A_1040, %dma_start3A_1041, %dma_start3A_1042] : memref<8x50x64xf32, #tpu.memory_space<vmem>> -> memref<1x50x64xf32, #tpu.memory_space<vmem>>
        %dma_start3A_1044 = tpu.memref_squeeze %dma_start3A_1043 : memref<1x50x64xf32, #tpu.memory_space<vmem>> -> memref<50x64xf32, #tpu.memory_space<vmem>>
        %dma_start3A_1045 = arith.constant 0 : i32
        %dma_start3A_1046 = tpu.memref_slice %arg5[%add3A_1039, %dma_start3A_1045] : memref<512x50xi32, #tpu.memory_space<vmem>> -> memref<1x50xi32, #tpu.memory_space<vmem>>
        %dma_start3A_1047 = tpu.memref_squeeze %dma_start3A_1046 : memref<1x50xi32, #tpu.memory_space<vmem>> -> memref<50xi32, #tpu.memory_space<vmem>>
        %dma_start3A_1048 = arith.constant 0 : i32
        %dma_start3A_1049 = arith.constant 0 : i32
        %dma_start3A_1050 = tpu.memref_slice %arg2[%dma_start3A_1048, %dma_start3A_1049] : memref<2000000x64xf32, #tpu.memory_space<hbm>> -> memref<2000000x64xf32, #tpu.memory_space<hbm>>
        tpu.enqueue_indirect_dma source(%dma_start3A_1050 : memref<2000000x64xf32, #tpu.memory_space<hbm>>) target(%dma_start3A_1044 : memref<50x64xf32, #tpu.memory_space<vmem>>) offsets(%dma_start3A_1047 : memref<50xi32, #tpu.memory_space<vmem>>) semaphore(%arg13 : memref<!tpu.dma_semaphore, #tpu.memory_space<semaphore_mem>>)
        %mul3A_1051 = arith.constant 8 : i32
        %mul3A_1052 = arith.muli %add3A_990, %mul3A_1051 : i32
        %add3A_1053 = arith.constant 4 : i32
        %add3A_1054 = arith.addi %mul3A_1052, %add3A_1053 : i32
        %dma_start3A_1055 = arith.constant 4 : i32
        %dma_start3A_1056 = arith.constant 0 : i32
        %dma_start3A_1057 = arith.constant 0 : i32
        %dma_start3A_1058 = tpu.memref_slice %arg9[%dma_start3A_1055, %dma_start3A_1056, %dma_start3A_1057] : memref<8x50x64xf32, #tpu.memory_space<vmem>> -> memref<1x50x64xf32, #tpu.memory_space<vmem>>
        %dma_start3A_1059 = tpu.memref_squeeze %dma_start3A_1058 : memref<1x50x64xf32, #tpu.memory_space<vmem>> -> memref<50x64xf32, #tpu.memory_space<vmem>>
        %dma_start3A_1060 = arith.constant 0 : i32
        %dma_start3A_1061 = tpu.memref_slice %arg5[%add3A_1054, %dma_start3A_1060] : memref<512x50xi32, #tpu.memory_space<vmem>> -> memref<1x50xi32, #tpu.memory_space<vmem>>
        %dma_start3A_1062 = tpu.memref_squeeze %dma_start3A_1061 : memref<1x50xi32, #tpu.memory_space<vmem>> -> memref<50xi32, #tpu.memory_space<vmem>>
        %dma_start3A_1063 = arith.constant 0 : i32
        %dma_start3A_1064 = arith.constant 0 : i32
        %dma_start3A_1065 = tpu.memref_slice %arg2[%dma_start3A_1063, %dma_start3A_1064] : memref<2000000x64xf32, #tpu.memory_space<hbm>> -> memref<2000000x64xf32, #tpu.memory_space<hbm>>
        tpu.enqueue_indirect_dma source(%dma_start3A_1065 : memref<2000000x64xf32, #tpu.memory_space<hbm>>) target(%dma_start3A_1059 : memref<50x64xf32, #tpu.memory_space<vmem>>) offsets(%dma_start3A_1062 : memref<50xi32, #tpu.memory_space<vmem>>) semaphore(%arg13 : memref<!tpu.dma_semaphore, #tpu.memory_space<semaphore_mem>>)
        %mul3A_1066 = arith.constant 8 : i32
        %mul3A_1067 = arith.muli %add3A_990, %mul3A_1066 : i32
        %add3A_1068 = arith.constant 5 : i32
        %add3A_1069 = arith.addi %mul3A_1067, %add3A_1068 : i32
        %dma_start3A_1070 = arith.constant 5 : i32
        %dma_start3A_1071 = arith.constant 0 : i32
        %dma_start3A_1072 = arith.constant 0 : i32
        %dma_start3A_1073 = tpu.memref_slice %arg9[%dma_start3A_1070, %dma_start3A_1071, %dma_start3A_1072] : memref<8x50x64xf32, #tpu.memory_space<vmem>> -> memref<1x50x64xf32, #tpu.memory_space<vmem>>
        %dma_start3A_1074 = tpu.memref_squeeze %dma_start3A_1073 : memref<1x50x64xf32, #tpu.memory_space<vmem>> -> memref<50x64xf32, #tpu.memory_space<vmem>>
        %dma_start3A_1075 = arith.constant 0 : i32
        %dma_start3A_1076 = tpu.memref_slice %arg5[%add3A_1069, %dma_start3A_1075] : memref<512x50xi32, #tpu.memory_space<vmem>> -> memref<1x50xi32, #tpu.memory_space<vmem>>
        %dma_start3A_1077 = tpu.memref_squeeze %dma_start3A_1076 : memref<1x50xi32, #tpu.memory_space<vmem>> -> memref<50xi32, #tpu.memory_space<vmem>>
        %dma_start3A_1078 = arith.constant 0 : i32
        %dma_start3A_1079 = arith.constant 0 : i32
        %dma_start3A_1080 = tpu.memref_slice %arg2[%dma_start3A_1078, %dma_start3A_1079] : memref<2000000x64xf32, #tpu.memory_space<hbm>> -> memref<2000000x64xf32, #tpu.memory_space<hbm>>
        tpu.enqueue_indirect_dma source(%dma_start3A_1080 : memref<2000000x64xf32, #tpu.memory_space<hbm>>) target(%dma_start3A_1074 : memref<50x64xf32, #tpu.memory_space<vmem>>) offsets(%dma_start3A_1077 : memref<50xi32, #tpu.memory_space<vmem>>) semaphore(%arg13 : memref<!tpu.dma_semaphore, #tpu.memory_space<semaphore_mem>>)
        %mul3A_1081 = arith.constant 8 : i32
        %mul3A_1082 = arith.muli %add3A_990, %mul3A_1081 : i32
        %add3A_1083 = arith.constant 6 : i32
        %add3A_1084 = arith.addi %mul3A_1082, %add3A_1083 : i32
        %dma_start3A_1085 = arith.constant 6 : i32
        %dma_start3A_1086 = arith.constant 0 : i32
        %dma_start3A_1087 = arith.constant 0 : i32
        %dma_start3A_1088 = tpu.memref_slice %arg9[%dma_start3A_1085, %dma_start3A_1086, %dma_start3A_1087] : memref<8x50x64xf32, #tpu.memory_space<vmem>> -> memref<1x50x64xf32, #tpu.memory_space<vmem>>
        %dma_start3A_1089 = tpu.memref_squeeze %dma_start3A_1088 : memref<1x50x64xf32, #tpu.memory_space<vmem>> -> memref<50x64xf32, #tpu.memory_space<vmem>>
        %dma_start3A_1090 = arith.constant 0 : i32
        %dma_start3A_1091 = tpu.memref_slice %arg5[%add3A_1084, %dma_start3A_1090] : memref<512x50xi32, #tpu.memory_space<vmem>> -> memref<1x50xi32, #tpu.memory_space<vmem>>
        %dma_start3A_1092 = tpu.memref_squeeze %dma_start3A_1091 : memref<1x50xi32, #tpu.memory_space<vmem>> -> memref<50xi32, #tpu.memory_space<vmem>>
        %dma_start3A_1093 = arith.constant 0 : i32
        %dma_start3A_1094 = arith.constant 0 : i32
        %dma_start3A_1095 = tpu.memref_slice %arg2[%dma_start3A_1093, %dma_start3A_1094] : memref<2000000x64xf32, #tpu.memory_space<hbm>> -> memref<2000000x64xf32, #tpu.memory_space<hbm>>
        tpu.enqueue_indirect_dma source(%dma_start3A_1095 : memref<2000000x64xf32, #tpu.memory_space<hbm>>) target(%dma_start3A_1089 : memref<50x64xf32, #tpu.memory_space<vmem>>) offsets(%dma_start3A_1092 : memref<50xi32, #tpu.memory_space<vmem>>) semaphore(%arg13 : memref<!tpu.dma_semaphore, #tpu.memory_space<semaphore_mem>>)
        %mul3A_1096 = arith.constant 8 : i32
        %mul3A_1097 = arith.muli %add3A_990, %mul3A_1096 : i32
        %add3A_1098 = arith.constant 7 : i32
        %add3A_1099 = arith.addi %mul3A_1097, %add3A_1098 : i32
        %dma_start3A_1100 = arith.constant 7 : i32
        %dma_start3A_1101 = arith.constant 0 : i32
        %dma_start3A_1102 = arith.constant 0 : i32
        %dma_start3A_1103 = tpu.memref_slice %arg9[%dma_start3A_1100, %dma_start3A_1101, %dma_start3A_1102] : memref<8x50x64xf32, #tpu.memory_space<vmem>> -> memref<1x50x64xf32, #tpu.memory_space<vmem>>
        %dma_start3A_1104 = tpu.memref_squeeze %dma_start3A_1103 : memref<1x50x64xf32, #tpu.memory_space<vmem>> -> memref<50x64xf32, #tpu.memory_space<vmem>>
        %dma_start3A_1105 = arith.constant 0 : i32
        %dma_start3A_1106 = tpu.memref_slice %arg5[%add3A_1099, %dma_start3A_1105] : memref<512x50xi32, #tpu.memory_space<vmem>> -> memref<1x50xi32, #tpu.memory_space<vmem>>
        %dma_start3A_1107 = tpu.memref_squeeze %dma_start3A_1106 : memref<1x50xi32, #tpu.memory_space<vmem>> -> memref<50xi32, #tpu.memory_space<vmem>>
        %dma_start3A_1108 = arith.constant 0 : i32
        %dma_start3A_1109 = arith.constant 0 : i32
        %dma_start3A_1110 = tpu.memref_slice %arg2[%dma_start3A_1108, %dma_start3A_1109] : memref<2000000x64xf32, #tpu.memory_space<hbm>> -> memref<2000000x64xf32, #tpu.memory_space<hbm>>
        tpu.enqueue_indirect_dma source(%dma_start3A_1110 : memref<2000000x64xf32, #tpu.memory_space<hbm>>) target(%dma_start3A_1104 : memref<50x64xf32, #tpu.memory_space<vmem>>) offsets(%dma_start3A_1107 : memref<50xi32, #tpu.memory_space<vmem>>) semaphore(%arg13 : memref<!tpu.dma_semaphore, #tpu.memory_space<semaphore_mem>>)
      } else {
      }
    }
    %scan3A_390 = arith.constant 16 : i32
    %add3A_391 = arith.constant 480 : i32
    %add3A_392 = arith.addi %mul3A_2, %add3A_391 : i32
    %dma_wait3A = arith.constant 0 : i32
    %dma_wait3A_393 = arith.constant 0 : i32
    %dma_wait3A_394 = tpu.memref_slice %arg4[%add3A_392, %dma_wait3A, %dma_wait3A_393] : memref<16384x56x128xf32, #tpu.memory_space<hbm>> -> memref<8x50x64xf32, #tpu.memory_space<hbm>>
    %dma_wait3A_395 = arith.constant 0 : i32
    %dma_wait3A_396 = arith.constant 0 : i32
    %dma_wait3A_397 = tpu.memref_slice %arg4[%add3A_392, %dma_wait3A_395, %dma_wait3A_396] : memref<16384x56x128xf32, #tpu.memory_space<hbm>> -> memref<8x50x64xf32, #tpu.memory_space<hbm>>
    tpu.wait_dma2 semaphore(%arg14 : memref<!tpu.dma_semaphore, #tpu.memory_space<semaphore_mem>>) src(%arg6 : memref<8x50x64xf32, #tpu.memory_space<vmem>>) dst(%dma_wait3A_397 : memref<8x50x64xf32, #tpu.memory_space<hbm>>)
    %add3A_398 = arith.constant 488 : i32
    %add3A_399 = arith.addi %mul3A_2, %add3A_398 : i32
    %dma_wait3A_400 = arith.constant 0 : i32
    %dma_wait3A_401 = arith.constant 0 : i32
    %dma_wait3A_402 = tpu.memref_slice %arg4[%add3A_399, %dma_wait3A_400, %dma_wait3A_401] : memref<16384x56x128xf32, #tpu.memory_space<hbm>> -> memref<8x50x64xf32, #tpu.memory_space<hbm>>
    %dma_wait3A_403 = arith.constant 0 : i32
    %dma_wait3A_404 = arith.constant 0 : i32
    %dma_wait3A_405 = tpu.memref_slice %arg4[%add3A_399, %dma_wait3A_403, %dma_wait3A_404] : memref<16384x56x128xf32, #tpu.memory_space<hbm>> -> memref<8x50x64xf32, #tpu.memory_space<hbm>>
    tpu.wait_dma2 semaphore(%arg15 : memref<!tpu.dma_semaphore, #tpu.memory_space<semaphore_mem>>) src(%arg7 : memref<8x50x64xf32, #tpu.memory_space<vmem>>) dst(%dma_wait3A_405 : memref<8x50x64xf32, #tpu.memory_space<hbm>>)
    %add3A_406 = arith.constant 496 : i32
    %add3A_407 = arith.addi %mul3A_2, %add3A_406 : i32
    %dma_wait3A_408 = arith.constant 0 : i32
    %dma_wait3A_409 = arith.constant 0 : i32
    %dma_wait3A_410 = tpu.memref_slice %arg4[%add3A_407, %dma_wait3A_408, %dma_wait3A_409] : memref<16384x56x128xf32, #tpu.memory_space<hbm>> -> memref<8x50x64xf32, #tpu.memory_space<hbm>>
    %dma_wait3A_411 = arith.constant 0 : i32
    %dma_wait3A_412 = arith.constant 0 : i32
    %dma_wait3A_413 = tpu.memref_slice %arg4[%add3A_407, %dma_wait3A_411, %dma_wait3A_412] : memref<16384x56x128xf32, #tpu.memory_space<hbm>> -> memref<8x50x64xf32, #tpu.memory_space<hbm>>
    tpu.wait_dma2 semaphore(%arg16 : memref<!tpu.dma_semaphore, #tpu.memory_space<semaphore_mem>>) src(%arg8 : memref<8x50x64xf32, #tpu.memory_space<vmem>>) dst(%dma_wait3A_413 : memref<8x50x64xf32, #tpu.memory_space<hbm>>)
    %add3A_414 = arith.constant 504 : i32
    %add3A_415 = arith.addi %mul3A_2, %add3A_414 : i32
    %dma_wait3A_416 = arith.constant 0 : i32
    %dma_wait3A_417 = arith.constant 0 : i32
    %dma_wait3A_418 = tpu.memref_slice %arg4[%add3A_415, %dma_wait3A_416, %dma_wait3A_417] : memref<16384x56x128xf32, #tpu.memory_space<hbm>> -> memref<8x50x64xf32, #tpu.memory_space<hbm>>
    %dma_wait3A_419 = arith.constant 0 : i32
    %dma_wait3A_420 = arith.constant 0 : i32
    %dma_wait3A_421 = tpu.memref_slice %arg4[%add3A_415, %dma_wait3A_419, %dma_wait3A_420] : memref<16384x56x128xf32, #tpu.memory_space<hbm>> -> memref<8x50x64xf32, #tpu.memory_space<hbm>>
    tpu.wait_dma2 semaphore(%arg17 : memref<!tpu.dma_semaphore, #tpu.memory_space<semaphore_mem>>) src(%arg9 : memref<8x50x64xf32, #tpu.memory_space<vmem>>) dst(%dma_wait3A_421 : memref<8x50x64xf32, #tpu.memory_space<hbm>>)
    return
  }
}

</mosaic_0001>

<sc_bundles>
// kernel: kernel.3.cloned.1.call-start
scs
__scs_entry_jumppad:
0x0: {  	(pc) =	sbr.rel $0x88, $3  }
0x1: {  	(tag) =	ssettag $0x0;
	lr =	simm.s32 $0x1  }
0x2: {  	[smem:$0x3F9F] =	sst lr;
	_ =	strace $0xD0000000  }
0x3: {  	_ = 	snop  }
0x4: {  	_ = 	snop  }
0x5: {  	_ = 	snop  }
0x6: {  	_ = 	snop  }
0x7: {  	_ = 	snop  }
__scs_overlays_trampoline_lowered:
0x8: {  	[smem:$0x3FAE] =	sst s0  }
0x9: {  	[smem:$0x3FAF] =	sst s1  }
0xa: {  	[smem:$0x3FB0] =	sst s2  }
0xb: {  	[smem:$0x3FB1] =	sst s3  }
0xc: {  	[smem:$0x3FB2] =	sst s4  }
0xd: {  	[smem:$0x3FB3] =	sst s5  }
0xe: {  	[smem:$0x3FB4] =	sst s6  }
0xf: {  	[smem:$0x3FB5] =	sst s7  }
0x10: {  	[smem:$0x3FB6] =	sst s8  }
0x11: {  	[smem:$0x3FB7] =	sst s9;
	s0 =	simm.s32 @!p0 $0x0  }
0x12: {  	s1 =	sld [smem:$0x3F9D];
	s0 =	simm.s32 @p0 $0x1  }
0x13: {  	[smem:$0x3FB8] =	sst s0;
	s0 =	simm.s32 @!p1 $0x0  }
0x14: {  	s2 =	sld [smem:$0x3F9C];
	s0 =	simm.s32 @p1 $0x1  }
0x15: {  	[smem:$0x3FB9] =	sst s0;
	s0 =	simm.s32 @!p2 $0x0  }
0x16: {  	s3 =	sld [smem:$0x3FDB];
	s0 =	simm.s32 @p2 $0x1  }
0x17: {  	s4 =	simm.s32 $0x1BF5;
	[smem:$0x3FBB] =	sst s0  }
0x18: {  	s0 =	sld [smem:$0x3F9E];
	_ =	swait.ge [sflag:s4], $0x0  }
0x19: {  	s7 =	sld [smem:$0x3F9F]  }
0x1a: {  	s8 =	sadd.s32 $0xFFFFE003, lr  }
0x1b: {  	s9 =	sadd.s32 $0xFFFFFEF7, lr;
	s5 =	simm.s32 $0xFFFFFFFF;
	p2 =	slt.u32 s8, $0xFFFFF086  }
0x1c: {  	p1 =	slt.u32 s9, $0xF7A;
	s5 =	simm.s32 @!p2 $0x0  }
0x1d: {  	s5 =	simm.s32 @p1 $0x1;
	p0 =	seq.s32 s7, s2  }
0x1e: {  	s7 =	smul.u32 @!p0 $0xF7A, s2;
	p2 =	seq.s32 @!p0 s5, $0x0  }
0x1f: {  	s9 =	smul.u32 $0xF7A, s1;
	s8 =	simm.s32 @!p0 $0x1BF5;
	p2 =	por !p2, p0  }
0x20: {  	[sflag:s8] =	ssyncset.s32 @!p0 $0xFFFFF086;
	s6 =	sadd.s32 @!p0 s3, s7;
	s7 =	simm.s32 @!p0 $0x108  }
0x21: {  	s3 =	sadd.s32 s3, s9;
	s6 =	sadd.s32 @!p0 $0x88, s6;
	s7 =	simm.s32 @p2 $0x1082  }
0x22: {  	[simem:s7], [sflag:s8] =	dma.local @!p0 [hbm:s6], $0xF7A  }
0x23: {  	s9 =	sor.u32 $0xD0000000, s2;
	s6 =	simm.s32 $0x108;
	_ =	swait.ge @!p0 [sflag:s8], $0x0  }
0x24: {  	s3 =	sadd.s32 $0x88, s3;
	s6 =	simm.s32 @!p1 $0x1082;
	[sflag:s4] =	ssyncset.s32 $0xFFFFF086  }
0x25: {  	[simem:s6], [sflag:s4] =	dma.local [hbm:s3], $0xF7A  }
0x26: {  	[smem:$0x3F9F] =	sst s1;
	(tag) =	ssettag s2;
	_ =	strace s9  }
0x27: {  	s1 =	sld [smem:$0x3FAF]  }
0x28: {  	s2 =	sld [smem:$0x3FB0]  }
0x29: {  	s4 =	sld [smem:$0x3FB2]  }
0x2a: {  	p0 =	seq.s32 s5, $0x0;
	s5 =	sld [smem:$0x3FB3]  }
0x2b: {  	s6 =	sld [smem:$0x3FB4]  }
0x2c: {  	s7 =	sld [smem:$0x3FB5]  }
0x2d: {  	s3 =	simm.s32 $0x108;
	s8 =	sld [smem:$0x3FB6]  }
0x2e: {  	s3 =	simm.s32 @!p0 $0x1082;
	s9 =	sld [smem:$0x3FB7]  }
0x2f: {  	lr =	sadd.s32 s0, s3;
	s0 =	sld [smem:$0x3FAE]  }
0x30: {  	s3 =	sld [smem:$0x3FB1]  }
0x31: {  	[smem:$0x3FBA] =	sst s10  }
0x32: {  	s10 =	sld [smem:$0x3FB8];
	_ =	sdelay $0x3  }
0x33: {  	p0 =	seq.s32 s10, $0x1;
	s10 =	sld [smem:$0x3FBA];
	_ =	sdelay $0x3  }
0x34: {  	[smem:$0x3FBA] =	sst s10  }
0x35: {  	s10 =	sld [smem:$0x3FB9];
	_ =	sdelay $0x3  }
0x36: {  	p1 =	seq.s32 s10, $0x1;
	s10 =	sld [smem:$0x3FBA];
	_ =	sdelay $0x3  }
0x37: {  	[smem:$0x3FBA] =	sst s10  }
0x38: {  	s10 =	sld [smem:$0x3FBB]  }
0x39: {  	_ = 	snop;
	(pc) =	sbr.ind lr, $3  }
0x3a: {  	_ = 	snop  }
0x3b: {  	_ = 	snop  }
0x3c: {  	p2 =	seq.s32 s10, $0x1;
	s10 =	sld [smem:$0x3FBA]  }
0x3d: {  	_ =	shalt  }
0x3e: {  	_ =	shalt  }
0x3f: {  	_ =	shalt  }
0x40: {  	_ =	shalt  }
0x41: {  	_ =	shalt  }
0x42: {  	_ =	shalt  }
0x43: {  	_ =	shalt  }
0x44: {  	_ =	shalt  }
0x45: {  	_ =	shalt  }
0x46: {  	_ =	shalt  }
0x47: {  	_ =	shalt  }
0x48: {  	_ =	shalt  }
0x49: {  	_ =	shalt  }
0x4a: {  	_ =	shalt  }
0x4b: {  	_ =	shalt  }
0x4c: {  	_ =	shalt  }
0x4d: {  	_ =	shalt  }
0x4e: {  	_ =	shalt  }
0x4f: {  	_ =	shalt  }
0x50: {  	_ =	shalt  }
0x51: {  	_ =	shalt  }
0x52: {  	_ =	shalt  }
0x53: {  	_ =	shalt  }
0x54: {  	_ =	shalt  }
0x55: {  	_ =	shalt  }
0x56: {  	_ =	shalt  }
0x57: {  	_ =	shalt  }
0x58: {  	_ =	shalt  }
0x59: {  	_ =	shalt  }
0x5a: {  	_ =	shalt  }
0x5b: {  	_ =	shalt  }
0x5c: {  	_ =	shalt  }
0x5d: {  	_ =	shalt  }
0x5e: {  	_ =	shalt  }
0x5f: {  	_ =	shalt  }
0x60: {  	_ =	shalt  }
0x61: {  	_ =	shalt  }
0x62: {  	_ =	shalt  }
0x63: {  	_ =	shalt  }
0x64: {  	_ =	shalt  }
0x65: {  	_ =	shalt  }
0x66: {  	_ =	shalt  }
0x67: {  	_ =	shalt  }
0x68: {  	_ =	shalt  }
0x69: {  	_ =	shalt  }
0x6a: {  	_ =	shalt  }
0x6b: {  	_ =	shalt  }
0x6c: {  	_ =	shalt  }
0x6d: {  	_ =	shalt  }
0x6e: {  	_ =	shalt  }
0x6f: {  	_ =	shalt  }
0x70: {  	_ =	shalt  }
0x71: {  	_ =	shalt  }
0x72: {  	_ =	shalt  }
0x73: {  	_ =	shalt  }
0x74: {  	_ =	shalt  }
0x75: {  	_ =	shalt  }
0x76: {  	_ =	shalt  }
0x77: {  	_ =	shalt  }
0x78: {  	_ =	shalt  }
0x79: {  	_ =	shalt  }
0x7a: {  	_ =	shalt  }
0x7b: {  	_ =	shalt  }
0x7c: {  	_ =	shalt  }
0x7d: {  	_ =	shalt  }
0x7e: {  	_ =	shalt  }
0x7f: {  	_ =	shalt  }
0x80: {  	_ =	shalt  }
0x81: {  	_ =	shalt  }
0x82: {  	_ =	shalt  }
0x83: {  	_ =	shalt  }
0x84: {  	_ =	shalt  }
0x85: {  	_ =	shalt  }
0x86: {  	_ =	shalt  }
0x87: {  	_ =	shalt  }
.Lfunc_end0:
.L_simem_size_0:
called_computation.2_lowered:
.L_overlay_start_0:
0x88: {  	s2 =	sld [smem:$0x3FD9]  }
0x89: {  	s3 =	sld [smem:$0x3FFE];
	_ =	sdelay $0x1  }
0x8a: {  	s1 =	srdreg.scid  }
0x8b: {  	s0 =	sand.u32 $0x1, s1  }
0x8c: {  	s17 =	sshll.u32 s0, $0xA;
	s2 =	sadd.s32 s3, s2  }
0x8d: {  	s2 =	sadd.s32 s2, s17  }
0x8e: {  	[smem:$0x3FC6] =	sst s2  }
0x8f: {  	_ = 	snop  }
0x90: {  	s2 =	sld [smem:$0x3FD0];
	(tm) =	ssettm $0x1  }
0x91: {  	s18 =	sld [smem:$0x3FFB];
	_ =	sdelay $0x3  }
0x92: {  	_ =	strace s18  }
0x93: {  	s3 =	sld [smem:$0x3FFC];
	_ =	sdelay $0x3  }
0x94: {  	_ =	strace s3  }
0x95: {  	s3 =	sld [smem:$0x3FFD];
	_ =	sdelay $0x3  }
0x96: {  	_ =	strace s3  }
0x97: {  	_ =	strace $0x8FFFFFFF  }
0x98: {  	s19 =	sld [smem:$0x3FDB];
	_ =	sdelay $0x1  }
0x99: {  	s4 =	simm.s32 $_scs_section_size  }
0x9a: {  	s5 =	simm.s32 $_size__tile_overlayer_lowered;
	s6 =	simm.s32 $_tile_overlayer_lowered  }
0x9b: {  	s22 =	simm.s32 $0x1BFF;
	s21 =	sshll.u32 s6, $0x1;
	s3 =	sadd.s32 s4, s19  }
0x9c: {  	s7 =	simm.s32 $0x0;
	s20 =	sshll.u32 s5, $0x1;
	s5 =	sadd.s32 s21, s3  }
0x9d: {  	[timem:s7], [sflag:s22] =	dma.local [hbm:s5], s20  }
0x9e: {  	_ =	swait.ge [sflag:s22], s20  }
0x9f: {  	s4 =	ssub.s32 $0x0, s20;
	[sflag:s22] =	ssyncset.done $0x0  }
0xa0: {  	[sflag:s22] =	ssyncadd.s32 s4;
	_ =	sdelay $0x1  }
0xa1: {  	s23 =	simm.s32 $0x1B8B  }
0xa2: {  	_ =	swait.ge [sflag:s23], $0x1  }
0xa3: {  	[sflag:s23] =	ssyncset.done $0x0  }
0xa4: {  	s25 =	simm.s32 $0x1B8E;
	s24 =	sld [smem:$0x3FFE];
	[sflag:s23] =	ssyncadd.s32 $0xFFFFFFFF  }
0xa5: {  	s26 =	simm.s32 $execute0_lowered;
	[smem:$0x3FD2] =	sst s25  }
0xa6: {  	s5 =	sshll.u32 s26, $0x1;
	_ =	strace $0x80000049;
	[dreg:$0x1] =	wrdreg $0xFFFFFFFF  }
0xa7: {  	s28 =	simm.s32 $_size_execute0_lowered;
	s3 =	sadd.s32 s3, s5;
	[dreg:$0x0] =	wrdreg $0x0  }
0xa8: {  	s5 =	sshll.u32 s28, $0x1;
	[dreg:$0x2] =	wrdreg s3  }
0xa9: {  	[dreg:$0x3] =	wrdreg s5  }
0xaa: {  	[dreg:$0x4] =	wrdreg $0xC0  }
0xab: {  	_ =	task [dreg:s7], $0x5FFFF  }
0xac: {  	[dreg:$0x1] =	wrdreg $0xFFFFFFFF  }
0xad: {  	[dreg:$0x0] =	wrdreg $0x60  }
0xae: {  	[dreg:$0x2] =	wrdreg s24  }
0xaf: {  	[dreg:$0x3] =	wrdreg s2  }
0xb0: {  	[dreg:$0x4] =	wrdreg $0x9  }
0xb1: {  	_ =	task.clear_ibuf [dreg:s7], $0x5FFFF;
	_ =	strace $0x90000049  }
0xb2: {  	s29 =	simm.s32 $0x9;
	_ =	strace $0x8000004B  }
0xb3: {  	_ =	swait.ge [sflag:s29], $0x1  }
0xb4: {  	[sflag:s29] =	ssyncadd.s32 $0xFFFFFFFF  }
0xb5: {  	_ =	strace $0x9000004B  }
0xb6: {  	_ =	sfence  }
0xb7: {  	s30 =	sld [smem:$0x0];
	_ =	sdelay $0x2  }
0xb8: {  	s31 =	sshll.u32 s1, $0xD;
	s1 =	sshrl.u32 s1, $0x2  }
0xb9: {  	s3 =	sand.u32 $0x4000, s31;
	s1 =	sadd.s32 s1, s30  }
0xba: {  	s0 =	sor.u32 s3, s0;
	s1 =	sshll.u32 s1, $0x11  }
0xbb: {  	s0 =	sor.u32 s1, s0  }
0xbc: {  	s0 =	sadd.s32 $0x8F2B, s0  }
0xbd: {  	[sflag:s0] =	ssyncadd.remote.s32 $0x1  }
0xbe: {  	_ =	sfence.sel $0xFFFF  }
0xbf: {  	[dreg:$0x0] =	wrdreg $0xFFFFFFFF;
	(pc) =	sbr.abs _section_cstart, $3  }
0xc0: {  	[dreg:$0x1] =	wrdreg $0xFFFFFFFF  }
0xc1: {  	_ =	task.clear_ibuf [dreg:s7], $0x2FFFF;
	_ =	strace $0x9FFFFFFF  }
0xc2: {  	(tm) =	ssettm $0x7FFFFFFF  }
0xc3: {  	_ =	shalt  }
tec
execute0_lowered:
.L_overlay_start_1:
0x0: {  	(tag) =	ssettag $0x1  }
0x1: {  	s0 =	rddreg [dreg:$0x0];
	s1 =	srdreg.scid  }
0x2: {  	s2 =	rddreg [dreg:$0x1];
	s5 =	stileid.u32  }
0x3: {  	s6 =	simm.s32 $0x0;
	s8 =	simm.s32 $0x32;
	s31 =	simm.s32 $0x14480  }
0x4: {  	s12 =	simm.s32 $0x15100;
	s20 =	simm.s32 $0x15D80;
	s29 =	simm.s32 $0x16A00  }
0x5: {  	s16 =	simm.s32 $0x17680;
	s24 =	simm.s32 $0x18F80;
	s7 =	simm.s32 $0x1CE00  }
0x6: {  	s9 =	simm.s32 $0x1DA80;
	s11 =	simm.s32 $0x1E700;
	s13 =	simm.s32 $0x1F380  }
0x7: {  	s15 =	simm.s32 $0x1;
	s17 =	simm.s32 $0x40;
	s19 =	simm.s32 $0x80  }
0x8: {  	s21 =	simm.s32 $0x2;
	s23 =	simm.s32 $0x3;
	s28 =	simm.s32 $0x8  }
0x9: {  	s10 =	simm.s32 $0x0;
	s1 =	sand.u32 $0x1, s1;
	s3 =	sshll.u32 s5, $0xA  }
0xa: {  	s5 =	smul.u32 $0xE0000, s5;
	[smem:$0x7FF] =	sst s6;
	s6 =	simm.s32 $0x1C180  }
0xb: {  	s4 =	sshll.u32 s1, $0x9;
	_ =	strace $0x8000004A;
	s25 =	ssub.s32 $0x2, s1  }
0xc: {  	s1 =	smul.u32 $0x70000, s1;
	s3 =	sor.u32 s4, s3;
	s26 =	sshrl.u32 s25, $0x1  }
0xd: {  	s4 =	smul.u32 $0x7, s3;
	s3 =	sadd.s32 $0xF43200, s0;
	s0 =	sadd.s32 s5, s0  }
.Ltmp0:
0xe: {  	s5 =	ssub.s32 s25, s26;
	s26 =	simm.s32 $0x13800;
	(pc) =	sbr.rel .LBB2_1-.Ltmp0, $4  }
0xf: {  	s25 =	simm.s32 $0x4;
	s0 =	sadd.s32 s1, s0;
	s30 =	smax.u32 s5, $0x1  }
0x10: {  	s1 =	simm.s32 $0x18300;
	s2 =	sadd.s32 s2, s4;
	[dreg:$0x4] =	wrdreg s30  }
0x11: {  	s5 =	simm.s32 $0x1B500;
	s0 =	sadd.s32 $0xE00, s0;
	[dreg:$0x3] =	wrdreg s2  }
0x12: {  	s4 =	simm.s32 $0x1A880;
	[dreg:$0x5] =	wrdreg s0;
	s2 =	simm.s32 $0x19C00  }
.LBB2_4:
0x13: {  	s0 =	simm.s32 $0x5  }
0x14: {  	_ =	swait.ge [sflag:s0], $0x6400  }
0x15: {  	[sflag:s0] =	ssyncset.done $0x0  }
0x16: {  	s18 =	simm.s32 $0x6;
	[sflag:s0] =	ssyncadd.s32 $0xFFFF9C00  }
0x17: {  	_ =	swait.ge [sflag:s18], $0x6400  }
0x18: {  	[sflag:s18] =	ssyncset.done $0x0  }
0x19: {  	s22 =	simm.s32 $0x7;
	[sflag:s18] =	ssyncadd.s32 $0xFFFF9C00  }
0x1a: {  	_ =	swait.ge [sflag:s22], $0x6400  }
0x1b: {  	[sflag:s22] =	ssyncset.done $0x0  }
0x1c: {  	[sflag:s22] =	ssyncadd.s32 $0xFFFF9C00  }
0x1d: {  	_ =	swait.ge [sflag:s28], $0x6400  }
0x1e: {  	s10 =	rddreg [dreg:$0x6]  }
0x1f: {  	s30 =	rddreg [dreg:$0x4];
	s10 =	sadd.s32 $0x1, s10  }
0x20: {  	p0 =	sne.s32 s10, s30  }
.Ltmp1:
0x21: {  	_ = 	snop;
	(pc) =	sbr.rel @!p0 .LBB2_5-.Ltmp1, $3  }
0x22: {  	_ =	sdelay $0x1  }
0x23: {  	[sflag:s28] =	ssyncset.done $0x0  }
0x24: {  	[sflag:s28] =	ssyncadd.s32 $0xFFFF9C00  }
.LBB2_1:
0x25: {  	[dreg:$0x6] =	wrdreg s10  }
0x26: {  	s0 =	simm.s32 $0x0;
	s18 =	rddreg [dreg:$0x3];
	s22 =	simm.s32 $0x9  }
0x27: {  	[tilespmem:s0], [sflag:$0x9] =	stream.linear.gather [hbm4b:s18+s0], $0x7000, $0x38;
	v63 =	vld [tilespmem:$0x0]  }
0x28: {  	_ =	swait.ge [sflag:s22], $0x7000  }
0x29: {  	[sflag:s22] =	ssyncset.done $0x0  }
0x2a: {  	s14 =	simm.s32 $0x7000;
	[sflag:s22] =	ssyncadd.s32 $0xFFFF9000  }
0x2b: {  	[tilespmem:s14], [sflag:$0x1] =	stream.indirect.gather [hbm4b:s3+s8], $0x40, s0, s8, $0xb8;
	v63 =	vld [tilespmem:$0x0]  }
0x2c: {  	s18 =	simm.s32 $0x38;
	s22 =	simm.s32 $0x7C80  }
0x2d: {  	[tilespmem:s22], [sflag:$0x1] =	stream.indirect.gather [hbm4b:s3+s8], $0x40, s18, s8, $0xb8;
	v63 =	vld [tilespmem:$0x0]  }
0x2e: {  	s10 =	simm.s32 $0x70;
	s14 =	simm.s32 $0x8900  }
0x2f: {  	[tilespmem:s14], [sflag:$0x1] =	stream.indirect.gather [hbm4b:s3+s8], $0x40, s10, s8, $0xb8;
	v63 =	vld [tilespmem:$0x0]  }
0x30: {  	s18 =	simm.s32 $0xA8;
	s22 =	simm.s32 $0x9580  }
0x31: {  	[tilespmem:s22], [sflag:$0x1] =	stream.indirect.gather [hbm4b:s3+s8], $0x40, s18, s8, $0xb8;
	v63 =	vld [tilespmem:$0x0]  }
0x32: {  	s10 =	simm.s32 $0xE0;
	s14 =	simm.s32 $0xA200  }
0x33: {  	[tilespmem:s14], [sflag:$0x1] =	stream.indirect.gather [hbm4b:s3+s8], $0x40, s10, s8, $0xb8;
	v63 =	vld [tilespmem:$0x0]  }
0x34: {  	s18 =	simm.s32 $0x118;
	s22 =	simm.s32 $0xAE80  }
0x35: {  	[tilespmem:s22], [sflag:$0x1] =	stream.indirect.gather [hbm4b:s3+s8], $0x40, s18, s8, $0xb8;
	v63 =	vld [tilespmem:$0x0]  }
0x36: {  	s10 =	simm.s32 $0x150;
	s14 =	simm.s32 $0xBB00  }
0x37: {  	[tilespmem:s14], [sflag:$0x1] =	stream.indirect.gather [hbm4b:s3+s8], $0x40, s10, s8, $0xb8;
	v63 =	vld [tilespmem:$0x0]  }
0x38: {  	s18 =	simm.s32 $0x188;
	s22 =	simm.s32 $0xC780  }
0x39: {  	[tilespmem:s22], [sflag:$0x1] =	stream.indirect.gather [hbm4b:s3+s8], $0x40, s18, s8, $0xb8;
	v63 =	vld [tilespmem:$0x0]  }
0x3a: {  	s10 =	simm.s32 $0x1C0;
	s14 =	simm.s32 $0xD400  }
0x3b: {  	[tilespmem:s14], [sflag:$0x2] =	stream.indirect.gather [hbm4b:s3+s8], $0x40, s10, s8, $0xb8;
	v63 =	vld [tilespmem:$0x0]  }
0x3c: {  	s18 =	simm.s32 $0x1F8;
	s22 =	simm.s32 $0xE080  }
0x3d: {  	[tilespmem:s22], [sflag:$0x2] =	stream.indirect.gather [hbm4b:s3+s8], $0x40, s18, s8, $0xb8;
	v63 =	vld [tilespmem:$0x0]  }
0x3e: {  	s10 =	simm.s32 $0x230;
	s14 =	simm.s32 $0xED00  }
0x3f: {  	[tilespmem:s14], [sflag:$0x2] =	stream.indirect.gather [hbm4b:s3+s8], $0x40, s10, s8, $0xb8;
	v63 =	vld [tilespmem:$0x0]  }
0x40: {  	s18 =	simm.s32 $0x268;
	s22 =	simm.s32 $0xF980  }
0x41: {  	[tilespmem:s22], [sflag:$0x2] =	stream.indirect.gather [hbm4b:s3+s8], $0x40, s18, s8, $0xb8;
	v63 =	vld [tilespmem:$0x0]  }
0x42: {  	s10 =	simm.s32 $0x2A0;
	s14 =	simm.s32 $0x10600  }
0x43: {  	[tilespmem:s14], [sflag:$0x2] =	stream.indirect.gather [hbm4b:s3+s8], $0x40, s10, s8, $0xb8;
	v63 =	vld [tilespmem:$0x0]  }
0x44: {  	s18 =	simm.s32 $0x2D8;
	s22 =	simm.s32 $0x11280  }
0x45: {  	[tilespmem:s22], [sflag:$0x2] =	stream.indirect.gather [hbm4b:s3+s8], $0x40, s18, s8, $0xb8;
	v63 =	vld [tilespmem:$0x0]  }
0x46: {  	s10 =	simm.s32 $0x310;
	s14 =	simm.s32 $0x11F00  }
0x47: {  	[tilespmem:s14], [sflag:$0x2] =	stream.indirect.gather [hbm4b:s3+s8], $0x40, s10, s8, $0xb8;
	v63 =	vld [tilespmem:$0x0]  }
0x48: {  	s18 =	simm.s32 $0x348;
	s22 =	simm.s32 $0x12B80  }
0x49: {  	[tilespmem:s22], [sflag:$0x2] =	stream.indirect.gather [hbm4b:s3+s8], $0x40, s18, s8, $0xb8;
	v63 =	vld [tilespmem:$0x0]  }
0x4a: {  	s10 =	simm.s32 $0x380  }
0x4b: {  	[tilespmem:s26], [sflag:$0x3] =	stream.indirect.gather [hbm4b:s3+s8], $0x40, s10, s8, $0xb8;
	v63 =	vld [tilespmem:$0x0]  }
0x4c: {  	s14 =	simm.s32 $0x3B8  }
0x4d: {  	[tilespmem:s31], [sflag:$0x3] =	stream.indirect.gather [hbm4b:s3+s8], $0x40, s14, s8, $0xb8;
	v63 =	vld [tilespmem:$0x0]  }
0x4e: {  	s18 =	simm.s32 $0x3F0  }
0x4f: {  	[tilespmem:s12], [sflag:$0x3] =	stream.indirect.gather [hbm4b:s3+s8], $0x40, s18, s8, $0xb8;
	v63 =	vld [tilespmem:$0x0]  }
0x50: {  	s22 =	simm.s32 $0x428  }
0x51: {  	[tilespmem:s20], [sflag:$0x3] =	stream.indirect.gather [hbm4b:s3+s8], $0x40, s22, s8, $0xb8;
	v63 =	vld [tilespmem:$0x0]  }
0x52: {  	s10 =	simm.s32 $0x460  }
0x53: {  	[tilespmem:s29], [sflag:$0x3] =	stream.indirect.gather [hbm4b:s3+s8], $0x40, s10, s8, $0xb8;
	v63 =	vld [tilespmem:$0x0]  }
0x54: {  	s14 =	simm.s32 $0x498  }
0x55: {  	[tilespmem:s16], [sflag:$0x3] =	stream.indirect.gather [hbm4b:s3+s8], $0x40, s14, s8, $0xb8;
	v63 =	vld [tilespmem:$0x0]  }
0x56: {  	s18 =	simm.s32 $0x4D0  }
0x57: {  	[tilespmem:s1], [sflag:$0x3] =	stream.indirect.gather [hbm4b:s3+s8], $0x40, s18, s8, $0xb8;
	v63 =	vld [tilespmem:$0x0]  }
0x58: {  	s22 =	simm.s32 $0x508  }
0x59: {  	[tilespmem:s24], [sflag:$0x3] =	stream.indirect.gather [hbm4b:s3+s8], $0x40, s22, s8, $0xb8;
	v63 =	vld [tilespmem:$0x0]  }
0x5a: {  	s10 =	simm.s32 $0x540  }
0x5b: {  	[tilespmem:s2], [sflag:$0x4] =	stream.indirect.gather [hbm4b:s3+s8], $0x40, s10, s8, $0xb8;
	v63 =	vld [tilespmem:$0x0]  }
0x5c: {  	s14 =	simm.s32 $0x578  }
0x5d: {  	[tilespmem:s4], [sflag:$0x4] =	stream.indirect.gather [hbm4b:s3+s8], $0x40, s14, s8, $0xb8;
	v63 =	vld [tilespmem:$0x0]  }
0x5e: {  	s18 =	simm.s32 $0x5B0  }
0x5f: {  	[tilespmem:s5], [sflag:$0x4] =	stream.indirect.gather [hbm4b:s3+s8], $0x40, s18, s8, $0xb8;
	v63 =	vld [tilespmem:$0x0]  }
0x60: {  	s22 =	simm.s32 $0x5E8  }
0x61: {  	[tilespmem:s6], [sflag:$0x4] =	stream.indirect.gather [hbm4b:s3+s8], $0x40, s22, s8, $0xb8;
	v63 =	vld [tilespmem:$0x0]  }
0x62: {  	s10 =	simm.s32 $0x620  }
0x63: {  	[tilespmem:s7], [sflag:$0x4] =	stream.indirect.gather [hbm4b:s3+s8], $0x40, s10, s8, $0xb8;
	v63 =	vld [tilespmem:$0x0]  }
0x64: {  	s14 =	simm.s32 $0x658  }
0x65: {  	[tilespmem:s9], [sflag:$0x4] =	stream.indirect.gather [hbm4b:s3+s8], $0x40, s14, s8, $0xb8;
	v63 =	vld [tilespmem:$0x0]  }
0x66: {  	s18 =	simm.s32 $0x690  }
0x67: {  	[tilespmem:s11], [sflag:$0x4] =	stream.indirect.gather [hbm4b:s3+s8], $0x40, s18, s8, $0xb8;
	v63 =	vld [tilespmem:$0x0]  }
0x68: {  	s30 =	rddreg [dreg:$0x5];
	s0 =	simm.s32 $0x0;
	s22 =	simm.s32 $0x6C8  }
0x69: {  	[tilespmem:s13], [sflag:$0x4] =	stream.indirect.gather [hbm4b:s3+s8], $0x40, s22, s8, $0xb8;
	v63 =	vld [tilespmem:$0x0]  }
.LBB2_2:
0x6a: {  	_ =	swait.ge [sflag:s15], $0xC80  }
0x6b: {  	[sflag:s15] =	ssyncset.done $0x0  }
0x6c: {  	[sflag:s15] =	ssyncadd.s32 $0xFFFFF380  }
0x6d: {  	_ =	swait.ge [sflag:s15], $0xC80  }
0x6e: {  	[sflag:s15] =	ssyncset.done $0x0  }
0x6f: {  	[sflag:s15] =	ssyncadd.s32 $0xFFFFF380  }
0x70: {  	_ =	swait.ge [sflag:s15], $0xC80  }
0x71: {  	[sflag:s15] =	ssyncset.done $0x0  }
0x72: {  	[sflag:s15] =	ssyncadd.s32 $0xFFFFF380  }
0x73: {  	_ =	swait.ge [sflag:s15], $0xC80  }
0x74: {  	[sflag:s15] =	ssyncset.done $0x0  }
0x75: {  	[sflag:s15] =	ssyncadd.s32 $0xFFFFF380  }
0x76: {  	_ =	swait.ge [sflag:s15], $0xC80  }
0x77: {  	[sflag:s15] =	ssyncset.done $0x0  }
0x78: {  	[sflag:s15] =	ssyncadd.s32 $0xFFFFF380  }
0x79: {  	_ =	swait.ge [sflag:s15], $0xC80  }
0x7a: {  	[sflag:s15] =	ssyncset.done $0x0  }
0x7b: {  	[sflag:s15] =	ssyncadd.s32 $0xFFFFF380  }
0x7c: {  	_ =	swait.ge [sflag:s15], $0xC80  }
0x7d: {  	[sflag:s15] =	ssyncset.done $0x0  }
0x7e: {  	[sflag:s15] =	ssyncadd.s32 $0xFFFFF380  }
0x7f: {  	_ =	swait.ge [sflag:s15], $0xC80  }
0x80: {  	[sflag:s15] =	ssyncset.done $0x0  }
0x81: {  	s10 =	simm.s32 $0x7000;
	[sflag:s15] =	ssyncadd.s32 $0xFFFFF380  }
0x82: {  	[hbm4b:s30+s17] =	stream.strided.scatter [tilespmem:s10], [sflag:$0x5], $0xC80, s19, s17, $0x38;
	v63 =	vld [tilespmem:$0x0]  }
0x83: {  	s22 =	sadd.s32 $0x380, s30;
	s14 =	simm.s32 $0x7C80  }
0x84: {  	[hbm4b:s22+s17] =	stream.strided.scatter [tilespmem:s14], [sflag:$0x5], $0xC80, s19, s17, $0x38;
	v63 =	vld [tilespmem:$0x0]  }
0x85: {  	s18 =	sadd.s32 $0x700, s30;
	s22 =	simm.s32 $0x8900  }
0x86: {  	[hbm4b:s18+s17] =	stream.strided.scatter [tilespmem:s22], [sflag:$0x5], $0xC80, s19, s17, $0x38;
	v63 =	vld [tilespmem:$0x0]  }
0x87: {  	s18 =	sadd.s32 $0xA80, s30;
	s22 =	simm.s32 $0x9580  }
0x88: {  	[hbm4b:s18+s17] =	stream.strided.scatter [tilespmem:s22], [sflag:$0x5], $0xC80, s19, s17, $0x38;
	v63 =	vld [tilespmem:$0x0]  }
0x89: {  	s18 =	sadd.s32 $0xE00, s30;
	s22 =	simm.s32 $0xA200  }
0x8a: {  	[hbm4b:s18+s17] =	stream.strided.scatter [tilespmem:s22], [sflag:$0x5], $0xC80, s19, s17, $0x38;
	v63 =	vld [tilespmem:$0x0]  }
0x8b: {  	s18 =	sadd.s32 $0x1180, s30;
	s22 =	simm.s32 $0xAE80  }
0x8c: {  	[hbm4b:s18+s17] =	stream.strided.scatter [tilespmem:s22], [sflag:$0x5], $0xC80, s19, s17, $0x38;
	v63 =	vld [tilespmem:$0x0]  }
0x8d: {  	p0 =	seq.s32 s0, $0x1A400;
	s18 =	sadd.s32 $0x1500, s30;
	s22 =	simm.s32 $0xBB00  }
0x8e: {  	[hbm4b:s18+s17] =	stream.strided.scatter [tilespmem:s22], [sflag:$0x5], $0xC80, s19, s17, $0x38;
	v63 =	vld [tilespmem:$0x0]  }
0x8f: {  	s10 =	simm.s32 @!p0 $0x5;
	s14 =	sadd.s32 $0x1880, s30;
	s18 =	simm.s32 $0xC780  }
0x90: {  	[hbm4b:s14+s17] =	stream.strided.scatter [tilespmem:s18], [sflag:$0x5], $0xC80, s19, s17, $0x38;
	v63 =	vld [tilespmem:$0x0]  }
0x91: {  	_ =	swait.ge @!p0 [sflag:s10], $0x6400  }
0x92: {  	[sflag:s10] =	ssyncset.done @!p0 $0x0  }
0x93: {  	[sflag:s10] =	ssyncadd.s32 @!p0 $0xFFFF9C00;
	s10 =	sshra.s32 @!p0 s0, $0x2  }
0x94: {  	s22 =	simm.s32 @!p0 $0x7000;
	s14 =	simm.s32 @!p0 $0x32;
	s18 =	sadd.s32 @!p0 $0x700, s10  }
0x95: {  	[tilespmem:s22], [sflag:$0x1] =	stream.indirect.gather @!p0 [hbm4b:s3+s14], $0x40, s18, s14, $0xb8;
	v63 =	vld [tilespmem:$0x0]  }
0x96: {  	s18 =	sadd.s32 @!p0 $0x738, s10;
	s22 =	simm.s32 @!p0 $0x7C80  }
0x97: {  	[tilespmem:s22], [sflag:$0x1] =	stream.indirect.gather @!p0 [hbm4b:s3+s14], $0x40, s18, s14, $0xb8;
	v63 =	vld [tilespmem:$0x0]  }
0x98: {  	s18 =	sadd.s32 @!p0 $0x770, s10;
	s22 =	simm.s32 @!p0 $0x8900  }
0x99: {  	[tilespmem:s22], [sflag:$0x1] =	stream.indirect.gather @!p0 [hbm4b:s3+s14], $0x40, s18, s14, $0xb8;
	v63 =	vld [tilespmem:$0x0]  }
0x9a: {  	s18 =	sadd.s32 @!p0 $0x7A8, s10;
	s22 =	simm.s32 @!p0 $0x9580  }
0x9b: {  	[tilespmem:s22], [sflag:$0x1] =	stream.indirect.gather @!p0 [hbm4b:s3+s14], $0x40, s18, s14, $0xb8;
	v63 =	vld [tilespmem:$0x0]  }
0x9c: {  	s18 =	sadd.s32 @!p0 $0x7E0, s10;
	s22 =	simm.s32 @!p0 $0xA200  }
0x9d: {  	[tilespmem:s22], [sflag:$0x1] =	stream.indirect.gather @!p0 [hbm4b:s3+s14], $0x40, s18, s14, $0xb8;
	v63 =	vld [tilespmem:$0x0]  }
0x9e: {  	s18 =	sadd.s32 @!p0 $0x818, s10;
	s22 =	simm.s32 @!p0 $0xAE80  }
0x9f: {  	[tilespmem:s22], [sflag:$0x1] =	stream.indirect.gather @!p0 [hbm4b:s3+s14], $0x40, s18, s14, $0xb8;
	v63 =	vld [tilespmem:$0x0]  }
0xa0: {  	s18 =	sadd.s32 @!p0 $0x850, s10;
	s22 =	simm.s32 @!p0 $0xBB00  }
0xa1: {  	[tilespmem:s22], [sflag:$0x1] =	stream.indirect.gather @!p0 [hbm4b:s3+s14], $0x40, s18, s14, $0xb8;
	v63 =	vld [tilespmem:$0x0]  }
0xa2: {  	s18 =	sadd.s32 @!p0 $0x888, s10;
	s22 =	simm.s32 @!p0 $0xC780  }
0xa3: {  	[tilespmem:s22], [sflag:$0x1] =	stream.indirect.gather @!p0 [hbm4b:s3+s14], $0x40, s18, s14, $0xb8;
	v63 =	vld [tilespmem:$0x0]  }
0xa4: {  	_ =	swait.ge [sflag:s21], $0xC80  }
0xa5: {  	[sflag:s21] =	ssyncset.done $0x0  }
0xa6: {  	[sflag:s21] =	ssyncadd.s32 $0xFFFFF380  }
0xa7: {  	_ =	swait.ge [sflag:s21], $0xC80  }
0xa8: {  	[sflag:s21] =	ssyncset.done $0x0  }
0xa9: {  	[sflag:s21] =	ssyncadd.s32 $0xFFFFF380  }
0xaa: {  	_ =	swait.ge [sflag:s21], $0xC80  }
0xab: {  	[sflag:s21] =	ssyncset.done $0x0  }
0xac: {  	[sflag:s21] =	ssyncadd.s32 $0xFFFFF380  }
0xad: {  	_ =	swait.ge [sflag:s21], $0xC80  }
0xae: {  	[sflag:s21] =	ssyncset.done $0x0  }
0xaf: {  	[sflag:s21] =	ssyncadd.s32 $0xFFFFF380  }
0xb0: {  	_ =	swait.ge [sflag:s21], $0xC80  }
0xb1: {  	[sflag:s21] =	ssyncset.done $0x0  }
0xb2: {  	[sflag:s21] =	ssyncadd.s32 $0xFFFFF380  }
0xb3: {  	_ =	swait.ge [sflag:s21], $0xC80  }
0xb4: {  	[sflag:s21] =	ssyncset.done $0x0  }
0xb5: {  	[sflag:s21] =	ssyncadd.s32 $0xFFFFF380  }
0xb6: {  	_ =	swait.ge [sflag:s21], $0xC80  }
0xb7: {  	[sflag:s21] =	ssyncset.done $0x0  }
0xb8: {  	[sflag:s21] =	ssyncadd.s32 $0xFFFFF380  }
0xb9: {  	_ =	swait.ge [sflag:s21], $0xC80  }
0xba: {  	[sflag:s21] =	ssyncset.done $0x0  }
0xbb: {  	s18 =	sadd.s32 $0x1C00, s30;
	s22 =	simm.s32 $0xD400;
	[sflag:s21] =	ssyncadd.s32 $0xFFFFF380  }
0xbc: {  	[hbm4b:s18+s17] =	stream.strided.scatter [tilespmem:s22], [sflag:$0x6], $0xC80, s19, s17, $0x38;
	v63 =	vld [tilespmem:$0x0]  }
0xbd: {  	s18 =	sadd.s32 $0x1F80, s30;
	s22 =	simm.s32 $0xE080  }
0xbe: {  	[hbm4b:s18+s17] =	stream.strided.scatter [tilespmem:s22], [sflag:$0x6], $0xC80, s19, s17, $0x38;
	v63 =	vld [tilespmem:$0x0]  }
0xbf: {  	s18 =	sadd.s32 $0x2300, s30;
	s22 =	simm.s32 $0xED00  }
0xc0: {  	[hbm4b:s18+s17] =	stream.strided.scatter [tilespmem:s22], [sflag:$0x6], $0xC80, s19, s17, $0x38;
	v63 =	vld [tilespmem:$0x0]  }
0xc1: {  	s18 =	sadd.s32 $0x2680, s30;
	s22 =	simm.s32 $0xF980  }
0xc2: {  	[hbm4b:s18+s17] =	stream.strided.scatter [tilespmem:s22], [sflag:$0x6], $0xC80, s19, s17, $0x38;
	v63 =	vld [tilespmem:$0x0]  }
0xc3: {  	s18 =	sadd.s32 $0x2A00, s30;
	s22 =	simm.s32 $0x10600  }
0xc4: {  	[hbm4b:s18+s17] =	stream.strided.scatter [tilespmem:s22], [sflag:$0x6], $0xC80, s19, s17, $0x38;
	v63 =	vld [tilespmem:$0x0]  }
0xc5: {  	s18 =	sadd.s32 $0x2D80, s30;
	s22 =	simm.s32 $0x11280  }
0xc6: {  	[hbm4b:s18+s17] =	stream.strided.scatter [tilespmem:s22], [sflag:$0x6], $0xC80, s19, s17, $0x38;
	v63 =	vld [tilespmem:$0x0]  }
0xc7: {  	s18 =	sadd.s32 $0x3100, s30;
	s22 =	simm.s32 $0x11F00  }
0xc8: {  	[hbm4b:s18+s17] =	stream.strided.scatter [tilespmem:s22], [sflag:$0x6], $0xC80, s19, s17, $0x38;
	v63 =	vld [tilespmem:$0x0]  }
0xc9: {  	s18 =	sadd.s32 $0x3480, s30;
	s22 =	simm.s32 $0x12B80  }
0xca: {  	[hbm4b:s18+s17] =	stream.strided.scatter [tilespmem:s22], [sflag:$0x6], $0xC80, s19, s17, $0x38;
	v63 =	vld [tilespmem:$0x0]  }
0xcb: {  	s18 =	simm.s32 @!p0 $0x6  }
0xcc: {  	_ =	swait.ge @!p0 [sflag:s18], $0x6400  }
0xcd: {  	[sflag:s18] =	ssyncset.done @!p0 $0x0  }
0xce: {  	s22 =	simm.s32 @!p0 $0xD400;
	[sflag:s18] =	ssyncadd.s32 @!p0 $0xFFFF9C00;
	s18 =	sadd.s32 @!p0 $0x8C0, s10  }
0xcf: {  	[tilespmem:s22], [sflag:$0x2] =	stream.indirect.gather @!p0 [hbm4b:s3+s14], $0x40, s18, s14, $0xb8;
	v63 =	vld [tilespmem:$0x0]  }
0xd0: {  	s18 =	sadd.s32 @!p0 $0x8F8, s10;
	s22 =	simm.s32 @!p0 $0xE080  }
0xd1: {  	[tilespmem:s22], [sflag:$0x2] =	stream.indirect.gather @!p0 [hbm4b:s3+s14], $0x40, s18, s14, $0xb8;
	v63 =	vld [tilespmem:$0x0]  }
0xd2: {  	s18 =	sadd.s32 @!p0 $0x930, s10;
	s22 =	simm.s32 @!p0 $0xED00  }
0xd3: {  	[tilespmem:s22], [sflag:$0x2] =	stream.indirect.gather @!p0 [hbm4b:s3+s14], $0x40, s18, s14, $0xb8;
	v63 =	vld [tilespmem:$0x0]  }
0xd4: {  	s18 =	sadd.s32 @!p0 $0x968, s10;
	s22 =	simm.s32 @!p0 $0xF980  }
0xd5: {  	[tilespmem:s22], [sflag:$0x2] =	stream.indirect.gather @!p0 [hbm4b:s3+s14], $0x40, s18, s14, $0xb8;
	v63 =	vld [tilespmem:$0x0]  }
0xd6: {  	s18 =	sadd.s32 @!p0 $0x9A0, s10;
	s22 =	simm.s32 @!p0 $0x10600  }
0xd7: {  	[tilespmem:s22], [sflag:$0x2] =	stream.indirect.gather @!p0 [hbm4b:s3+s14], $0x40, s18, s14, $0xb8;
	v63 =	vld [tilespmem:$0x0]  }
0xd8: {  	s18 =	sadd.s32 @!p0 $0x9D8, s10;
	s22 =	simm.s32 @!p0 $0x11280  }
0xd9: {  	[tilespmem:s22], [sflag:$0x2] =	stream.indirect.gather @!p0 [hbm4b:s3+s14], $0x40, s18, s14, $0xb8;
	v63 =	vld [tilespmem:$0x0]  }
0xda: {  	s18 =	sadd.s32 @!p0 $0xA10, s10;
	s22 =	simm.s32 @!p0 $0x11F00  }
0xdb: {  	[tilespmem:s22], [sflag:$0x2] =	stream.indirect.gather @!p0 [hbm4b:s3+s14], $0x40, s18, s14, $0xb8;
	v63 =	vld [tilespmem:$0x0]  }
0xdc: {  	s18 =	sadd.s32 @!p0 $0xA48, s10;
	s22 =	simm.s32 @!p0 $0x12B80  }
0xdd: {  	[tilespmem:s22], [sflag:$0x2] =	stream.indirect.gather @!p0 [hbm4b:s3+s14], $0x40, s18, s14, $0xb8;
	v63 =	vld [tilespmem:$0x0]  }
0xde: {  	_ =	swait.ge [sflag:s23], $0xC80  }
0xdf: {  	[sflag:s23] =	ssyncset.done $0x0  }
0xe0: {  	[sflag:s23] =	ssyncadd.s32 $0xFFFFF380  }
0xe1: {  	_ =	swait.ge [sflag:s23], $0xC80  }
0xe2: {  	[sflag:s23] =	ssyncset.done $0x0  }
0xe3: {  	[sflag:s23] =	ssyncadd.s32 $0xFFFFF380  }
0xe4: {  	_ =	swait.ge [sflag:s23], $0xC80  }
0xe5: {  	[sflag:s23] =	ssyncset.done $0x0  }
0xe6: {  	[sflag:s23] =	ssyncadd.s32 $0xFFFFF380  }
0xe7: {  	_ =	swait.ge [sflag:s23], $0xC80  }
0xe8: {  	[sflag:s23] =	ssyncset.done $0x0  }
0xe9: {  	[sflag:s23] =	ssyncadd.s32 $0xFFFFF380  }
0xea: {  	_ =	swait.ge [sflag:s23], $0xC80  }
0xeb: {  	[sflag:s23] =	ssyncset.done $0x0  }
0xec: {  	[sflag:s23] =	ssyncadd.s32 $0xFFFFF380  }
0xed: {  	_ =	swait.ge [sflag:s23], $0xC80  }
0xee: {  	[sflag:s23] =	ssyncset.done $0x0  }
0xef: {  	[sflag:s23] =	ssyncadd.s32 $0xFFFFF380  }
0xf0: {  	_ =	swait.ge [sflag:s23], $0xC80  }
0xf1: {  	[sflag:s23] =	ssyncset.done $0x0  }
0xf2: {  	[sflag:s23] =	ssyncadd.s32 $0xFFFFF380  }
0xf3: {  	_ =	swait.ge [sflag:s23], $0xC80  }
0xf4: {  	[sflag:s23] =	ssyncset.done $0x0  }
0xf5: {  	s22 =	sadd.s32 $0x3800, s30;
	[sflag:s23] =	ssyncadd.s32 $0xFFFFF380  }
0xf6: {  	[hbm4b:s22+s17] =	stream.strided.scatter [tilespmem:s26], [sflag:$0x7], $0xC80, s19, s17, $0x38;
	v63 =	vld [tilespmem:$0x0]  }
0xf7: {  	s22 =	sadd.s32 $0x3B80, s30  }
0xf8: {  	[hbm4b:s22+s17] =	stream.strided.scatter [tilespmem:s31], [sflag:$0x7], $0xC80, s19, s17, $0x38;
	v63 =	vld [tilespmem:$0x0]  }
0xf9: {  	s22 =	sadd.s32 $0x3F00, s30  }
0xfa: {  	[hbm4b:s22+s17] =	stream.strided.scatter [tilespmem:s12], [sflag:$0x7], $0xC80, s19, s17, $0x38;
	v63 =	vld [tilespmem:$0x0]  }
0xfb: {  	s22 =	sadd.s32 $0x4280, s30  }
0xfc: {  	[hbm4b:s22+s17] =	stream.strided.scatter [tilespmem:s20], [sflag:$0x7], $0xC80, s19, s17, $0x38;
	v63 =	vld [tilespmem:$0x0]  }
0xfd: {  	s22 =	sadd.s32 $0x4600, s30  }
0xfe: {  	[hbm4b:s22+s17] =	stream.strided.scatter [tilespmem:s29], [sflag:$0x7], $0xC80, s19, s17, $0x38;
	v63 =	vld [tilespmem:$0x0]  }
0xff: {  	s22 =	sadd.s32 $0x4980, s30  }
0x100: {  	[hbm4b:s22+s17] =	stream.strided.scatter [tilespmem:s16], [sflag:$0x7], $0xC80, s19, s17, $0x38;
	v63 =	vld [tilespmem:$0x0]  }
0x101: {  	s22 =	sadd.s32 $0x4D00, s30  }
0x102: {  	[hbm4b:s22+s17] =	stream.strided.scatter [tilespmem:s1], [sflag:$0x7], $0xC80, s19, s17, $0x38;
	v63 =	vld [tilespmem:$0x0]  }
0x103: {  	s18 =	simm.s32 @!p0 $0x7;
	s22 =	sadd.s32 $0x5080, s30  }
0x104: {  	[hbm4b:s22+s17] =	stream.strided.scatter [tilespmem:s24], [sflag:$0x7], $0xC80, s19, s17, $0x38;
	v63 =	vld [tilespmem:$0x0]  }
0x105: {  	_ =	swait.ge @!p0 [sflag:s18], $0x6400  }
0x106: {  	[sflag:s18] =	ssyncset.done @!p0 $0x0  }
0x107: {  	s22 =	simm.s32 @!p0 $0x13800;
	[sflag:s18] =	ssyncadd.s32 @!p0 $0xFFFF9C00;
	s18 =	sadd.s32 @!p0 $0xA80, s10  }
0x108: {  	[tilespmem:s22], [sflag:$0x3] =	stream.indirect.gather @!p0 [hbm4b:s3+s14], $0x40, s18, s14, $0xb8;
	v63 =	vld [tilespmem:$0x0]  }
0x109: {  	s18 =	sadd.s32 @!p0 $0xAB8, s10;
	s22 =	simm.s32 @!p0 $0x14480  }
0x10a: {  	[tilespmem:s22], [sflag:$0x3] =	stream.indirect.gather @!p0 [hbm4b:s3+s14], $0x40, s18, s14, $0xb8;
	v63 =	vld [tilespmem:$0x0]  }
0x10b: {  	s18 =	sadd.s32 @!p0 $0xAF0, s10;
	s22 =	simm.s32 @!p0 $0x15100  }
0x10c: {  	[tilespmem:s22], [sflag:$0x3] =	stream.indirect.gather @!p0 [hbm4b:s3+s14], $0x40, s18, s14, $0xb8;
	v63 =	vld [tilespmem:$0x0]  }
0x10d: {  	s18 =	sadd.s32 @!p0 $0xB28, s10;
	s22 =	simm.s32 @!p0 $0x15D80  }
0x10e: {  	[tilespmem:s22], [sflag:$0x3] =	stream.indirect.gather @!p0 [hbm4b:s3+s14], $0x40, s18, s14, $0xb8;
	v63 =	vld [tilespmem:$0x0]  }
0x10f: {  	s18 =	sadd.s32 @!p0 $0xB60, s10;
	s22 =	simm.s32 @!p0 $0x16A00  }
0x110: {  	[tilespmem:s22], [sflag:$0x3] =	stream.indirect.gather @!p0 [hbm4b:s3+s14], $0x40, s18, s14, $0xb8;
	v63 =	vld [tilespmem:$0x0]  }
0x111: {  	s18 =	sadd.s32 @!p0 $0xB98, s10;
	s22 =	simm.s32 @!p0 $0x17680  }
0x112: {  	[tilespmem:s22], [sflag:$0x3] =	stream.indirect.gather @!p0 [hbm4b:s3+s14], $0x40, s18, s14, $0xb8;
	v63 =	vld [tilespmem:$0x0]  }
0x113: {  	s18 =	sadd.s32 @!p0 $0xBD0, s10;
	s22 =	simm.s32 @!p0 $0x18300  }
0x114: {  	[tilespmem:s22], [sflag:$0x3] =	stream.indirect.gather @!p0 [hbm4b:s3+s14], $0x40, s18, s14, $0xb8;
	v63 =	vld [tilespmem:$0x0]  }
0x115: {  	s10 =	sadd.s32 @!p0 $0xC08, s10;
	s18 =	simm.s32 @!p0 $0x18F80  }
0x116: {  	[tilespmem:s18], [sflag:$0x3] =	stream.indirect.gather @!p0 [hbm4b:s3+s14], $0x40, s10, s14, $0xb8;
	v63 =	vld [tilespmem:$0x0]  }
0x117: {  	_ =	swait.ge [sflag:s25], $0xC80  }
0x118: {  	[sflag:s25] =	ssyncset.done $0x0  }
0x119: {  	[sflag:s25] =	ssyncadd.s32 $0xFFFFF380  }
0x11a: {  	_ =	swait.ge [sflag:s25], $0xC80  }
0x11b: {  	[sflag:s25] =	ssyncset.done $0x0  }
0x11c: {  	[sflag:s25] =	ssyncadd.s32 $0xFFFFF380  }
0x11d: {  	_ =	swait.ge [sflag:s25], $0xC80  }
0x11e: {  	[sflag:s25] =	ssyncset.done $0x0  }
0x11f: {  	[sflag:s25] =	ssyncadd.s32 $0xFFFFF380  }
0x120: {  	_ =	swait.ge [sflag:s25], $0xC80  }
0x121: {  	[sflag:s25] =	ssyncset.done $0x0  }
0x122: {  	[sflag:s25] =	ssyncadd.s32 $0xFFFFF380  }
0x123: {  	_ =	swait.ge [sflag:s25], $0xC80  }
0x124: {  	[sflag:s25] =	ssyncset.done $0x0  }
0x125: {  	[sflag:s25] =	ssyncadd.s32 $0xFFFFF380  }
0x126: {  	_ =	swait.ge [sflag:s25], $0xC80  }
0x127: {  	[sflag:s25] =	ssyncset.done $0x0  }
0x128: {  	[sflag:s25] =	ssyncadd.s32 $0xFFFFF380  }
0x129: {  	_ =	swait.ge [sflag:s25], $0xC80  }
0x12a: {  	[sflag:s25] =	ssyncset.done $0x0  }
0x12b: {  	[sflag:s25] =	ssyncadd.s32 $0xFFFFF380  }
0x12c: {  	_ =	swait.ge [sflag:s25], $0xC80  }
0x12d: {  	[sflag:s25] =	ssyncset.done $0x0  }
0x12e: {  	s18 =	sadd.s32 $0x5400, s30;
	[sflag:s25] =	ssyncadd.s32 $0xFFFFF380  }
0x12f: {  	[hbm4b:s18+s17] =	stream.strided.scatter [tilespmem:s2], [sflag:$0x8], $0xC80, s19, s17, $0x38;
	v63 =	vld [tilespmem:$0x0]  }
0x130: {  	s22 =	sadd.s32 $0x5780, s30  }
0x131: {  	[hbm4b:s22+s17] =	stream.strided.scatter [tilespmem:s4], [sflag:$0x8], $0xC80, s19, s17, $0x38;
	v63 =	vld [tilespmem:$0x0]  }
0x132: {  	s14 =	sadd.s32 $0x5B00, s30  }
0x133: {  	[hbm4b:s14+s17] =	stream.strided.scatter [tilespmem:s5], [sflag:$0x8], $0xC80, s19, s17, $0x38;
	v63 =	vld [tilespmem:$0x0]  }
0x134: {  	s18 =	sadd.s32 $0x5E80, s30  }
0x135: {  	[hbm4b:s18+s17] =	stream.strided.scatter [tilespmem:s6], [sflag:$0x8], $0xC80, s19, s17, $0x38;
	v63 =	vld [tilespmem:$0x0]  }
0x136: {  	s22 =	sadd.s32 $0x6200, s30  }
0x137: {  	[hbm4b:s22+s17] =	stream.strided.scatter [tilespmem:s7], [sflag:$0x8], $0xC80, s19, s17, $0x38;
	v63 =	vld [tilespmem:$0x0]  }
0x138: {  	s14 =	sadd.s32 $0x6580, s30  }
0x139: {  	[hbm4b:s14+s17] =	stream.strided.scatter [tilespmem:s9], [sflag:$0x8], $0xC80, s19, s17, $0x38;
	v63 =	vld [tilespmem:$0x0]  }
.Ltmp2:
0x13a: {  	_ = 	snop;
	(pc) =	sbr.rel @p0 .LBB2_4-.Ltmp2, $4  }
0x13b: {  	s18 =	sadd.s32 $0x6900, s30  }
0x13c: {  	[hbm4b:s18+s17] =	stream.strided.scatter [tilespmem:s11], [sflag:$0x8], $0xC80, s19, s17, $0x38;
	v63 =	vld [tilespmem:$0x0]  }
0x13d: {  	s22 =	sadd.s32 $0x6C80, s30  }
0x13e: {  	[hbm4b:s22+s17] =	stream.strided.scatter [tilespmem:s13], [sflag:$0x8], $0xC80, s19, s17, $0x38;
	v63 =	vld [tilespmem:$0x0]  }
0x13f: {  	_ =	swait.ge [sflag:s28], $0x6400  }
0x140: {  	s10 =	sshra.s32 s0, $0x2;
	[sflag:s28] =	ssyncset.done $0x0  }
0x141: {  	s14 =	sadd.s32 $0xC40, s10;
	[sflag:s28] =	ssyncadd.s32 $0xFFFF9C00  }
0x142: {  	[tilespmem:s2], [sflag:$0x4] =	stream.indirect.gather [hbm4b:s3+s8], $0x40, s14, s8, $0xb8;
	v63 =	vld [tilespmem:$0x0]  }
0x143: {  	s18 =	sadd.s32 $0xC78, s10  }
0x144: {  	[tilespmem:s4], [sflag:$0x4] =	stream.indirect.gather [hbm4b:s3+s8], $0x40, s18, s8, $0xb8;
	v63 =	vld [tilespmem:$0x0]  }
0x145: {  	s22 =	sadd.s32 $0xCB0, s10  }
0x146: {  	[tilespmem:s5], [sflag:$0x4] =	stream.indirect.gather [hbm4b:s3+s8], $0x40, s22, s8, $0xb8;
	v63 =	vld [tilespmem:$0x0]  }
0x147: {  	s18 =	sadd.s32 $0xCE8, s10  }
0x148: {  	[tilespmem:s6], [sflag:$0x4] =	stream.indirect.gather [hbm4b:s3+s8], $0x40, s18, s8, $0xb8;
	v63 =	vld [tilespmem:$0x0]  }
0x149: {  	s22 =	sadd.s32 $0xD20, s10  }
0x14a: {  	[tilespmem:s7], [sflag:$0x4] =	stream.indirect.gather [hbm4b:s3+s8], $0x40, s22, s8, $0xb8;
	v63 =	vld [tilespmem:$0x0]  }
0x14b: {  	s18 =	sadd.s32 $0xD58, s10  }
0x14c: {  	[tilespmem:s9], [sflag:$0x4] =	stream.indirect.gather [hbm4b:s3+s8], $0x40, s18, s8, $0xb8;
	v63 =	vld [tilespmem:$0x0]  }
.Ltmp3:
0x14d: {  	_ = 	snop;
	(pc) =	sbr.rel .LBB2_2-.Ltmp3, $4  }
0x14e: {  	s22 =	sadd.s32 $0xD90, s10  }
0x14f: {  	[tilespmem:s11], [sflag:$0x4] =	stream.indirect.gather [hbm4b:s3+s8], $0x40, s22, s8, $0xb8;
	v63 =	vld [tilespmem:$0x0]  }
0x150: {  	s0 =	sadd.s32 $0x1C00, s0;
	s30 =	sadd.s32 $0x7000, s30;
	s10 =	sadd.s32 $0xDC8, s10  }
0x151: {  	[tilespmem:s13], [sflag:$0x4] =	stream.indirect.gather [hbm4b:s3+s8], $0x40, s10, s8, $0xb8;
	v63 =	vld [tilespmem:$0x0]  }
.LBB2_5:
0x152: {  	_ =	sfence.sel $0x180000  }
0x153: {  	[bflag:$0x0] =	sbarrier.arrive $0xFFFF  }
0x154: {  	_ =	strace $0x9000004A  }
0x155: {  	s0 =	stileid.u32;
	[bflag:$0x2] =	sbarrier.arrive $0xFFFF  }
0x156: {  	p0 =	sne.s32 s0, $0x0;
	s0 =	rddreg [dreg:$0x2]  }
0x157: {  	s0 =	sadd.s32 @!p0 $0x100000, s0  }
0x158: {  	[sflag:s0] =	ssyncadd.tile.s32 @!p0 $0x1;
	_ =	shalt  }
.Lfunc_end2:
_tile_overlayer_lowered:
.L_overlay_start_2:
0x159: {  	(tag) =	ssettag $0x2  }
0x15a: {  	s0 =	rddreg [dreg:$0x0];
	s2 =	stileid.u32  }
0x15b: {  	s1 =	rddreg [dreg:$0x1];
	p0 =	sne.s32 s2, $0x0  }
0x15c: {  	s3 =	rddreg [dreg:$0x2];
	[bflag:$0x3] =	sbarrier.arrive $0xFFFF;
	s2 =	simm.s32 @!p0 $0x1C09  }
0x15d: {  	[timem:s3], [sflag:s2] =	dma.local @!p0 [hbm:s0], s1  }
0x15e: {  	s0 =	simm.s32 @!p0 $0x9  }
0x15f: {  	_ =	swait.ge @!p0 [sflag:s0], s1  }
0x160: {  	s1 =	ssub.s32 @!p0 $0x0, s1;
	[sflag:s0] =	ssyncset.done @!p0 $0x0  }
0x161: {  	[sflag:s0] =	ssyncadd.s32 @!p0 s1  }
0x162: {  	[bflag:$0x3] =	sbarrier.arrive $0xFFFF  }
0x163: {  	_ =	shalt  }

// kernel: sparse-core-data-format-call.1.cloned.1.call-start
scs
called_computation.1_lowered:
.L_overlay_start_0:
0x0: {  	s2 =	sld [smem:$0x3FD9]  }
0x1: {  	s3 =	sld [smem:$0x3FFE];
	_ =	sdelay $0x1  }
0x2: {  	s1 =	srdreg.scid  }
0x3: {  	s0 =	sand.u32 $0x1, s1  }
0x4: {  	s18 =	sshll.u32 s0, $0xA;
	s2 =	sadd.s32 s3, s2  }
0x5: {  	s2 =	sadd.s32 s2, s18  }
0x6: {  	[smem:$0x3FC6] =	sst s2  }
0x7: {  	_ = 	snop  }
0x8: {  	s2 =	sld [smem:$0x3FC8];
	(tm) =	ssettm $0x1  }
0x9: {  	s19 =	sld [smem:$0x3FFB];
	_ =	sdelay $0x3  }
0xa: {  	_ =	strace s19  }
0xb: {  	s3 =	sld [smem:$0x3FFC];
	_ =	sdelay $0x3  }
0xc: {  	_ =	strace s3  }
0xd: {  	s3 =	sld [smem:$0x3FFD];
	_ =	sdelay $0x3  }
0xe: {  	_ =	strace s3  }
0xf: {  	_ =	strace $0x8FFFFFFF  }
0x10: {  	s20 =	sld [smem:$0x3FDB];
	_ =	sdelay $0x1  }
0x11: {  	s4 =	simm.s32 $_scs_section_size  }
0x12: {  	s5 =	simm.s32 $_size__tile_overlayer_lowered;
	s6 =	simm.s32 $_tile_overlayer_lowered  }
0x13: {  	s23 =	simm.s32 $0x1BFF;
	s22 =	sshll.u32 s6, $0x1;
	s3 =	sadd.s32 s4, s20  }
0x14: {  	s7 =	simm.s32 $0x0;
	s21 =	sshll.u32 s5, $0x1;
	s5 =	sadd.s32 s22, s3  }
0x15: {  	[timem:s7], [sflag:s23] =	dma.local [hbm:s5], s21  }
0x16: {  	_ =	swait.ge [sflag:s23], s21  }
0x17: {  	s4 =	ssub.s32 $0x0, s21;
	[sflag:s23] =	ssyncset.done $0x0  }
0x18: {  	[sflag:s23] =	ssyncadd.s32 s4;
	_ =	sdelay $0x1  }
0x19: {  	s24 =	simm.s32 $0x1B8B  }
0x1a: {  	_ =	swait.ge [sflag:s24], $0x1  }
0x1b: {  	[sflag:s24] =	ssyncset.done $0x0  }
0x1c: {  	s26 =	simm.s32 $0x1B8E;
	s25 =	sld [smem:$0x3FFE];
	[sflag:s24] =	ssyncadd.s32 $0xFFFFFFFF  }
0x1d: {  	s27 =	simm.s32 $execute0_lowered;
	[smem:$0x3FD2] =	sst s26  }
0x1e: {  	s5 =	sshll.u32 s27, $0x1;
	_ =	strace $0x80000046;
	[dreg:$0x1] =	wrdreg $0xFFFFFFFF  }
0x1f: {  	s28 =	simm.s32 $_size_execute0_lowered;
	s3 =	sadd.s32 s3, s5;
	[dreg:$0x0] =	wrdreg $0x0  }
0x20: {  	s5 =	sshll.u32 s28, $0x1;
	[dreg:$0x2] =	wrdreg s3  }
0x21: {  	[dreg:$0x3] =	wrdreg s5  }
0x22: {  	[dreg:$0x4] =	wrdreg $0xC0  }
0x23: {  	_ =	task [dreg:s7], $0x5FFFF  }
0x24: {  	[dreg:$0x1] =	wrdreg $0xFFFFFFFF  }
0x25: {  	[dreg:$0x0] =	wrdreg $0x60  }
0x26: {  	[dreg:$0x2] =	wrdreg s2  }
0x27: {  	[dreg:$0x3] =	wrdreg s25  }
0x28: {  	[dreg:$0x4] =	wrdreg $0x9  }
0x29: {  	_ =	task.clear_ibuf [dreg:s7], $0x5FFFF;
	_ =	strace $0x90000046  }
0x2a: {  	s29 =	simm.s32 $0x9;
	_ =	strace $0x80000048  }
0x2b: {  	_ =	swait.ge [sflag:s29], $0x1  }
0x2c: {  	[sflag:s29] =	ssyncadd.s32 $0xFFFFFFFF  }
0x2d: {  	_ =	strace $0x90000048  }
0x2e: {  	_ =	sfence  }
0x2f: {  	s30 =	sld [smem:$0x0];
	_ =	sdelay $0x2  }
0x30: {  	s31 =	sshll.u32 s1, $0xD;
	s1 =	sshrl.u32 s1, $0x2  }
0x31: {  	s3 =	sand.u32 $0x4000, s31;
	s1 =	sadd.s32 s1, s30  }
0x32: {  	s0 =	sor.u32 s3, s0;
	s1 =	sshll.u32 s1, $0x11  }
0x33: {  	s0 =	sor.u32 s1, s0  }
0x34: {  	s0 =	sadd.s32 $0x8F2B, s0  }
0x35: {  	[sflag:s0] =	ssyncadd.remote.s32 $0x1  }
0x36: {  	_ =	sfence.sel $0xFFFF  }
0x37: {  	[dreg:$0x0] =	wrdreg $0xFFFFFFFF;
	(pc) =	sbr.abs _section_cstart, $3  }
0x38: {  	[dreg:$0x1] =	wrdreg $0xFFFFFFFF  }
0x39: {  	_ =	task.clear_ibuf [dreg:s7], $0x2FFFF;
	_ =	strace $0x9FFFFFFF  }
0x3a: {  	(tm) =	ssettm $0x7FFFFFFF  }
0x3b: {  	_ =	shalt  }
tec
execute0_lowered:
.L_overlay_start_1:
0x0: {  	(tag) =	ssettag $0x1  }
0x1: {  	s0 =	srdreg.scid;
	s2 =	rddreg [dreg:$0x0]  }
0x2: {  	s5 =	rddreg [dreg:$0x1];
	s1 =	stileid.u32  }
0x3: {  	s4 =	simm.s32 $0x1;
	s6 =	simm.s32 $0x2;
	s15 =	simm.s32 $0x0  }
0x4: {  	p0 =	por $0x0, $0x0;
	s8 =	simm.s32 $0x80;
	s0 =	sshll.u32 s0, $0x4  }
0x5: {  	s14 =	simm.s32 $0x0;
	s9 =	simm.s32 $0x0;
	s3 =	sand.u32 $0x10, s0  }
.Ltmp0:
0x6: {  	s10 =	simm.s32 $0x0;
	s3 =	sor.u32 s1, s3;
	(pc) =	sbr.rel .LBB1_1-.Ltmp0, $4  }
0x7: {  	s0 =	rddreg [dreg:$0x2];
	_ =	strace $0x80000047;
	s3 =	sshll.u32 s3, $0x7  }
0x8: {  	s12 =	simm.s32 $0x0;
	[sflag:s4] =	ssyncpa.u1 $0x0;
	s7 =	ssub.s32 $0xF4200, s3  }
0x9: {  	s13 =	simm.s32 $0x0;
	[sflag:s6] =	ssyncpa.u1 $0x0;
	s6 =	sshrl.u32 s7, $0xC  }
0xa: {  	s5 =	sadd.s32 $0xE00, s5;
	s11 =	smov.u32 s3;
	s7 =	sadd.s32 $0x2, s6  }
.LBB1_5:
0xb: {  	p1 =	slt.u32 s13, $0x2  }
0xc: {  	s17 =	smov.u32 s15;
	p2 =	sgt.s32 @!p1 s15, $0xF41C0;
	s16 =	sshra.s32 @!p1 s15, $0x1F  }
0xd: {  	p3 =	sgt.s32 @!p1 s14, $0x40;
	s18 =	sshra.s32 @!p1 s14, $0x1F;
	p2 =	por !p2, p1  }
0xe: {  	s15 =	sand.u32 @!p1 s16, s15;
	p3 =	por !p3, p1;
	s16 =	smov.u32 s14  }
0xf: {  	s14 =	sand.u32 @!p1 s18, s14;
	s17 =	simm.s32 @p2 $0xF41C0;
	s16 =	simm.s32 @p3 $0x40  }
0x10: {  	s15 =	ssub.s32 @!p1 s17, s15;
	s14 =	ssub.s32 @!p1 s16, s14  }
0x11: {  	s18 =	smov.u32 s12;
	s16 =	sadd.s32 @!p1 $0xFFF0BE40, s15;
	s17 =	sadd.s32 @!p1 $0xFFFFFFC0, s14  }
0x12: {  	s15 =	ssub.s32 @!p1 $0xF4240, s15;
	p2 =	sgt.s32 @!p1 s16, $0x7F;
	p3 =	sgt.s32 @!p1 s17, $0x3F  }
0x13: {  	s14 =	ssub.s32 @!p1 $0x80, s14;
	p2 =	por !p2, p1;
	p3 =	por !p3, p1  }
0x14: {  	s16 =	sadd.s32 $0x1000, s11;
	s15 =	simm.s32 @!p2 $0x0;
	s14 =	simm.s32 @!p3 $0x0  }
0x15: {  	p2 =	sgt.s32 s16, $0xF423F;
	s14 =	smul.u32 @!p1 s14, s15;
	s15 =	sadd.s32 $0x40, s12  }
0x16: {  	s18 =	smov.u32 @p2 s15  }
0x17: {  	s16 =	smov.u32 @p2 s3;
	p2 =	sgt.s32 s18, $0x3F  }
0x18: {  	s18 =	simm.s32 @p2 $0x0;
	p2 =	sne.s32 s13, s7  }
.Ltmp1:
0x19: {  	p0 =	por !p0, !p0;
	s17 =	simm.s32 @!p1 $0x2;
	(pc) =	sbr.rel @!p2 .LBB1_6-.Ltmp1, $4  }
0x1a: {  	s15 =	smov.u32 s9;
	s9 =	smov.u32 s11;
	s14 =	sand.u32 @!p1 $0x3FFFFFFF, s14  }
0x1b: {  	s11 =	smov.u32 s16;
	_ =	swait.ge @!p1 [sflag:s17], s14;
	s19 =	ssub.s32 @!p1 $0x0, s14  }
0x1c: {  	s14 =	smov.u32 s10;
	s13 =	sadd.s32 $0x1, s13;
	[sflag:s17] =	ssyncset.done @!p1 $0x0  }
0x1d: {  	s10 =	smov.u32 s12;
	s12 =	smov.u32 s18;
	[sflag:s17] =	ssyncadd.s32 @!p1 s19  }
.LBB1_1:
0x1e: {  	p1 =	sgt.u32 s13, s6  }
0x1f: {  	s16 =	sshrl.u32 @!p1 s12, $0x3  }
0x20: {  	s17 =	sshll.u32 @!p1 s11, $0x3;
	s16 =	smul.u32 @!p1 $0x7A1400, s16  }
0x21: {  	s18 =	sshll.u32 @!p1 s12, $0x7;
	s17 =	sand.u32 @!p1 $0xFFFFFC00, s17  }
0x22: {  	s16 =	sadd.s32 @!p1 s16, s17;
	s17 =	sand.u32 @!p1 $0x380, s18  }
0x23: {  	s18 =	sand.u32 @!p1 $0x7F, s11;
	s16 =	sor.u32 @!p1 s17, s16  }
0x24: {  	s17 =	sor.u32 @!p1 s18, s16  }
0x25: {  	s18 =	smulhi.u32 @!p1 $0x218D6287, s17;
	_ =	sdelay $0x1  }
0x26: {  	s16 =	smulhi.u32 @!p1 $0x218D6287, s16;
	s18 =	sshrl.u32 @!p1 s18, $0x11  }
0x27: {  	s18 =	smul.u32 @!p1 $0xF4280, s18  }
0x28: {  	s19 =	sxor.u32 @!p1 $0xFFFFFFFF, s13;
	s16 =	sshrl.u32 @!p1 s16, $0x11  }
0x29: {  	s19 =	sshll.u32 @!p1 s19, $0xD;
	s16 =	sand.u32 @!p1 $0x3F, s16;
	s17 =	ssub.s32 @!p1 s17, s18  }
0x2a: {  	s16 =	smul.u32 @!p1 $0x1E850, s16;
	s18 =	sshrl.u32 @!p1 s17, $0x3;
	s17 =	sand.u32 @!p1 $0x7, s17  }
0x2b: {  	s19 =	sand.u32 @!p1 $0x2000, s19;
	s18 =	sadd.s32 @!p1 s2, s18;
	s17 =	sshll.u32 @!p1 s17, $0x12  }
0x2c: {  	s16 =	sadd.s32 @!p1 s16, s18;
	s17 =	sor.u32 @!p1 $0x400, s17;
	s18 =	simm.s32 @!p1 $0x7A1400  }
0x2d: {  	[tilespmem:s19], [sflag:$0x1] =	stream.strided.gather @!p1 [hbm4b:s16+s17], $0x2000, s18, s17, $0x38;
	[tilespmem:$0x8100] =	vst v63  }
0x2e: {  	p1 =	seq.s32 s13, $0x0  }
0x2f: {  	p2 =	sge.u32 @!p1 s13, s7  }
0x30: {  	p1 =	por p1, p2  }
.Ltmp2:
0x31: {  	_ = 	snop;
	(pc) =	sbr.rel @p1 .LBB1_5-.Ltmp2, $1  }
0x32: {  	_ =	sdelay $0x3  }
0x33: {  	s16 =	simm.s32 $0x1  }
0x34: {  	_ =	swait.ge [sflag:s4], $0x2000;
	s16 =	simm.s32 @!p0 $0x0  }
0x35: {  	[sflag:s4] =	ssyncset.done $0x0;
	s17 =	sshll.u32 s16, $0xD  }
0x36: {  	[sflag:s4] =	ssyncadd.s32 $0xFFFFE000;
	s17 =	sor.u32 $0x40, s17  }
0x37: {  	s16 =	smul.u32 $0x8200, s16;
	v0 =	vld [tilespmem:s17+$0x30]  }
0x38: {  	v1 =	vld [tilespmem:s17+$0xFFFFFFD0]  }
0x39: {  	s16 =	sshrl.u32 s16, $0x2;
	v5 =	vld [tilespmem:s17+$0xFFFFFFE0]  }
0x3a: {  	v6 =	vld [tilespmem:s17+$0xFFFFFFF0];
	s19 =	sor.u32 $0x4000, s16  }
0x3b: {  	s31 =	sand.u32 $0x1, s13;
	v4 =	vld [tilespmem:s17+$0x0];
	s18 =	sadd.s32 $0x0, s19  }
0x3c: {  	v3 =	vld [tilespmem:s17+$0x10];
	s16 =	smul.u32 $0x8200, s31;
	[tilespmem:s18+$0x1C70 ss:$0x41] =	vst.msk $0xffff, v0  }
0x3d: {  	v2 =	vld [tilespmem:s17+$0x20];
	[tilespmem:s18+$0x410 ss:$0x41] =	vst.msk $0xffff, v1  }
0x3e: {  	s16 =	sshrl.u32 s16, $0x2;
	v1 =	vld [tilespmem:s17+$0xFFFFFFC0];
	[tilespmem:s18+$0x820 ss:$0x41] =	vst.msk $0xffff, v5;
	s17 =	sadd.s32 $0x80, s17  }
0x3f: {  	s20 =	simm.s32 $0x4;
	s21 =	simm.s32 $0x8;
	s16 =	sor.u32 $0x4000, s16;
	[tilespmem:s18+$0xC30 ss:$0x41] =	vst.msk $0xffff, v6;
	v0 =	vld [tilespmem:s17+$0x30]  }
.LBB1_3:
0x40: {  	p1 =	sne.s32 s21, $0xFC;
	v5 =	vld [tilespmem:s17+$0xFFFFFFD0];
	[tilespmem:s18+$0x1040 ss:$0x41] =	vst.msk $0xffff, v4  }
0x41: {  	v6 =	vld [tilespmem:s17+$0xFFFFFFE0];
	[tilespmem:s18+$0x1450 ss:$0x41] =	vst.msk $0xffff, v3  }
0x42: {  	s22 =	sshra.s32 s20, $0x2;
	s20 =	smov.u32 s21;
	v7 =	vld [tilespmem:s17+$0xFFFFFFF0];
	[tilespmem:s18+$0x1860 ss:$0x41] =	vst.msk $0xffff, v2  }
.Ltmp3:
0x43: {  	v4 =	vld [tilespmem:s17+$0x0];
	[tilespmem:s18+$0x0 ss:$0x41] =	vst.msk $0xffff, v1;
	s18 =	sadd.s32 s22, s19;
	(pc) =	sbr.rel @p1 .LBB1_3-.Ltmp3, $4  }
0x44: {  	v3 =	vld [tilespmem:s17+$0x10];
	[tilespmem:s18+$0x1C70 ss:$0x41] =	vst.msk $0xffff, v0  }
0x45: {  	[tilespmem:s18+$0x410 ss:$0x41] =	vst.msk $0xffff, v5;
	v2 =	vld [tilespmem:s17+$0x20]  }
0x46: {  	v1 =	vld [tilespmem:s17+$0xFFFFFFC0];
	[tilespmem:s18+$0x820 ss:$0x41] =	vst.msk $0xffff, v6;
	s17 =	sadd.s32 $0x80, s17  }
0x47: {  	s21 =	sadd.s32 $0x4, s21;
	v0 =	vld [tilespmem:s17+$0x30];
	[tilespmem:s18+$0xC30 ss:$0x41] =	vst.msk $0xffff, v7  }
0x48: {  	s21 =	sshll.u32 s9, $0x7;
	s22 =	sshll.u32 s10, $0x3;
	s20 =	sshra.s32 s20, $0x2  }
0x49: {  	p1 =	sgt.s32 s9, $0xF41C0;
	s30 =	sshra.s32 s9, $0x1F;
	s25 =	sshra.s32 s10, $0x1F  }
0x4a: {  	v5 =	vld [tilespmem:s17+$0xFFFFFFD0];
	s28 =	sshrl.u32 s10, $0x3;
	s23 =	sand.u32 $0xFFFFFC00, s21;
	s22 =	sand.u32 $0xFFFFFC00, s22  }
0x4b: {  	[tilespmem:s18+$0x1040 ss:$0x41] =	vst.msk $0xffff, v4;
	v58 =	vld [tilespmem:s17+$0xFFFFFFE0];
	s21 =	sand.u32 $0x380, s21;
	s19 =	sadd.s32 s20, s19;
	s22 =	sadd.s32 s22, s23  }
0x4c: {  	v59 =	vld [tilespmem:s17+$0xFFFFFFF0];
	[tilespmem:s18+$0x1450 ss:$0x41] =	vst.msk $0xffff, v3;
	s29 =	sor.u32 s21, s22;
	s21 =	smov.u32 s9;
	s22 =	sand.u32 s30, s9  }
0x4d: {  	v60 =	vld [tilespmem:s17+$0x0];
	[tilespmem:s18+$0x1860 ss:$0x41] =	vst.msk $0xffff, v2;
	s30 =	sand.u32 $0x7, s10;
	s20 =	sshrl.u32 s29, $0x7;
	s21 =	simm.s32 @!p1 $0xF41C0  }
0x4e: {  	v61 =	vld [tilespmem:s17+$0x10];
	[tilespmem:s18+$0x0 ss:$0x41] =	vst.msk $0xffff, v1;
	p1 =	sgt.s32 s10, $0x40;
	s24 =	ssub.s32 s21, s22;
	s21 =	smov.u32 s10  }
0x4f: {  	v62 =	vld [tilespmem:s17+$0x20];
	[tilespmem:s19+$0x1C70 ss:$0x41] =	vst.msk $0xffff, v0;
	s31 =	smulhi.u32 $0x218DEF5, s20;
	s22 =	sand.u32 s25, s10;
	s21 =	simm.s32 @!p1 $0x40  }
0x50: {  	v63 =	vld [tilespmem:s17+$0xFFFFFFC0];
	[tilespmem:s19+$0x410 ss:$0x41] =	vst.msk $0xffff, v5;
	s26 =	sadd.s32 $0xFFF0BE40, s24;
	s17 =	ssub.s32 $0xF4240, s24;
	s21 =	ssub.s32 s21, s22  }
0x51: {  	[tilespmem:s19+$0x820 ss:$0x41] =	vst.msk $0xffff, v58;
	s23 =	sshrl.u32 s31, $0xD;
	p1 =	sgt.s32 s26, $0x7F;
	s27 =	sadd.s32 $0xFFFFFFC0, s21  }
0x52: {  	[tilespmem:s19+$0xC30 ss:$0x41] =	vst.msk $0xffff, v59;
	s23 =	smul.u32 $0xF4240, s23;
	s18 =	ssub.s32 $0x80, s21;
	p2 =	sgt.s32 s27, $0x3F  }
.Ltmp4:
0x53: {  	[tilespmem:s19+$0x1040 ss:$0x41] =	vst.msk $0xffff, v60;
	s17 =	simm.s32 @p1 $0x0;
	s18 =	simm.s32 @p2 $0x0;
	(pc) =	sbr.rel .LBB1_5-.Ltmp4, $4  }
0x54: {  	s29 =	sand.u32 $0xF, s28;
	[tilespmem:s19+$0x1450 ss:$0x41] =	vst.msk $0xffff, v61;
	s20 =	ssub.s32 s20, s23;
	s17 =	smul.u32 s18, s17  }
0x55: {  	[tilespmem:s19+$0x1860 ss:$0x41] =	vst.msk $0xffff, v62;
	s21 =	sshll.u32 s30, $0x12;
	s20 =	sshll.u32 s20, $0x4;
	s18 =	sadd.s32 s5, s29  }
0x56: {  	[tilespmem:s19+$0x0 ss:$0x41] =	vst.msk $0xffff, v63;
	s31 =	sor.u32 $0x40, s21;
	s18 =	sadd.s32 s20, s18;
	s17 =	sand.u32 $0x3FFFFFFF, s17  }
0x57: {  	[hbm4b:s18+s31] =	stream.strided.scatter [tilespmem:s16], [sflag:$0x2], s17, s8, s31, $0x18;
	[tilespmem:$0x8100] =	vst v63  }
.LBB1_6:
0x58: {  	_ =	sfence.sel $0x180000  }
0x59: {  	s2 =	simm.s32 $0x1;
	[bflag:$0x0] =	sbarrier.arrive $0xFFFF  }
0x5a: {  	s31 =	simm.s32 $0x2;
	[sflag:s2] =	ssyncpa.u1 $0x1  }
0x5b: {  	[sflag:s31] =	ssyncpa.u1 $0x1  }
0x5c: {  	p0 =	sne.s32 s1, $0x0;
	_ =	strace $0x90000047  }
0x5d: {  	s0 =	sadd.s32 @!p0 $0x100000, s0;
	[bflag:$0x2] =	sbarrier.arrive $0xFFFF  }
0x5e: {  	[sflag:s0] =	ssyncadd.tile.s32 @!p0 $0x1;
	_ =	shalt  }
.Lfunc_end1:
_tile_overlayer_lowered:
.L_overlay_start_2:
0x5f: {  	(tag) =	ssettag $0x2  }
0x60: {  	s0 =	rddreg [dreg:$0x0];
	s2 =	stileid.u32  }
0x61: {  	s1 =	rddreg [dreg:$0x1];
	p0 =	sne.s32 s2, $0x0  }
0x62: {  	s3 =	rddreg [dreg:$0x2];
	[bflag:$0x3] =	sbarrier.arrive $0xFFFF;
	s2 =	simm.s32 @!p0 $0x1C01  }
0x63: {  	[timem:s3], [sflag:s2] =	dma.local @!p0 [hbm:s0], s1  }
0x64: {  	s0 =	simm.s32 @!p0 $0x1  }
0x65: {  	_ =	swait.ge @!p0 [sflag:s0], s1  }
0x66: {  	s1 =	ssub.s32 @!p0 $0x0, s1;
	[sflag:s0] =	ssyncset.done @!p0 $0x0  }
0x67: {  	[sflag:s0] =	ssyncadd.s32 @!p0 s1  }
0x68: {  	[bflag:$0x3] =	sbarrier.arrive $0xFFFF  }
0x69: {  	_ =	shalt  }

// kernel: sparse-core-data-format-call.cloned.1.call-start
scs
called_computation_lowered:
.L_overlay_start_0:
0x0: {  	s2 =	sld [smem:$0x3FD9]  }
0x1: {  	s3 =	sld [smem:$0x3FFE];
	_ =	sdelay $0x1  }
0x2: {  	s1 =	srdreg.scid  }
0x3: {  	s0 =	sand.u32 $0x1, s1  }
0x4: {  	s18 =	sshll.u32 s0, $0xA;
	s2 =	sadd.s32 s3, s2  }
0x5: {  	s2 =	sadd.s32 s2, s18  }
0x6: {  	[smem:$0x3FC6] =	sst s2  }
0x7: {  	_ = 	snop  }
0x8: {  	s2 =	sld [smem:$0x3FD0];
	(tm) =	ssettm $0x1  }
0x9: {  	s19 =	sld [smem:$0x3FFB];
	_ =	sdelay $0x3  }
0xa: {  	_ =	strace s19  }
0xb: {  	s3 =	sld [smem:$0x3FFC];
	_ =	sdelay $0x3  }
0xc: {  	_ =	strace s3  }
0xd: {  	s3 =	sld [smem:$0x3FFD];
	_ =	sdelay $0x3  }
0xe: {  	_ =	strace s3  }
0xf: {  	_ =	strace $0x8FFFFFFF  }
0x10: {  	s20 =	sld [smem:$0x3FDB];
	_ =	sdelay $0x1  }
0x11: {  	s4 =	simm.s32 $_scs_section_size  }
0x12: {  	s5 =	simm.s32 $_size__tile_overlayer_lowered;
	s6 =	simm.s32 $_tile_overlayer_lowered  }
0x13: {  	s23 =	simm.s32 $0x1BFF;
	s22 =	sshll.u32 s6, $0x1;
	s3 =	sadd.s32 s4, s20  }
0x14: {  	s7 =	simm.s32 $0x0;
	s21 =	sshll.u32 s5, $0x1;
	s5 =	sadd.s32 s22, s3  }
0x15: {  	[timem:s7], [sflag:s23] =	dma.local [hbm:s5], s21  }
0x16: {  	_ =	swait.ge [sflag:s23], s21  }
0x17: {  	s4 =	ssub.s32 $0x0, s21;
	[sflag:s23] =	ssyncset.done $0x0  }
0x18: {  	[sflag:s23] =	ssyncadd.s32 s4;
	_ =	sdelay $0x1  }
0x19: {  	s24 =	simm.s32 $0x1B8B  }
0x1a: {  	_ =	swait.ge [sflag:s24], $0x1  }
0x1b: {  	[sflag:s24] =	ssyncset.done $0x0  }
0x1c: {  	s26 =	simm.s32 $0x1B8E;
	s25 =	sld [smem:$0x3FFE];
	[sflag:s24] =	ssyncadd.s32 $0xFFFFFFFF  }
0x1d: {  	s27 =	simm.s32 $execute0_lowered;
	[smem:$0x3FD2] =	sst s26  }
0x1e: {  	s5 =	sshll.u32 s27, $0x1;
	_ =	strace $0x8000004C;
	[dreg:$0x1] =	wrdreg $0xFFFFFFFF  }
0x1f: {  	s28 =	simm.s32 $_size_execute0_lowered;
	s3 =	sadd.s32 s3, s5;
	[dreg:$0x0] =	wrdreg $0x0  }
0x20: {  	s5 =	sshll.u32 s28, $0x1;
	[dreg:$0x2] =	wrdreg s3  }
0x21: {  	[dreg:$0x3] =	wrdreg s5  }
0x22: {  	[dreg:$0x4] =	wrdreg $0xC0  }
0x23: {  	_ =	task [dreg:s7], $0x5FFFF  }
0x24: {  	[dreg:$0x1] =	wrdreg $0xFFFFFFFF  }
0x25: {  	[dreg:$0x0] =	wrdreg $0x60  }
0x26: {  	[dreg:$0x2] =	wrdreg s25  }
0x27: {  	[dreg:$0x3] =	wrdreg s2  }
0x28: {  	[dreg:$0x4] =	wrdreg $0x9  }
0x29: {  	_ =	task.clear_ibuf [dreg:s7], $0x5FFFF;
	_ =	strace $0x9000004C  }
0x2a: {  	s29 =	simm.s32 $0x9;
	_ =	strace $0x8000004E  }
0x2b: {  	_ =	swait.ge [sflag:s29], $0x1  }
0x2c: {  	[sflag:s29] =	ssyncadd.s32 $0xFFFFFFFF  }
0x2d: {  	_ =	strace $0x9000004E  }
0x2e: {  	_ =	sfence  }
0x2f: {  	s30 =	sld [smem:$0x0];
	_ =	sdelay $0x2  }
0x30: {  	s31 =	sshll.u32 s1, $0xD;
	s1 =	sshrl.u32 s1, $0x2  }
0x31: {  	s3 =	sand.u32 $0x4000, s31;
	s1 =	sadd.s32 s1, s30  }
0x32: {  	s0 =	sor.u32 s3, s0;
	s1 =	sshll.u32 s1, $0x11  }
0x33: {  	s0 =	sor.u32 s1, s0  }
0x34: {  	s0 =	sadd.s32 $0x8F2B, s0  }
0x35: {  	[sflag:s0] =	ssyncadd.remote.s32 $0x1  }
0x36: {  	_ =	sfence.sel $0xFFFF  }
0x37: {  	[dreg:$0x0] =	wrdreg $0xFFFFFFFF;
	(pc) =	sbr.abs _section_cstart, $3  }
0x38: {  	[dreg:$0x1] =	wrdreg $0xFFFFFFFF  }
0x39: {  	_ =	task.clear_ibuf [dreg:s7], $0x2FFFF;
	_ =	strace $0x9FFFFFFF  }
0x3a: {  	(tm) =	ssettm $0x7FFFFFFF  }
0x3b: {  	_ =	shalt  }
tec
execute0_lowered:
.L_overlay_start_1:
0x0: {  	(tag) =	ssettag $0x1  }
0x1: {  	s0 =	srdreg.scid  }
0x2: {  	s1 =	sshll.u32 s0, $0x4  }
0x3: {  	s0 =	stileid.u32;
	s1 =	sand.u32 $0x10, s1  }
0x4: {  	s1 =	sor.u32 s0, s1  }
0x5: {  	s6 =	rddreg [dreg:$0x0];
	s4 =	simm.s32 $0x1;
	s2 =	sshll.u32 s1, $0x7  }
0x6: {  	s7 =	simm.s32 $0x2;
	s12 =	simm.s32 $0x0;
	s1 =	ssub.s32 $0x4000, s2  }
0x7: {  	s8 =	simm.s32 $0x20000;
	s13 =	simm.s32 $0x0;
	s3 =	sand.u32 $0xF80, s1  }
0x8: {  	s9 =	simm.s32 $0x0;
	s5 =	sshrl.u32 s1, $0xC;
	p0 =	sne.s32 s3, $0x0  }
.Ltmp0:
0x9: {  	s1 =	rddreg [dreg:$0x2];
	s4 =	simm.s32 @!p0 $0x0;
	(pc) =	sbr.rel .LBB1_1-.Ltmp0, $4  }
0xa: {  	s11 =	simm.s32 $0x0;
	s3 =	rddreg [dreg:$0x1];
	s5 =	sadd.s32 s4, s5  }
0xb: {  	_ =	strace $0x8000004D;
	s4 =	simm.s32 $0x1;
	s5 =	smul.u32 $0x32, s5  }
0xc: {  	s6 =	sadd.s32 $0xE00, s6;
	s10 =	smov.u32 s2;
	[sflag:s4] =	ssyncpa.u1 $0x0  }
0xd: {  	p0 =	por $0x0, $0x0;
	[sflag:s7] =	ssyncpa.u1 $0x0;
	s7 =	sor.u32 $0x1, s5  }
.LBB1_4:
0xe: {  	s16 =	sshll.u32 s13, $0x3;
	s17 =	sand.u32 $0x78, s13  }
0xf: {  	s30 =	sand.u32 $0x1F800, s13;
	s12 =	sshll.u32 s12, $0x11;
	s16 =	sand.u32 $0x3C00, s16  }
0x10: {  	[tilespmem:s15+$0x810 ss:$0x81] =	vst.msk $0xffff, v2;
	s31 =	sand.u32 $0x7, s13;
	s16 =	sor.u32 s17, s16;
	s17 =	sadd.s32 s3, s30  }
0x11: {  	[tilespmem:s15+$0x1020 ss:$0x81] =	vst.msk $0xffff, v0;
	s13 =	sshll.u32 s31, $0x12;
	s12 =	sadd.s32 s12, s17;
	s16 =	sshrl.u32 s16, $0x3  }
0x12: {  	[tilespmem:s15+$0x0 ss:$0x81] =	vst.msk $0xffff, v1;
	s13 =	sor.u32 $0x400, s13;
	s12 =	sadd.s32 s16, s12  }
0x13: {  	[hbm4b:s12+s13] =	stream.strided.scatter [tilespmem:s14], [sflag:$0x2], $0x2000, s8, s13, $0x20;
	[tilespmem:$0x8080] =	vst v63  }
.LBB1_5:
0x14: {  	s14 =	sadd.s32 $0x1, s9  }
0x15: {  	s12 =	sadd.s32 $0x1000, s10;
	s16 =	smov.u32 s10;
	p2 =	sgt.s32 s14, $0x31  }
0x16: {  	s16 =	smov.u32 @p2 s12  }
0x17: {  	s14 =	simm.s32 @p2 $0x0;
	p2 =	sgt.s32 s16, $0x3FFF  }
0x18: {  	s16 =	smov.u32 @p2 s2;
	p2 =	sne.s32 s11, s7  }
.Ltmp1:
0x19: {  	p1 =	slt.u32 s11, $0x2;
	(pc) =	sbr.rel @!p2 .LBB1_6-.Ltmp1, $4  }
0x1a: {  	s15 =	simm.s32 @!p1 $0x2  }
0x1b: {  	s13 =	smov.u32 s10;
	p0 =	por !p0, !p0;
	_ =	swait.ge @!p1 [sflag:s15], $0x2000  }
0x1c: {  	s12 =	smov.u32 s9;
	[sflag:s15] =	ssyncset.done @!p1 $0x0;
	s9 =	smov.u32 s14  }
0x1d: {  	s11 =	sadd.s32 $0x1, s11;
	[sflag:s15] =	ssyncadd.s32 @!p1 $0xFFFFE000;
	s10 =	smov.u32 s16  }
.LBB1_1:
0x1e: {  	p1 =	sge.u32 s11, s5  }
0x1f: {  	s14 =	sand.u32 @!p1 $0x1FFFFFF, s9  }
0x20: {  	s15 =	smulhi.u32 @!p1 $0x4924925, s14;
	_ =	sdelay $0x1  }
0x21: {  	s15 =	smul.u32 @!p1 $0x38, s15  }
0x22: {  	s16 =	sxor.u32 @!p1 $0xFFFFFFFF, s11;
	s17 =	smul.u32 @!p1 $0x380, s10  }
0x23: {  	s31 =	sadd.s32 $0xFFFFFFFF, s11;
	s16 =	sshll.u32 @!p1 s16, $0xD;
	s14 =	ssub.s32 @!p1 s14, s15  }
0x24: {  	s15 =	sand.u32 @!p1 $0x2000, s16;
	s16 =	sadd.s32 @!p1 s6, s17;
	s14 =	sshll.u32 @!p1 s14, $0x4  }
0x25: {  	s17 =	simm.s32 @!p1 $0x1C00;
	s14 =	sadd.s32 @!p1 s14, s16;
	s16 =	simm.s32 @!p1 $0x40  }
0x26: {  	[tilespmem:s15], [sflag:$0x1] =	stream.strided.gather @!p1 [hbm4b:s14+s16], $0x2000, s17, s16, $0x38;
	[tilespmem:$0x8080] =	vst v63  }
0x27: {  	p1 =	sge.u32 s31, s5  }
.Ltmp2:
0x28: {  	_ = 	snop;
	(pc) =	sbr.rel @p1 .LBB1_5-.Ltmp2, $1  }
0x29: {  	_ =	sdelay $0x3  }
0x2a: {  	s14 =	simm.s32 $0x1  }
0x2b: {  	_ =	swait.ge [sflag:s4], $0x2000;
	s14 =	simm.s32 @!p0 $0x0  }
0x2c: {  	[sflag:s4] =	ssyncset.done $0x0;
	s15 =	sshll.u32 s14, $0xD  }
0x2d: {  	[sflag:s4] =	ssyncadd.s32 $0xFFFFE000;
	s18 =	sor.u32 $0x20, s15  }
0x2e: {  	s14 =	smul.u32 $0x8100, s14;
	v3 =	vld [tilespmem:s18+$0x10]  }
0x2f: {  	s30 =	sand.u32 $0x1, s11;
	v2 =	vld [tilespmem:s18+$0xFFFFFFF0]  }
0x30: {  	s15 =	smul.u32 $0x8100, s30;
	s14 =	sshrl.u32 s14, $0x2;
	v0 =	vld [tilespmem:s18+$0x0]  }
0x31: {  	v1 =	vld [tilespmem:s18+$0xFFFFFFE0];
	s16 =	sor.u32 $0x4000, s14  }
0x32: {  	s31 =	sshrl.u32 s15, $0x2;
	s15 =	sadd.s32 $0x0, s16  }
0x33: {  	s17 =	simm.s32 $0x4;
	s18 =	sadd.s32 $0x40, s18;
	s14 =	sor.u32 $0x4000, s31;
	[tilespmem:s15+$0x1830 ss:$0x81] =	vst.msk $0xffff, v3  }
.LBB1_3:
0x34: {  	v3 =	vld [tilespmem:s18+$0x10];
	p1 =	sne.s32 s17, $0x1FC;
	[tilespmem:s15+$0x810 ss:$0x81] =	vst.msk $0xffff, v2;
	s19 =	smov.u32 s17;
	s17 =	sadd.s32 $0x4, s17  }
.Ltmp3:
0x35: {  	v2 =	vld [tilespmem:s18+$0xFFFFFFF0];
	[tilespmem:s15+$0x1020 ss:$0x81] =	vst.msk $0xffff, v0;
	(pc) =	sbr.rel @p1 .LBB1_3-.Ltmp3, $4  }
0x36: {  	v0 =	vld [tilespmem:s18+$0x0];
	[tilespmem:s15+$0x0 ss:$0x81] =	vst.msk $0xffff, v1  }
0x37: {  	s15 =	sshra.s32 s19, $0x2;
	v1 =	vld [tilespmem:s18+$0xFFFFFFE0]  }
0x38: {  	s15 =	sadd.s32 s15, s16  }
0x39: {  	s18 =	sadd.s32 $0x40, s18;
	[tilespmem:s15+$0x1830 ss:$0x81] =	vst.msk $0xffff, v3  }
.Ltmp4:
0x3a: {  	_ = 	snop;
	(pc) =	sbr.rel .LBB1_4-.Ltmp4, $1  }
0x3b: {  	_ =	sdelay $0x3  }
.LBB1_6:
0x3c: {  	_ =	sfence.sel $0x180000  }
0x3d: {  	s2 =	simm.s32 $0x1;
	[bflag:$0x0] =	sbarrier.arrive $0xFFFF  }
0x3e: {  	s31 =	simm.s32 $0x2;
	[sflag:s2] =	ssyncpa.u1 $0x1  }
0x3f: {  	[sflag:s31] =	ssyncpa.u1 $0x1  }
0x40: {  	p0 =	sne.s32 s0, $0x0;
	_ =	strace $0x9000004D  }
0x41: {  	s0 =	sadd.s32 @!p0 $0x100000, s1;
	[bflag:$0x2] =	sbarrier.arrive $0xFFFF  }
0x42: {  	[sflag:s0] =	ssyncadd.tile.s32 @!p0 $0x1;
	_ =	shalt  }
.Lfunc_end1:
_tile_overlayer_lowered:
.L_overlay_start_2:
0x43: {  	(tag) =	ssettag $0x2  }
0x44: {  	s0 =	rddreg [dreg:$0x0];
	s2 =	stileid.u32  }
0x45: {  	s1 =	rddreg [dreg:$0x1];
	p0 =	sne.s32 s2, $0x0  }
0x46: {  	s3 =	rddreg [dreg:$0x2];
	[bflag:$0x3] =	sbarrier.arrive $0xFFFF;
	s2 =	simm.s32 @!p0 $0x1C01  }
0x47: {  	[timem:s3], [sflag:s2] =	dma.local @!p0 [hbm:s0], s1  }
0x48: {  	s0 =	simm.s32 @!p0 $0x1  }
0x49: {  	_ =	swait.ge @!p0 [sflag:s0], s1  }
0x4a: {  	s1 =	ssub.s32 @!p0 $0x0, s1;
	[sflag:s0] =	ssyncset.done @!p0 $0x0  }
0x4b: {  	[sflag:s0] =	ssyncadd.s32 @!p0 s1  }
0x4c: {  	[bflag:$0x3] =	sbarrier.arrive $0xFFFF  }
0x4d: {  	_ =	shalt  }

</sc_bundles>
